<compile_context>
chip_gen: v7x
topology: tpu7x:2x2x1
jax: 0.10.2.dev20260603
libtpu: 0.0.44.dev20260713+nightly
codegen_flags: <defaults>
</compile_context>

<pallas_src>
import functools

import jax
import jax.numpy as jnp
from jax import lax
from jax.experimental import pallas as pl
from jax.experimental.pallas import tpu as pltpu
from jax.experimental.pallas import tpu_sc as plsc

_B, _N, _CIN = 8, 4096, 64
_S, _K = 512, 32
_RADIUS = 0.2
_SB = 256
_FCW = 512
_CNT = _B * _S * _K



def _fps_body(x_ref, y_ref, z_ref, cx_ref, cy_ref, cz_ref, d_ref):
    ncw = _N // _FCW
    l_c = lax.broadcasted_iota(jnp.int32, (_B, _FCW), 1)
    slane = lax.broadcasted_iota(jnp.int32, (_B, _S), 1)
    for c in range(ncw):
        d_ref[:, c * _FCW:(c + 1) * _FCW] = jnp.full((_B, _FCW), 1e10,
                                                     jnp.float32)

    def step(i, carry):
        far, cxs, cys, czs = carry
        xacc = jnp.zeros((_B, _FCW), jnp.float32)
        yacc = jnp.zeros((_B, _FCW), jnp.float32)
        zacc = jnp.zeros((_B, _FCW), jnp.float32)
        for c in range(ncw):
            sl = pl.ds(c * _FCW, _FCW)
            m = l_c == far - c * _FCW
            xacc += jnp.where(m, x_ref[:, sl], 0.0)
            yacc += jnp.where(m, y_ref[:, sl], 0.0)
            zacc += jnp.where(m, z_ref[:, sl], 0.0)
        cx = jnp.sum(xacc, 1, keepdims=True)
        cy = jnp.sum(yacc, 1, keepdims=True)
        cz = jnp.sum(zacc, 1, keepdims=True)
        sm = slane == i
        cxs = jnp.where(sm, cx, cxs)
        cys = jnp.where(sm, cy, cys)
        czs = jnp.where(sm, cz, czs)
        macc = jnp.full((_B, _FCW), -1.0, jnp.float32)
        ds_list = []
        for c in range(ncw):
            sl = pl.ds(c * _FCW, _FCW)
            d = ((x_ref[:, sl] - cx) ** 2 + (y_ref[:, sl] - cy) ** 2
                 + (z_ref[:, sl] - cz) ** 2)
            ds = jnp.minimum(d_ref[:, sl], d)
            d_ref[:, sl] = ds
            ds_list.append(ds)
            macc = jnp.maximum(macc, ds)
        mx = jnp.max(macc, axis=1, keepdims=True)
        iacc = jnp.full((_B, _FCW), _N, jnp.int32)
        for c in range(ncw):
            iacc = jnp.minimum(
                iacc, jnp.where(ds_list[c] == mx, l_c + c * _FCW, _N))
        far = jnp.min(iacc, axis=1, keepdims=True)
        return far, cxs, cys, czs

    zc = jnp.zeros((_B, _S), jnp.float32)
    init = (jnp.zeros((_B, 1), jnp.int32), zc, zc, zc)
    _, cxs, cys, czs = lax.fori_loop(0, _S, step, init)
    cx_ref[...] = cxs
    cy_ref[...] = cys
    cz_ref[...] = czs


def _fps(coords):
    x = coords[:, 0, :]
    y = coords[:, 1, :]
    z = coords[:, 2, :]
    cx, cy, cz = pl.pallas_call(
        _fps_body,
        out_shape=[jax.ShapeDtypeStruct((_B, _S), jnp.float32)] * 3,
        scratch_shapes=[pltpu.VMEM((_B, _N), jnp.float32)],
    )(x, y, z)
    return jnp.stack([cx, cy, cz], axis=1)



def _ballq_body(c_ref, p_ref, o_ref):
    c = c_ref[0]
    p = p_ref[0]
    cx, cy, cz = c[:, 0:1], c[:, 1:2], c[:, 2:3]
    x, y, z = p[0:1], p[1:2], p[2:3]
    cn = (cx * cx + cy * cy) + cz * cz
    pn = (x * x + y * y) + z * z
    dp = jnp.dot(c.astype(jnp.bfloat16), p.astype(jnp.bfloat16),
                 preferred_element_type=jnp.float32)
    thr = (cn - _RADIUS * _RADIUS) + pn
    mask = (2.0 * dp >= thr).astype(jnp.int32)
    w = jnp.zeros((_SB, 128), jnp.int32)
    for j in range(_N // 128):
        w = w | (mask[:, j * 128:(j + 1) * 128] << j)
    l128 = lax.broadcasted_iota(jnp.int32, (_SB, 128), 1)
    cols = []
    for _ in range(_K):
        t = w & (-w)
        jj = lax.population_count(t - 1)
        val = jnp.where(w != 0, jj * 128 + l128, _N)
        nmin = jnp.min(val, axis=1, keepdims=True)
        cols.append(nmin)
        sh = jnp.minimum(nmin >> 7, 31)
        bit = jnp.where(nmin < _N, jnp.int32(1) << sh, 0)
        w = jnp.where(l128 == (nmin & 127), w & ~bit, w)
    nidx = jnp.concatenate(cols, axis=1)
    first = nidx[:, 0:1]
    o_ref[0] = jnp.where(nidx == _N, first, nidx)


def _ball_query(c_bsc, coords):
    grid = (_B, _S // _SB)
    return pl.pallas_call(
        _ballq_body,
        grid=grid,
        in_specs=[
            pl.BlockSpec((1, _SB, 3), lambda b, s: (b, s, 0)),
            pl.BlockSpec((1, 3, _N), lambda b, s: (b, 0, 0)),
        ],
        out_specs=pl.BlockSpec((1, _SB, _K), lambda b, s: (b, s, 0)),
        out_shape=jax.ShapeDtypeStruct((_B, _S, _K), jnp.int32),
    )(c_bsc, coords)



def _prep_body(ft_ref, pt_ref, c_ref, wf_ref, wc_ref, b1_ref, yt_ref, zt_ref):
    ft = ft_ref[0]
    pt = pt_ref[0]
    c = c_ref[0]
    wf = wf_ref[...]
    wc = wc_ref[...]
    b1 = b1_ref[...]
    yt = jnp.dot(ft, wf, preferred_element_type=jnp.float32)
    yt = yt + jnp.dot(pt, wc, preferred_element_type=jnp.float32)
    yt_ref[0] = yt + b1
    zt_ref[0] = jnp.dot(c, wc, preferred_element_type=jnp.float32)[:, :64]


def _prep(ft, pt, c_bsc, W1, b1):
    wf = jnp.zeros((_CIN, 128), jnp.float32).at[:, :64].set(
        jnp.transpose(W1[:, 3:], (1, 0)))
    wc = jnp.zeros((3, 128), jnp.float32).at[:, :64].set(
        jnp.transpose(W1[:, :3], (1, 0)))
    b1r = jnp.zeros((1, 128), jnp.float32).at[:, :64].set(b1[None, :])
    return pl.pallas_call(
        _prep_body,
        grid=(_B,),
        in_specs=[
            pl.BlockSpec((1, _N, _CIN), lambda b: (b, 0, 0)),
            pl.BlockSpec((1, _N, 3), lambda b: (b, 0, 0)),
            pl.BlockSpec((1, _S, 3), lambda b: (b, 0, 0)),
            pl.BlockSpec((_CIN, 128), lambda b: (0, 0)),
            pl.BlockSpec((3, 128), lambda b: (0, 0)),
            pl.BlockSpec((1, 128), lambda b: (0, 0)),
        ],
        out_specs=[
            pl.BlockSpec((1, _N, 128), lambda b: (b, 0, 0)),
            pl.BlockSpec((1, _S, 64), lambda b: (b, 0, 0)),
        ],
        out_shape=[
            jax.ShapeDtypeStruct((_B, _N, 128), jnp.float32),
            jax.ShapeDtypeStruct((_B, _S, 64), jnp.float32),
        ],
    )(ft, pt, c_bsc, wf, wc, b1r)



_NC, _NS = 2, 16
_NW = _NC * _NS
_BPW = _CNT // _NW
_CH = 512


def _sc_gather_body(table_hbm, idx_hbm, out_hbm, idx_v, rows_v, sem):
    wid = lax.axis_index("s") * _NC + lax.axis_index("c")

    def body(c, carry):
        base = wid * _BPW + c * _CH
        pltpu.sync_copy(idx_hbm.at[pl.ds(base, _CH)], idx_v)
        pltpu.async_copy(table_hbm.at[idx_v], rows_v, sem).wait()
        pltpu.sync_copy(rows_v, out_hbm.at[pl.ds(base, _CH)])
        return carry

    lax.fori_loop(0, _BPW // _CH, body, 0)


def _sc_gather(table, flat_idx):
    mesh = plsc.VectorSubcoreMesh(core_axis_name="c", subcore_axis_name="s")
    fn = functools.partial(
        pl.kernel,
        mesh=mesh,
        out_type=jax.ShapeDtypeStruct((_CNT, 128), jnp.float32),
        scratch_types=[
            pltpu.VMEM((_CH,), jnp.int32),
            pltpu.VMEM((_CH, 128), jnp.float32),
            pltpu.SemaphoreType.DMA,
        ],
    )(_sc_gather_body)
    return fn(table, flat_idx)



_NT = _CNT // 4096
_CPT = 4096 // _K


def _stats_body(xg_ref, zt_ref, s_ref, ss_ref):
    t = pl.program_id(0)
    xg = xg_ref[...][:, :64].reshape(_CPT, _K, 64)
    x1 = (xg - zt_ref[...][:, None, :]).reshape(4096, 64)

    @pl.when(t == 0)
    def _init():
        s_ref[...] = jnp.zeros_like(s_ref)
        ss_ref[...] = jnp.zeros_like(ss_ref)

    s_ref[...] += jnp.sum(x1, axis=0, keepdims=True)
    ss_ref[...] += jnp.sum(x1 * x1, axis=0, keepdims=True)


def _stats(xg, zt_full):
    return pl.pallas_call(
        _stats_body,
        grid=(_NT,),
        in_specs=[
            pl.BlockSpec((4096, 128), lambda t: (t, 0)),
            pl.BlockSpec((_CPT, 64), lambda t: (t, 0)),
        ],
        out_specs=[
            pl.BlockSpec((1, 64), lambda t: (0, 0)),
            pl.BlockSpec((1, 64), lambda t: (0, 0)),
        ],
        out_shape=[
            jax.ShapeDtypeStruct((1, 64), jnp.float32),
            jax.ShapeDtypeStruct((1, 64), jnp.float32),
        ],
    )(xg, zt_full)



def _main_body(xg_ref, zt_ref, sc1_ref, of1_ref, w2t_ref, b2_ref,
               u_ref, s1_ref, g_ref):
    t = pl.program_id(0)
    xg = xg_ref[...][:, :64].reshape(_CPT, _K, 64)
    x1 = (xg - zt_ref[...][:, None, :]).reshape(4096, 64)
    x1n = jnp.maximum(x1 * sc1_ref[...] + of1_ref[...], 0.0)
    x2 = jnp.dot(x1n, w2t_ref[...], preferred_element_type=jnp.float32)
    x2 = x2 + b2_ref[...]
    u_ref[...] = jnp.max(x2.reshape(_CPT, _K, 128), axis=1)

    @pl.when(t == 0)
    def _init():
        s1_ref[...] = jnp.zeros_like(s1_ref)
        g_ref[...] = jnp.zeros_like(g_ref)

    s1_ref[...] += jnp.sum(x1n, axis=0, keepdims=True)
    g_ref[...] += lax.dot_general(x1n, x1n, (((0,), (0,)), ((), ())),
                                  preferred_element_type=jnp.float32)


def _main(xg, zt_full, scale1, off1, W2, b2):
    w2t = jnp.transpose(W2, (1, 0))
    return pl.pallas_call(
        _main_body,
        grid=(_NT,),
        in_specs=[
            pl.BlockSpec((4096, 128), lambda t: (t, 0)),
            pl.BlockSpec((_CPT, 64), lambda t: (t, 0)),
            pl.BlockSpec((1, 64), lambda t: (0, 0)),
            pl.BlockSpec((1, 64), lambda t: (0, 0)),
            pl.BlockSpec((64, 128), lambda t: (0, 0)),
            pl.BlockSpec((1, 128), lambda t: (0, 0)),
        ],
        out_specs=[
            pl.BlockSpec((_CPT, 128), lambda t: (t, 0)),
            pl.BlockSpec((1, 64), lambda t: (0, 0)),
            pl.BlockSpec((64, 64), lambda t: (0, 0)),
        ],
        out_shape=[
            jax.ShapeDtypeStruct((_B * _S, 128), jnp.float32),
            jax.ShapeDtypeStruct((1, 64), jnp.float32),
            jax.ShapeDtypeStruct((64, 64), jnp.float32),
        ],
    )(xg, zt_full, scale1[None, :], off1[None, :], w2t, b2[None, :])



def _final_body(u_ref, sc2_ref, of2_ref, o_ref):
    o_ref[...] = jnp.maximum(u_ref[...] * sc2_ref[...] + of2_ref[...], 0.0)


def _final(u, scale2, off2):
    return pl.pallas_call(
        _final_body,
        grid=(_NT,),
        in_specs=[
            pl.BlockSpec((_CPT, 128), lambda t: (t, 0)),
            pl.BlockSpec((1, 128), lambda t: (0, 0)),
            pl.BlockSpec((1, 128), lambda t: (0, 0)),
        ],
        out_specs=pl.BlockSpec((_CPT, 128), lambda t: (t, 0)),
        out_shape=jax.ShapeDtypeStruct((_B * _S, 128), jnp.float32),
    )(u, scale2[None, :], off2[None, :])



def _pipeline(features, coords, W1, b1, g1, be1, W2, b2, g2, be2, gather_fn):
    centers_coords = _fps(coords)
    c_bsc = jnp.transpose(centers_coords, (0, 2, 1))
    nidx = _ball_query(c_bsc, coords)

    ft = jnp.transpose(features, (0, 2, 1))
    pt = jnp.transpose(coords, (0, 2, 1))
    yt, zt = _prep(ft, pt, c_bsc, W1, b1)

    flat_idx = (nidx + (jnp.arange(_B, dtype=jnp.int32) * _N)[:, None, None])
    flat_idx = flat_idx.reshape(_CNT)
    table = yt.reshape(_B * _N, 128)
    xg = gather_fn(table, flat_idx)

    zt_full = zt.reshape(_B * _S, 64)
    ssum, ssq = _stats(xg, zt_full)
    cnt = jnp.float32(_CNT)
    m1 = ssum[0] / cnt
    v1 = ssq[0] / cnt - m1 * m1
    scale1 = g1 / jnp.sqrt(v1 + 1e-5)
    off1 = be1 - m1 * scale1

    u, s1, g = _main(xg, zt_full, scale1, off1, W2, b2)
    mean1n = s1[0] / cnt
    m2 = jnp.dot(W2, mean1n) + b2
    e2 = (jnp.sum((jnp.dot(W2, g)) * W2, axis=1)
          + 2.0 * b2 * jnp.dot(W2, s1[0]) + cnt * b2 * b2) / cnt
    v2 = e2 - m2 * m2
    scale2 = g2 / jnp.sqrt(v2 + 1e-5)
    off2 = be2 - m2 * scale2

    o = _final(u, scale2, off2)
    out = jnp.transpose(o.reshape(_B, _S, 128), (0, 2, 1))
    return (out, centers_coords)


def kernel(features, coords, W1, b1, g1, be1, W2, b2, g2, be2):
    return _pipeline(features, coords, W1, b1, g1, be1, W2, b2, g2, be2,
                     _sc_gather)

# --- scband reference (transcript-rebuilt; emitter-appended) ---
"""Pipeline reference for scband-point-net-samodule-34754875359388 (READ-ONLY COPY).

The authoritative reference and input builder live on the scoring server;
editing this copy changes nothing except your own understanding.
"""

import jax, jax.numpy as jnp
import numpy as np

B = 8
N = 4096
C_IN = 64
NUM_CENTERS = 512
RADIUS = 0.2
K = 32

def furthest_point_sampling(coords, num_centers):
    xyz = jnp.transpose(coords, (0, 2, 1))
    Bb, Nn, _ = xyz.shape
    def body(carry, _):
        dists, farthest = carry
        centroid = jnp.take_along_axis(xyz, farthest[:, None, None], axis=1)
        d = jnp.sum((xyz - centroid) ** 2, axis=-1)
        dists = jnp.minimum(dists, d)
        nxt = jnp.argmax(dists, axis=-1).astype(jnp.int32)
        return (dists, nxt), farthest
    init = (jnp.full((Bb, Nn), 1e10, dtype=xyz.dtype), jnp.zeros((Bb,), jnp.int32))
    _, idx = jax.lax.scan(body, init, None, length=num_centers)
    return jnp.transpose(idx, (1, 0))

def ball_query(centers_coords, points_coords, radius, k):
    centers = jnp.transpose(centers_coords, (0, 2, 1))
    points = jnp.transpose(points_coords, (0, 2, 1))
    Bb, S, _ = centers.shape
    Nn = points.shape[1]
    sq = (jnp.sum(centers ** 2, -1)[:, :, None] + jnp.sum(points ** 2, -1)[:, None, :]
          - 2.0 * jnp.einsum('bsd,bnd->bsn', centers, points))
    gidx = jnp.broadcast_to(jnp.arange(Nn, dtype=jnp.int32), (Bb, S, Nn))
    gidx = jnp.where(sq > radius * radius, Nn, gidx)
    gidx = jnp.sort(gidx, axis=-1)[:, :, :k]
    first = gidx[:, :, 0:1]
    gidx = jnp.where(gidx == Nn, first, gidx)
    return gidx

def grouping(x, idx):
    Bb, C, Nn = x.shape
    S, Kk = idx.shape[1], idx.shape[2]
    flat = jnp.broadcast_to(idx.reshape(Bb, 1, S * Kk), (Bb, C, S * Kk))
    return jnp.take_along_axis(x, flat, axis=2).reshape(Bb, C, S, Kk)

def shared_mlp(x, params):
    for (W, b, gamma, beta) in params:
        x = jnp.einsum('oc,bcsk->bosk', W, x) + b[None, :, None, None]
        mean = jnp.mean(x, axis=(0, 2, 3), keepdims=True)
        var = jnp.var(x, axis=(0, 2, 3), keepdims=True)
        x = (x - mean) / jnp.sqrt(var + 1e-5)
        x = gamma[None, :, None, None] * x + beta[None, :, None, None]
        x = jax.nn.relu(x)
    return x

def setup_inputs(seed: int = 0):
    key = jax.random.key(seed)
    ks = jax.random.split(key, 8)
    features = jax.random.normal(ks[0], (B, C_IN, N), dtype=jnp.float32)
    coords = jax.random.uniform(ks[1], (B, 3, N), dtype=jnp.float32)
    W1 = jax.random.normal(ks[2], (64, C_IN + 3), dtype=jnp.float32) * 0.05
    b1 = jnp.zeros((64,), jnp.float32)
    g1 = jnp.ones((64,), jnp.float32)
    be1 = jnp.zeros((64,), jnp.float32)
    W2 = jax.random.normal(ks[3], (128, 64), dtype=jnp.float32) * 0.05
    b2 = jnp.zeros((128,), jnp.float32)
    g2 = jnp.ones((128,), jnp.float32)
    be2 = jnp.zeros((128,), jnp.float32)
    return {"features": features, "coords": coords, "W1": W1, "b1": b1, "g1": g1, "be1": be1, "W2": W2, "b2": b2, "g2": g2, "be2": be2}

def reference(features, coords, W1, b1, g1, be1, W2, b2, g2, be2):
    centers_idx = furthest_point_sampling(coords, NUM_CENTERS)
    bidx = jnp.broadcast_to(centers_idx[:, None, :], (coords.shape[0], 3, NUM_CENTERS))
    centers_coords = jnp.take_along_axis(coords, bidx, axis=2)
    nidx = ball_query(centers_coords, coords, RADIUS, K)
    ncoords = grouping(coords, nidx) - centers_coords[:, :, :, None]
    nfeat = grouping(features, nidx)
    x = jnp.concatenate([ncoords, nfeat], axis=1)
    x = shared_mlp(x, [(W1, b1, g1, be1), (W2, b2, g2, be2)])
    out = jnp.max(x, axis=-1)
    return (out, centers_coords)

if __name__ == "__main__":
    import jax
    _d = setup_inputs()
    print(jax.jit(kernel)(*tuple(_d.values())))

</pallas_src>

<mosaic_0001>
#map = affine_map<(d0, d1) -> (0, 0)>
#map1 = affine_map<(d0, d1) -> (0)>
module attributes {stable_mosaic.version = 14 : i64} {
  func.func @_sc_gather_body(%arg0: i32, %arg1: i32, %arg2: memref<32768x128xf32, #tpu.memory_space<hbm>>, %arg3: memref<131072xi32, #tpu.memory_space<hbm>>, %arg4: memref<131072x128xf32, #tpu.memory_space<hbm>>, %arg5: memref<512xi32, #tpu.memory_space<vmem>>, %arg6: memref<512x128xf32, #tpu.memory_space<vmem>>, %arg7: memref<!tpu.dma_semaphore, #tpu.memory_space<semaphore_mem>>) attributes {dimension_semantics = [#tpu.dimension_semantics<core_parallel>, #tpu.dimension_semantics<subcore_parallel>], iteration_bounds = array<i64: 2, 16>, scalar_prefetch = 0 : i64, scratch_operands = 3 : i64, tpu.core_type = #tpu.core_type<sc_vector_subcore>, window_params = [{transform_indices = #map}, {transform_indices = #map1}, {transform_indices = #map}]} {
    %mul3A = arith.constant 2 : i32
    %mul3A_0 = arith.muli %arg1, %mul3A : i32
    %add3A = arith.addi %mul3A_0, %arg0 : i32
    %scan3A = arith.constant 0 : i32
    %scan3A_1 = arith.constant 0 : i32
    %scan3A_2 = arith.constant 8 : i32
    %scan3A_3 = arith.addi %scan3A_1, %scan3A_2 : i32
    %scan3A_4 = arith.constant 1 : i32
    scf.for %scan3A_6 = %scan3A_1 to %scan3A_3 step %scan3A_4  : i32 {
      %mul3A_7 = arith.constant 4096 : i32
      %mul3A_8 = arith.muli %add3A, %mul3A_7 : i32
      %mul3A_9 = arith.constant 512 : i32
      %mul3A_10 = arith.muli %scan3A_6, %mul3A_9 : i32
      %add3A_11 = arith.addi %mul3A_8, %mul3A_10 : i32
      "tpu.region"() ({
        %run_scoped3A = tpu.sem_alloc : memref<!tpu.dma_semaphore, #tpu.memory_space<semaphore_mem>>
        %dma_start3A_16 = tpu.memref_slice %arg3[%add3A_11] : memref<131072xi32, #tpu.memory_space<hbm>> -> memref<512xi32, #tpu.memory_space<hbm>>
        %dma_start3A_17 = tpu.memref_slice %arg3[%add3A_11] : memref<131072xi32, #tpu.memory_space<hbm>> -> memref<512xi32, #tpu.memory_space<hbm>>
        tpu.enqueue_dma source(%dma_start3A_17 : memref<512xi32, #tpu.memory_space<hbm>>) target(%arg5 : memref<512xi32, #tpu.memory_space<vmem>>) target_semaphore(%run_scoped3A : memref<!tpu.dma_semaphore, #tpu.memory_space<semaphore_mem>>)
        %dma_wait3A_18 = tpu.memref_slice %arg3[%add3A_11] : memref<131072xi32, #tpu.memory_space<hbm>> -> memref<512xi32, #tpu.memory_space<hbm>>
        %dma_wait3A_19 = tpu.memref_slice %arg3[%add3A_11] : memref<131072xi32, #tpu.memory_space<hbm>> -> memref<512xi32, #tpu.memory_space<hbm>>
        tpu.wait_dma2 semaphore(%run_scoped3A : memref<!tpu.dma_semaphore, #tpu.memory_space<semaphore_mem>>) src(%dma_wait3A_19 : memref<512xi32, #tpu.memory_space<hbm>>) dst(%arg5 : memref<512xi32, #tpu.memory_space<vmem>>)
        tpu.yield
      }) : () -> ()
      %dma_start3A = arith.constant 0 : i32
      %dma_start3A_12 = arith.constant 0 : i32
      %dma_start3A_13 = tpu.memref_slice %arg2[%dma_start3A, %dma_start3A_12] : memref<32768x128xf32, #tpu.memory_space<hbm>> -> memref<32768x128xf32, #tpu.memory_space<hbm>>
      tpu.enqueue_indirect_dma source(%dma_start3A_13 : memref<32768x128xf32, #tpu.memory_space<hbm>>) target(%arg6 : memref<512x128xf32, #tpu.memory_space<vmem>>) offsets(%arg5 : memref<512xi32, #tpu.memory_space<vmem>>) semaphore(%arg7 : memref<!tpu.dma_semaphore, #tpu.memory_space<semaphore_mem>>)
      %dma_wait3A = arith.constant 0 : i32
      %dma_wait3A_14 = arith.constant 0 : i32
      %dma_wait3A_15 = tpu.memref_slice %arg2[%dma_wait3A, %dma_wait3A_14] : memref<32768x128xf32, #tpu.memory_space<hbm>> -> memref<32768x128xf32, #tpu.memory_space<hbm>>
      tpu.wait_indirect_dma semaphore(%arg7 : memref<!tpu.dma_semaphore, #tpu.memory_space<semaphore_mem>>) src(%dma_wait3A_15 : memref<32768x128xf32, #tpu.memory_space<hbm>>) dst(%arg6 : memref<512x128xf32, #tpu.memory_space<vmem>>)
      "tpu.region"() ({
        %run_scoped3A = tpu.sem_alloc : memref<!tpu.dma_semaphore, #tpu.memory_space<semaphore_mem>>
        %dma_start3A_16 = arith.constant 0 : i32
        %dma_start3A_17 = tpu.memref_slice %arg4[%add3A_11, %dma_start3A_16] : memref<131072x128xf32, #tpu.memory_space<hbm>> -> memref<512x128xf32, #tpu.memory_space<hbm>>
        %dma_start3A_18 = arith.constant 0 : i32
        %dma_start3A_19 = tpu.memref_slice %arg4[%add3A_11, %dma_start3A_18] : memref<131072x128xf32, #tpu.memory_space<hbm>> -> memref<512x128xf32, #tpu.memory_space<hbm>>
        tpu.enqueue_dma source(%arg6 : memref<512x128xf32, #tpu.memory_space<vmem>>) target(%dma_start3A_19 : memref<512x128xf32, #tpu.memory_space<hbm>>) target_semaphore(%run_scoped3A : memref<!tpu.dma_semaphore, #tpu.memory_space<semaphore_mem>>)
        %dma_wait3A_20 = arith.constant 0 : i32
        %dma_wait3A_21 = tpu.memref_slice %arg4[%add3A_11, %dma_wait3A_20] : memref<131072x128xf32, #tpu.memory_space<hbm>> -> memref<512x128xf32, #tpu.memory_space<hbm>>
        %dma_wait3A_22 = arith.constant 0 : i32
        %dma_wait3A_23 = tpu.memref_slice %arg4[%add3A_11, %dma_wait3A_22] : memref<131072x128xf32, #tpu.memory_space<hbm>> -> memref<512x128xf32, #tpu.memory_space<hbm>>
        tpu.wait_dma2 semaphore(%run_scoped3A : memref<!tpu.dma_semaphore, #tpu.memory_space<semaphore_mem>>) src(%arg6 : memref<512x128xf32, #tpu.memory_space<vmem>>) dst(%dma_wait3A_23 : memref<512x128xf32, #tpu.memory_space<hbm>>)
        tpu.yield
      }) : () -> ()
    }
    %scan3A_5 = arith.constant 8 : i32
    return
  }
}

module attributes {stable_mosaic.version = 14 : i64} {
  func.func @_fps_body(%arg0: memref<8x4096xf32, #tpu.memory_space<vmem>>, %arg1: memref<8x4096xf32, #tpu.memory_space<vmem>>, %arg2: memref<8x4096xf32, #tpu.memory_space<vmem>>, %arg3: memref<8x512xf32, #tpu.memory_space<vmem>>, %arg4: memref<8x512xf32, #tpu.memory_space<vmem>>, %arg5: memref<8x512xf32, #tpu.memory_space<vmem>>, %arg6: memref<8x4096xf32, #tpu.memory_space<vmem>>) attributes {dimension_semantics = [], scalar_prefetch = 0 : i64, scratch_operands = 1 : i64, tpu.core_type = #tpu.core_type<tc>} {
    %iota3A = tpu.iota {dimensions = array<i32: 1>} : vector<8x512xi32>
    %iota3A_0 = tpu.iota {dimensions = array<i32: 1>} : vector<8x512xi32>
    %broadcast_in_dim3A = arith.constant 1.000000e+10 : f32
    %broadcast_in_dim3A_1 = vector.broadcast %broadcast_in_dim3A : f32 to vector<8x512xf32>
    %swap3A = arith.constant 0 : index
    %swap3A_2 = arith.constant 0 : index
    %swap3A_3 = vector.load %arg6[%swap3A, %swap3A_2] : memref<8x4096xf32, #tpu.memory_space<vmem>>, vector<8x512xf32>
    tpu.vector_store %arg6[%swap3A, %swap3A_2], %broadcast_in_dim3A_1 {strides = array<i32>} : memref<8x4096xf32, #tpu.memory_space<vmem>>, vector<8x512xf32>,
    %broadcast_in_dim3A_4 = arith.constant 1.000000e+10 : f32
    %broadcast_in_dim3A_5 = vector.broadcast %broadcast_in_dim3A_4 : f32 to vector<8x512xf32>
    %swap3A_6 = arith.constant 0 : index
    %swap3A_7 = arith.constant 512 : index
    %swap3A_8 = vector.load %arg6[%swap3A_6, %swap3A_7] : memref<8x4096xf32, #tpu.memory_space<vmem>>, vector<8x512xf32>
    tpu.vector_store %arg6[%swap3A_6, %swap3A_7], %broadcast_in_dim3A_5 {strides = array<i32>} : memref<8x4096xf32, #tpu.memory_space<vmem>>, vector<8x512xf32>,
    %broadcast_in_dim3A_9 = arith.constant 1.000000e+10 : f32
    %broadcast_in_dim3A_10 = vector.broadcast %broadcast_in_dim3A_9 : f32 to vector<8x512xf32>
    %swap3A_11 = arith.constant 0 : index
    %swap3A_12 = arith.constant 1024 : index
    %swap3A_13 = vector.load %arg6[%swap3A_11, %swap3A_12] : memref<8x4096xf32, #tpu.memory_space<vmem>>, vector<8x512xf32>
    tpu.vector_store %arg6[%swap3A_11, %swap3A_12], %broadcast_in_dim3A_10 {strides = array<i32>} : memref<8x4096xf32, #tpu.memory_space<vmem>>, vector<8x512xf32>,
    %broadcast_in_dim3A_14 = arith.constant 1.000000e+10 : f32
    %broadcast_in_dim3A_15 = vector.broadcast %broadcast_in_dim3A_14 : f32 to vector<8x512xf32>
    %swap3A_16 = arith.constant 0 : index
    %swap3A_17 = arith.constant 1536 : index
    %swap3A_18 = vector.load %arg6[%swap3A_16, %swap3A_17] : memref<8x4096xf32, #tpu.memory_space<vmem>>, vector<8x512xf32>
    tpu.vector_store %arg6[%swap3A_16, %swap3A_17], %broadcast_in_dim3A_15 {strides = array<i32>} : memref<8x4096xf32, #tpu.memory_space<vmem>>, vector<8x512xf32>,
    %broadcast_in_dim3A_19 = arith.constant 1.000000e+10 : f32
    %broadcast_in_dim3A_20 = vector.broadcast %broadcast_in_dim3A_19 : f32 to vector<8x512xf32>
    %swap3A_21 = arith.constant 0 : index
    %swap3A_22 = arith.constant 2048 : index
    %swap3A_23 = vector.load %arg6[%swap3A_21, %swap3A_22] : memref<8x4096xf32, #tpu.memory_space<vmem>>, vector<8x512xf32>
    tpu.vector_store %arg6[%swap3A_21, %swap3A_22], %broadcast_in_dim3A_20 {strides = array<i32>} : memref<8x4096xf32, #tpu.memory_space<vmem>>, vector<8x512xf32>,
    %broadcast_in_dim3A_24 = arith.constant 1.000000e+10 : f32
    %broadcast_in_dim3A_25 = vector.broadcast %broadcast_in_dim3A_24 : f32 to vector<8x512xf32>
    %swap3A_26 = arith.constant 0 : index
    %swap3A_27 = arith.constant 2560 : index
    %swap3A_28 = vector.load %arg6[%swap3A_26, %swap3A_27] : memref<8x4096xf32, #tpu.memory_space<vmem>>, vector<8x512xf32>
    tpu.vector_store %arg6[%swap3A_26, %swap3A_27], %broadcast_in_dim3A_25 {strides = array<i32>} : memref<8x4096xf32, #tpu.memory_space<vmem>>, vector<8x512xf32>,
    %broadcast_in_dim3A_29 = arith.constant 1.000000e+10 : f32
    %broadcast_in_dim3A_30 = vector.broadcast %broadcast_in_dim3A_29 : f32 to vector<8x512xf32>
    %swap3A_31 = arith.constant 0 : index
    %swap3A_32 = arith.constant 3072 : index
    %swap3A_33 = vector.load %arg6[%swap3A_31, %swap3A_32] : memref<8x4096xf32, #tpu.memory_space<vmem>>, vector<8x512xf32>
    tpu.vector_store %arg6[%swap3A_31, %swap3A_32], %broadcast_in_dim3A_30 {strides = array<i32>} : memref<8x4096xf32, #tpu.memory_space<vmem>>, vector<8x512xf32>,
    %broadcast_in_dim3A_34 = arith.constant 1.000000e+10 : f32
    %broadcast_in_dim3A_35 = vector.broadcast %broadcast_in_dim3A_34 : f32 to vector<8x512xf32>
    %swap3A_36 = arith.constant 0 : index
    %swap3A_37 = arith.constant 3584 : index
    %swap3A_38 = vector.load %arg6[%swap3A_36, %swap3A_37] : memref<8x4096xf32, #tpu.memory_space<vmem>>, vector<8x512xf32>
    tpu.vector_store %arg6[%swap3A_36, %swap3A_37], %broadcast_in_dim3A_35 {strides = array<i32>} : memref<8x4096xf32, #tpu.memory_space<vmem>>, vector<8x512xf32>,
    %broadcast_in_dim3A_39 = arith.constant 0.000000e+00 : f32
    %broadcast_in_dim3A_40 = vector.broadcast %broadcast_in_dim3A_39 : f32 to vector<8x512xf32>
    %broadcast_in_dim3A_41 = arith.constant 0 : i32
    %broadcast_in_dim3A_42 = vector.broadcast %broadcast_in_dim3A_41 : i32 to vector<8x1xi32>
    %scan3A = arith.constant 0 : i32
    %scan3A_43 = arith.constant 512 : i32
    %scan3A_44 = arith.addi %scan3A, %scan3A_43 : i32
    %scan3A_45 = arith.constant 1 : i32
    %scan3A_46:4 = scf.for %scan3A_57 = %scan3A to %scan3A_44 step %scan3A_45 iter_args(%scan3A_58 = %broadcast_in_dim3A_42, %scan3A_59 = %broadcast_in_dim3A_40, %scan3A_60 = %broadcast_in_dim3A_40, %scan3A_61 = %broadcast_in_dim3A_40) -> (vector<8x1xi32>, vector<8x512xf32>, vector<8x512xf32>, vector<8x512xf32>)  : i32 {
      %broadcast_in_dim3A_62 = arith.constant 0.000000e+00 : f32
      %broadcast_in_dim3A_63 = vector.broadcast %broadcast_in_dim3A_62 : f32 to vector<8x512xf32>
      %broadcast_in_dim3A_64 = arith.constant 0.000000e+00 : f32
      %broadcast_in_dim3A_65 = vector.broadcast %broadcast_in_dim3A_64 : f32 to vector<8x512xf32>
      %broadcast_in_dim3A_66 = arith.constant 0.000000e+00 : f32
      %broadcast_in_dim3A_67 = vector.broadcast %broadcast_in_dim3A_66 : f32 to vector<8x512xf32>
      %sub3A = arith.constant 0 : i32
      %sub3A_68 = vector.broadcast %sub3A : i32 to vector<8x1xi32>
      %sub3A_69 = arith.subi %scan3A_58, %sub3A_68 : vector<8x1xi32>
      %eq3A = vector.broadcast %sub3A_69 : vector<8x1xi32> to vector<8x512xi32>
      %eq3A_70 = arith.cmpi eq, %iota3A, %eq3A : vector<8x512xi32>
      %get3A = arith.constant 0 : index
      %get3A_71 = arith.constant 0 : index
      %get3A_72 = vector.load %arg0[%get3A, %get3A_71] : memref<8x4096xf32, #tpu.memory_space<vmem>>, vector<8x512xf32>
      %jit3A = arith.constant 0.000000e+00 : f32
      %broadcast_in_dim3A_73 = vector.broadcast %jit3A : f32 to vector<8x512xf32>
      %select_n3A = arith.select %eq3A_70, %get3A_72, %broadcast_in_dim3A_73 : vector<8x512xi1>, vector<8x512xf32>
      %add3A = arith.addf %broadcast_in_dim3A_63, %select_n3A : vector<8x512xf32>
      %get3A_74 = arith.constant 0 : index
      %get3A_75 = arith.constant 0 : index
      %get3A_76 = vector.load %arg1[%get3A_74, %get3A_75] : memref<8x4096xf32, #tpu.memory_space<vmem>>, vector<8x512xf32>
      %jit3A_77 = arith.constant 0.000000e+00 : f32
      %broadcast_in_dim3A_78 = vector.broadcast %jit3A_77 : f32 to vector<8x512xf32>
      %select_n3A_79 = arith.select %eq3A_70, %get3A_76, %broadcast_in_dim3A_78 : vector<8x512xi1>, vector<8x512xf32>
      %add3A_80 = arith.addf %broadcast_in_dim3A_65, %select_n3A_79 : vector<8x512xf32>
      %get3A_81 = arith.constant 0 : index
      %get3A_82 = arith.constant 0 : index
      %get3A_83 = vector.load %arg2[%get3A_81, %get3A_82] : memref<8x4096xf32, #tpu.memory_space<vmem>>, vector<8x512xf32>
      %jit3A_84 = arith.constant 0.000000e+00 : f32
      %broadcast_in_dim3A_85 = vector.broadcast %jit3A_84 : f32 to vector<8x512xf32>
      %select_n3A_86 = arith.select %eq3A_70, %get3A_83, %broadcast_in_dim3A_85 : vector<8x512xi1>, vector<8x512xf32>
      %add3A_87 = arith.addf %broadcast_in_dim3A_67, %select_n3A_86 : vector<8x512xf32>
      %sub3A_88 = arith.constant 512 : i32
      %sub3A_89 = vector.broadcast %sub3A_88 : i32 to vector<8x1xi32>
      %sub3A_90 = arith.subi %scan3A_58, %sub3A_89 : vector<8x1xi32>
      %eq3A_91 = vector.broadcast %sub3A_90 : vector<8x1xi32> to vector<8x512xi32>
      %eq3A_92 = arith.cmpi eq, %iota3A, %eq3A_91 : vector<8x512xi32>
      %get3A_93 = arith.constant 0 : index
      %get3A_94 = arith.constant 512 : index
      %get3A_95 = vector.load %arg0[%get3A_93, %get3A_94] : memref<8x4096xf32, #tpu.memory_space<vmem>>, vector<8x512xf32>
      %jit3A_96 = arith.constant 0.000000e+00 : f32
      %broadcast_in_dim3A_97 = vector.broadcast %jit3A_96 : f32 to vector<8x512xf32>
      %select_n3A_98 = arith.select %eq3A_92, %get3A_95, %broadcast_in_dim3A_97 : vector<8x512xi1>, vector<8x512xf32>
      %add3A_99 = arith.addf %add3A, %select_n3A_98 : vector<8x512xf32>
      %get3A_100 = arith.constant 0 : index
      %get3A_101 = arith.constant 512 : index
      %get3A_102 = vector.load %arg1[%get3A_100, %get3A_101] : memref<8x4096xf32, #tpu.memory_space<vmem>>, vector<8x512xf32>
      %jit3A_103 = arith.constant 0.000000e+00 : f32
      %broadcast_in_dim3A_104 = vector.broadcast %jit3A_103 : f32 to vector<8x512xf32>
      %select_n3A_105 = arith.select %eq3A_92, %get3A_102, %broadcast_in_dim3A_104 : vector<8x512xi1>, vector<8x512xf32>
      %add3A_106 = arith.addf %add3A_80, %select_n3A_105 : vector<8x512xf32>
      %get3A_107 = arith.constant 0 : index
      %get3A_108 = arith.constant 512 : index
      %get3A_109 = vector.load %arg2[%get3A_107, %get3A_108] : memref<8x4096xf32, #tpu.memory_space<vmem>>, vector<8x512xf32>
      %jit3A_110 = arith.constant 0.000000e+00 : f32
      %broadcast_in_dim3A_111 = vector.broadcast %jit3A_110 : f32 to vector<8x512xf32>
      %select_n3A_112 = arith.select %eq3A_92, %get3A_109, %broadcast_in_dim3A_111 : vector<8x512xi1>, vector<8x512xf32>
      %add3A_113 = arith.addf %add3A_87, %select_n3A_112 : vector<8x512xf32>
      %sub3A_114 = arith.constant 1024 : i32
      %sub3A_115 = vector.broadcast %sub3A_114 : i32 to vector<8x1xi32>
      %sub3A_116 = arith.subi %scan3A_58, %sub3A_115 : vector<8x1xi32>
      %eq3A_117 = vector.broadcast %sub3A_116 : vector<8x1xi32> to vector<8x512xi32>
      %eq3A_118 = arith.cmpi eq, %iota3A, %eq3A_117 : vector<8x512xi32>
      %get3A_119 = arith.constant 0 : index
      %get3A_120 = arith.constant 1024 : index
      %get3A_121 = vector.load %arg0[%get3A_119, %get3A_120] : memref<8x4096xf32, #tpu.memory_space<vmem>>, vector<8x512xf32>
      %jit3A_122 = arith.constant 0.000000e+00 : f32
      %broadcast_in_dim3A_123 = vector.broadcast %jit3A_122 : f32 to vector<8x512xf32>
      %select_n3A_124 = arith.select %eq3A_118, %get3A_121, %broadcast_in_dim3A_123 : vector<8x512xi1>, vector<8x512xf32>
      %add3A_125 = arith.addf %add3A_99, %select_n3A_124 : vector<8x512xf32>
      %get3A_126 = arith.constant 0 : index
      %get3A_127 = arith.constant 1024 : index
      %get3A_128 = vector.load %arg1[%get3A_126, %get3A_127] : memref<8x4096xf32, #tpu.memory_space<vmem>>, vector<8x512xf32>
      %jit3A_129 = arith.constant 0.000000e+00 : f32
      %broadcast_in_dim3A_130 = vector.broadcast %jit3A_129 : f32 to vector<8x512xf32>
      %select_n3A_131 = arith.select %eq3A_118, %get3A_128, %broadcast_in_dim3A_130 : vector<8x512xi1>, vector<8x512xf32>
      %add3A_132 = arith.addf %add3A_106, %select_n3A_131 : vector<8x512xf32>
      %get3A_133 = arith.constant 0 : index
      %get3A_134 = arith.constant 1024 : index
      %get3A_135 = vector.load %arg2[%get3A_133, %get3A_134] : memref<8x4096xf32, #tpu.memory_space<vmem>>, vector<8x512xf32>
      %jit3A_136 = arith.constant 0.000000e+00 : f32
      %broadcast_in_dim3A_137 = vector.broadcast %jit3A_136 : f32 to vector<8x512xf32>
      %select_n3A_138 = arith.select %eq3A_118, %get3A_135, %broadcast_in_dim3A_137 : vector<8x512xi1>, vector<8x512xf32>
      %add3A_139 = arith.addf %add3A_113, %select_n3A_138 : vector<8x512xf32>
      %sub3A_140 = arith.constant 1536 : i32
      %sub3A_141 = vector.broadcast %sub3A_140 : i32 to vector<8x1xi32>
      %sub3A_142 = arith.subi %scan3A_58, %sub3A_141 : vector<8x1xi32>
      %eq3A_143 = vector.broadcast %sub3A_142 : vector<8x1xi32> to vector<8x512xi32>
      %eq3A_144 = arith.cmpi eq, %iota3A, %eq3A_143 : vector<8x512xi32>
      %get3A_145 = arith.constant 0 : index
      %get3A_146 = arith.constant 1536 : index
      %get3A_147 = vector.load %arg0[%get3A_145, %get3A_146] : memref<8x4096xf32, #tpu.memory_space<vmem>>, vector<8x512xf32>
      %jit3A_148 = arith.constant 0.000000e+00 : f32
      %broadcast_in_dim3A_149 = vector.broadcast %jit3A_148 : f32 to vector<8x512xf32>
      %select_n3A_150 = arith.select %eq3A_144, %get3A_147, %broadcast_in_dim3A_149 : vector<8x512xi1>, vector<8x512xf32>
      %add3A_151 = arith.addf %add3A_125, %select_n3A_150 : vector<8x512xf32>
      %get3A_152 = arith.constant 0 : index
      %get3A_153 = arith.constant 1536 : index
      %get3A_154 = vector.load %arg1[%get3A_152, %get3A_153] : memref<8x4096xf32, #tpu.memory_space<vmem>>, vector<8x512xf32>
      %jit3A_155 = arith.constant 0.000000e+00 : f32
      %broadcast_in_dim3A_156 = vector.broadcast %jit3A_155 : f32 to vector<8x512xf32>
      %select_n3A_157 = arith.select %eq3A_144, %get3A_154, %broadcast_in_dim3A_156 : vector<8x512xi1>, vector<8x512xf32>
      %add3A_158 = arith.addf %add3A_132, %select_n3A_157 : vector<8x512xf32>
      %get3A_159 = arith.constant 0 : index
      %get3A_160 = arith.constant 1536 : index
      %get3A_161 = vector.load %arg2[%get3A_159, %get3A_160] : memref<8x4096xf32, #tpu.memory_space<vmem>>, vector<8x512xf32>
      %jit3A_162 = arith.constant 0.000000e+00 : f32
      %broadcast_in_dim3A_163 = vector.broadcast %jit3A_162 : f32 to vector<8x512xf32>
      %select_n3A_164 = arith.select %eq3A_144, %get3A_161, %broadcast_in_dim3A_163 : vector<8x512xi1>, vector<8x512xf32>
      %add3A_165 = arith.addf %add3A_139, %select_n3A_164 : vector<8x512xf32>
      %sub3A_166 = arith.constant 2048 : i32
      %sub3A_167 = vector.broadcast %sub3A_166 : i32 to vector<8x1xi32>
      %sub3A_168 = arith.subi %scan3A_58, %sub3A_167 : vector<8x1xi32>
      %eq3A_169 = vector.broadcast %sub3A_168 : vector<8x1xi32> to vector<8x512xi32>
      %eq3A_170 = arith.cmpi eq, %iota3A, %eq3A_169 : vector<8x512xi32>
      %get3A_171 = arith.constant 0 : index
      %get3A_172 = arith.constant 2048 : index
      %get3A_173 = vector.load %arg0[%get3A_171, %get3A_172] : memref<8x4096xf32, #tpu.memory_space<vmem>>, vector<8x512xf32>
      %jit3A_174 = arith.constant 0.000000e+00 : f32
      %broadcast_in_dim3A_175 = vector.broadcast %jit3A_174 : f32 to vector<8x512xf32>
      %select_n3A_176 = arith.select %eq3A_170, %get3A_173, %broadcast_in_dim3A_175 : vector<8x512xi1>, vector<8x512xf32>
      %add3A_177 = arith.addf %add3A_151, %select_n3A_176 : vector<8x512xf32>
      %get3A_178 = arith.constant 0 : index
      %get3A_179 = arith.constant 2048 : index
      %get3A_180 = vector.load %arg1[%get3A_178, %get3A_179] : memref<8x4096xf32, #tpu.memory_space<vmem>>, vector<8x512xf32>
      %jit3A_181 = arith.constant 0.000000e+00 : f32
      %broadcast_in_dim3A_182 = vector.broadcast %jit3A_181 : f32 to vector<8x512xf32>
      %select_n3A_183 = arith.select %eq3A_170, %get3A_180, %broadcast_in_dim3A_182 : vector<8x512xi1>, vector<8x512xf32>
      %add3A_184 = arith.addf %add3A_158, %select_n3A_183 : vector<8x512xf32>
      %get3A_185 = arith.constant 0 : index
      %get3A_186 = arith.constant 2048 : index
      %get3A_187 = vector.load %arg2[%get3A_185, %get3A_186] : memref<8x4096xf32, #tpu.memory_space<vmem>>, vector<8x512xf32>
      %jit3A_188 = arith.constant 0.000000e+00 : f32
      %broadcast_in_dim3A_189 = vector.broadcast %jit3A_188 : f32 to vector<8x512xf32>
      %select_n3A_190 = arith.select %eq3A_170, %get3A_187, %broadcast_in_dim3A_189 : vector<8x512xi1>, vector<8x512xf32>
      %add3A_191 = arith.addf %add3A_165, %select_n3A_190 : vector<8x512xf32>
      %sub3A_192 = arith.constant 2560 : i32
      %sub3A_193 = vector.broadcast %sub3A_192 : i32 to vector<8x1xi32>
      %sub3A_194 = arith.subi %scan3A_58, %sub3A_193 : vector<8x1xi32>
      %eq3A_195 = vector.broadcast %sub3A_194 : vector<8x1xi32> to vector<8x512xi32>
      %eq3A_196 = arith.cmpi eq, %iota3A, %eq3A_195 : vector<8x512xi32>
      %get3A_197 = arith.constant 0 : index
      %get3A_198 = arith.constant 2560 : index
      %get3A_199 = vector.load %arg0[%get3A_197, %get3A_198] : memref<8x4096xf32, #tpu.memory_space<vmem>>, vector<8x512xf32>
      %jit3A_200 = arith.constant 0.000000e+00 : f32
      %broadcast_in_dim3A_201 = vector.broadcast %jit3A_200 : f32 to vector<8x512xf32>
      %select_n3A_202 = arith.select %eq3A_196, %get3A_199, %broadcast_in_dim3A_201 : vector<8x512xi1>, vector<8x512xf32>
      %add3A_203 = arith.addf %add3A_177, %select_n3A_202 : vector<8x512xf32>
      %get3A_204 = arith.constant 0 : index
      %get3A_205 = arith.constant 2560 : index
      %get3A_206 = vector.load %arg1[%get3A_204, %get3A_205] : memref<8x4096xf32, #tpu.memory_space<vmem>>, vector<8x512xf32>
      %jit3A_207 = arith.constant 0.000000e+00 : f32
      %broadcast_in_dim3A_208 = vector.broadcast %jit3A_207 : f32 to vector<8x512xf32>
      %select_n3A_209 = arith.select %eq3A_196, %get3A_206, %broadcast_in_dim3A_208 : vector<8x512xi1>, vector<8x512xf32>
      %add3A_210 = arith.addf %add3A_184, %select_n3A_209 : vector<8x512xf32>
      %get3A_211 = arith.constant 0 : index
      %get3A_212 = arith.constant 2560 : index
      %get3A_213 = vector.load %arg2[%get3A_211, %get3A_212] : memref<8x4096xf32, #tpu.memory_space<vmem>>, vector<8x512xf32>
      %jit3A_214 = arith.constant 0.000000e+00 : f32
      %broadcast_in_dim3A_215 = vector.broadcast %jit3A_214 : f32 to vector<8x512xf32>
      %select_n3A_216 = arith.select %eq3A_196, %get3A_213, %broadcast_in_dim3A_215 : vector<8x512xi1>, vector<8x512xf32>
      %add3A_217 = arith.addf %add3A_191, %select_n3A_216 : vector<8x512xf32>
      %sub3A_218 = arith.constant 3072 : i32
      %sub3A_219 = vector.broadcast %sub3A_218 : i32 to vector<8x1xi32>
      %sub3A_220 = arith.subi %scan3A_58, %sub3A_219 : vector<8x1xi32>
      %eq3A_221 = vector.broadcast %sub3A_220 : vector<8x1xi32> to vector<8x512xi32>
      %eq3A_222 = arith.cmpi eq, %iota3A, %eq3A_221 : vector<8x512xi32>
      %get3A_223 = arith.constant 0 : index
      %get3A_224 = arith.constant 3072 : index
      %get3A_225 = vector.load %arg0[%get3A_223, %get3A_224] : memref<8x4096xf32, #tpu.memory_space<vmem>>, vector<8x512xf32>
      %jit3A_226 = arith.constant 0.000000e+00 : f32
      %broadcast_in_dim3A_227 = vector.broadcast %jit3A_226 : f32 to vector<8x512xf32>
      %select_n3A_228 = arith.select %eq3A_222, %get3A_225, %broadcast_in_dim3A_227 : vector<8x512xi1>, vector<8x512xf32>
      %add3A_229 = arith.addf %add3A_203, %select_n3A_228 : vector<8x512xf32>
      %get3A_230 = arith.constant 0 : index
      %get3A_231 = arith.constant 3072 : index
      %get3A_232 = vector.load %arg1[%get3A_230, %get3A_231] : memref<8x4096xf32, #tpu.memory_space<vmem>>, vector<8x512xf32>
      %jit3A_233 = arith.constant 0.000000e+00 : f32
      %broadcast_in_dim3A_234 = vector.broadcast %jit3A_233 : f32 to vector<8x512xf32>
      %select_n3A_235 = arith.select %eq3A_222, %get3A_232, %broadcast_in_dim3A_234 : vector<8x512xi1>, vector<8x512xf32>
      %add3A_236 = arith.addf %add3A_210, %select_n3A_235 : vector<8x512xf32>
      %get3A_237 = arith.constant 0 : index
      %get3A_238 = arith.constant 3072 : index
      %get3A_239 = vector.load %arg2[%get3A_237, %get3A_238] : memref<8x4096xf32, #tpu.memory_space<vmem>>, vector<8x512xf32>
      %jit3A_240 = arith.constant 0.000000e+00 : f32
      %broadcast_in_dim3A_241 = vector.broadcast %jit3A_240 : f32 to vector<8x512xf32>
      %select_n3A_242 = arith.select %eq3A_222, %get3A_239, %broadcast_in_dim3A_241 : vector<8x512xi1>, vector<8x512xf32>
      %add3A_243 = arith.addf %add3A_217, %select_n3A_242 : vector<8x512xf32>
      %sub3A_244 = arith.constant 3584 : i32
      %sub3A_245 = vector.broadcast %sub3A_244 : i32 to vector<8x1xi32>
      %sub3A_246 = arith.subi %scan3A_58, %sub3A_245 : vector<8x1xi32>
      %eq3A_247 = vector.broadcast %sub3A_246 : vector<8x1xi32> to vector<8x512xi32>
      %eq3A_248 = arith.cmpi eq, %iota3A, %eq3A_247 : vector<8x512xi32>
      %get3A_249 = arith.constant 0 : index
      %get3A_250 = arith.constant 3584 : index
      %get3A_251 = vector.load %arg0[%get3A_249, %get3A_250] : memref<8x4096xf32, #tpu.memory_space<vmem>>, vector<8x512xf32>
      %jit3A_252 = arith.constant 0.000000e+00 : f32
      %broadcast_in_dim3A_253 = vector.broadcast %jit3A_252 : f32 to vector<8x512xf32>
      %select_n3A_254 = arith.select %eq3A_248, %get3A_251, %broadcast_in_dim3A_253 : vector<8x512xi1>, vector<8x512xf32>
      %add3A_255 = arith.addf %add3A_229, %select_n3A_254 : vector<8x512xf32>
      %get3A_256 = arith.constant 0 : index
      %get3A_257 = arith.constant 3584 : index
      %get3A_258 = vector.load %arg1[%get3A_256, %get3A_257] : memref<8x4096xf32, #tpu.memory_space<vmem>>, vector<8x512xf32>
      %jit3A_259 = arith.constant 0.000000e+00 : f32
      %broadcast_in_dim3A_260 = vector.broadcast %jit3A_259 : f32 to vector<8x512xf32>
      %select_n3A_261 = arith.select %eq3A_248, %get3A_258, %broadcast_in_dim3A_260 : vector<8x512xi1>, vector<8x512xf32>
      %add3A_262 = arith.addf %add3A_236, %select_n3A_261 : vector<8x512xf32>
      %get3A_263 = arith.constant 0 : index
      %get3A_264 = arith.constant 3584 : index
      %get3A_265 = vector.load %arg2[%get3A_263, %get3A_264] : memref<8x4096xf32, #tpu.memory_space<vmem>>, vector<8x512xf32>
      %jit3A_266 = arith.constant 0.000000e+00 : f32
      %broadcast_in_dim3A_267 = vector.broadcast %jit3A_266 : f32 to vector<8x512xf32>
      %select_n3A_268 = arith.select %eq3A_248, %get3A_265, %broadcast_in_dim3A_267 : vector<8x512xi1>, vector<8x512xf32>
      %add3A_269 = arith.addf %add3A_243, %select_n3A_268 : vector<8x512xf32>
      %reduce_sum3A = arith.constant dense<0.000000e+00> : vector<8xf32>
      %reduce_sum3A_270 = vector.multi_reduction <add>, %add3A_255, %reduce_sum3A [1] : vector<8x512xf32> to vector<8xf32>
      %broadcast_in_dim3A_271 = vector.shape_cast %reduce_sum3A_270 : vector<8xf32> to vector<8x1xf32>
      %reduce_sum3A_272 = arith.constant dense<0.000000e+00> : vector<8xf32>
      %reduce_sum3A_273 = vector.multi_reduction <add>, %add3A_262, %reduce_sum3A_272 [1] : vector<8x512xf32> to vector<8xf32>
      %broadcast_in_dim3A_274 = vector.shape_cast %reduce_sum3A_273 : vector<8xf32> to vector<8x1xf32>
      %reduce_sum3A_275 = arith.constant dense<0.000000e+00> : vector<8xf32>
      %reduce_sum3A_276 = vector.multi_reduction <add>, %add3A_269, %reduce_sum3A_275 [1] : vector<8x512xf32> to vector<8xf32>
      %broadcast_in_dim3A_277 = vector.shape_cast %reduce_sum3A_276 : vector<8xf32> to vector<8x1xf32>
      %eq3A_278 = vector.broadcast %scan3A_57 : i32 to vector<8x512xi32>
      %eq3A_279 = arith.cmpi eq, %iota3A_0, %eq3A_278 : vector<8x512xi32>
      %broadcast_in_dim3A_280 = vector.shape_cast %broadcast_in_dim3A_271 : vector<8x1xf32> to vector<8x1xf32>
      %broadcast_in_dim3A_281 = vector.broadcast %broadcast_in_dim3A_280 : vector<8x1xf32> to vector<8x512xf32>
      %select_n3A_282 = arith.select %eq3A_279, %broadcast_in_dim3A_281, %scan3A_59 : vector<8x512xi1>, vector<8x512xf32>
      %broadcast_in_dim3A_283 = vector.shape_cast %broadcast_in_dim3A_274 : vector<8x1xf32> to vector<8x1xf32>
      %broadcast_in_dim3A_284 = vector.broadcast %broadcast_in_dim3A_283 : vector<8x1xf32> to vector<8x512xf32>
      %select_n3A_285 = arith.select %eq3A_279, %broadcast_in_dim3A_284, %scan3A_60 : vector<8x512xi1>, vector<8x512xf32>
      %broadcast_in_dim3A_286 = vector.shape_cast %broadcast_in_dim3A_277 : vector<8x1xf32> to vector<8x1xf32>
      %broadcast_in_dim3A_287 = vector.broadcast %broadcast_in_dim3A_286 : vector<8x1xf32> to vector<8x512xf32>
      %select_n3A_288 = arith.select %eq3A_279, %broadcast_in_dim3A_287, %scan3A_61 : vector<8x512xi1>, vector<8x512xf32>
      %broadcast_in_dim3A_289 = arith.constant -1.000000e+00 : f32
      %broadcast_in_dim3A_290 = vector.broadcast %broadcast_in_dim3A_289 : f32 to vector<8x512xf32>
      %get3A_291 = arith.constant 0 : index
      %get3A_292 = arith.constant 0 : index
      %get3A_293 = vector.load %arg0[%get3A_291, %get3A_292] : memref<8x4096xf32, #tpu.memory_space<vmem>>, vector<8x512xf32>
      %sub3A_294 = vector.broadcast %broadcast_in_dim3A_271 : vector<8x1xf32> to vector<8x512xf32>
      %sub3A_295 = arith.subf %get3A_293, %sub3A_294 : vector<8x512xf32>
      %integer_pow3A = arith.mulf %sub3A_295, %sub3A_295 : vector<8x512xf32>
      %get3A_296 = arith.constant 0 : index
      %get3A_297 = arith.constant 0 : index
      %get3A_298 = vector.load %arg1[%get3A_296, %get3A_297] : memref<8x4096xf32, #tpu.memory_space<vmem>>, vector<8x512xf32>
      %sub3A_299 = vector.broadcast %broadcast_in_dim3A_274 : vector<8x1xf32> to vector<8x512xf32>
      %sub3A_300 = arith.subf %get3A_298, %sub3A_299 : vector<8x512xf32>
      %integer_pow3A_301 = arith.mulf %sub3A_300, %sub3A_300 : vector<8x512xf32>
      %add3A_302 = arith.addf %integer_pow3A, %integer_pow3A_301 : vector<8x512xf32>
      %get3A_303 = arith.constant 0 : index
      %get3A_304 = arith.constant 0 : index
      %get3A_305 = vector.load %arg2[%get3A_303, %get3A_304] : memref<8x4096xf32, #tpu.memory_space<vmem>>, vector<8x512xf32>
      %sub3A_306 = vector.broadcast %broadcast_in_dim3A_277 : vector<8x1xf32> to vector<8x512xf32>
      %sub3A_307 = arith.subf %get3A_305, %sub3A_306 : vector<8x512xf32>
      %integer_pow3A_308 = arith.mulf %sub3A_307, %sub3A_307 : vector<8x512xf32>
      %add3A_309 = arith.addf %add3A_302, %integer_pow3A_308 : vector<8x512xf32>
      %get3A_310 = arith.constant 0 : index
      %get3A_311 = arith.constant 0 : index
      %get3A_312 = vector.load %arg6[%get3A_310, %get3A_311] : memref<8x4096xf32, #tpu.memory_space<vmem>>, vector<8x512xf32>
      %min3A = arith.minimumf %get3A_312, %add3A_309 : vector<8x512xf32>
      %swap3A_313 = arith.constant 0 : index
      %swap3A_314 = arith.constant 0 : index
      %swap3A_315 = vector.load %arg6[%swap3A_313, %swap3A_314] : memref<8x4096xf32, #tpu.memory_space<vmem>>, vector<8x512xf32>
      tpu.vector_store %arg6[%swap3A_313, %swap3A_314], %min3A {strides = array<i32>} : memref<8x4096xf32, #tpu.memory_space<vmem>>, vector<8x512xf32>,
      %max3A = arith.maximumf %broadcast_in_dim3A_290, %min3A : vector<8x512xf32>
      %get3A_316 = arith.constant 0 : index
      %get3A_317 = arith.constant 512 : index
      %get3A_318 = vector.load %arg0[%get3A_316, %get3A_317] : memref<8x4096xf32, #tpu.memory_space<vmem>>, vector<8x512xf32>
      %sub3A_319 = vector.broadcast %broadcast_in_dim3A_271 : vector<8x1xf32> to vector<8x512xf32>
      %sub3A_320 = arith.subf %get3A_318, %sub3A_319 : vector<8x512xf32>
      %integer_pow3A_321 = arith.mulf %sub3A_320, %sub3A_320 : vector<8x512xf32>
      %get3A_322 = arith.constant 0 : index
      %get3A_323 = arith.constant 512 : index
      %get3A_324 = vector.load %arg1[%get3A_322, %get3A_323] : memref<8x4096xf32, #tpu.memory_space<vmem>>, vector<8x512xf32>
      %sub3A_325 = vector.broadcast %broadcast_in_dim3A_274 : vector<8x1xf32> to vector<8x512xf32>
      %sub3A_326 = arith.subf %get3A_324, %sub3A_325 : vector<8x512xf32>
      %integer_pow3A_327 = arith.mulf %sub3A_326, %sub3A_326 : vector<8x512xf32>
      %add3A_328 = arith.addf %integer_pow3A_321, %integer_pow3A_327 : vector<8x512xf32>
      %get3A_329 = arith.constant 0 : index
      %get3A_330 = arith.constant 512 : index
      %get3A_331 = vector.load %arg2[%get3A_329, %get3A_330] : memref<8x4096xf32, #tpu.memory_space<vmem>>, vector<8x512xf32>
      %sub3A_332 = vector.broadcast %broadcast_in_dim3A_277 : vector<8x1xf32> to vector<8x512xf32>
      %sub3A_333 = arith.subf %get3A_331, %sub3A_332 : vector<8x512xf32>
      %integer_pow3A_334 = arith.mulf %sub3A_333, %sub3A_333 : vector<8x512xf32>
      %add3A_335 = arith.addf %add3A_328, %integer_pow3A_334 : vector<8x512xf32>
      %get3A_336 = arith.constant 0 : index
      %get3A_337 = arith.constant 512 : index
      %get3A_338 = vector.load %arg6[%get3A_336, %get3A_337] : memref<8x4096xf32, #tpu.memory_space<vmem>>, vector<8x512xf32>
      %min3A_339 = arith.minimumf %get3A_338, %add3A_335 : vector<8x512xf32>
      %swap3A_340 = arith.constant 0 : index
      %swap3A_341 = arith.constant 512 : index
      %swap3A_342 = vector.load %arg6[%swap3A_340, %swap3A_341] : memref<8x4096xf32, #tpu.memory_space<vmem>>, vector<8x512xf32>
      tpu.vector_store %arg6[%swap3A_340, %swap3A_341], %min3A_339 {strides = array<i32>} : memref<8x4096xf32, #tpu.memory_space<vmem>>, vector<8x512xf32>,
      %max3A_343 = arith.maximumf %max3A, %min3A_339 : vector<8x512xf32>
      %get3A_344 = arith.constant 0 : index
      %get3A_345 = arith.constant 1024 : index
      %get3A_346 = vector.load %arg0[%get3A_344, %get3A_345] : memref<8x4096xf32, #tpu.memory_space<vmem>>, vector<8x512xf32>
      %sub3A_347 = vector.broadcast %broadcast_in_dim3A_271 : vector<8x1xf32> to vector<8x512xf32>
      %sub3A_348 = arith.subf %get3A_346, %sub3A_347 : vector<8x512xf32>
      %integer_pow3A_349 = arith.mulf %sub3A_348, %sub3A_348 : vector<8x512xf32>
      %get3A_350 = arith.constant 0 : index
      %get3A_351 = arith.constant 1024 : index
      %get3A_352 = vector.load %arg1[%get3A_350, %get3A_351] : memref<8x4096xf32, #tpu.memory_space<vmem>>, vector<8x512xf32>
      %sub3A_353 = vector.broadcast %broadcast_in_dim3A_274 : vector<8x1xf32> to vector<8x512xf32>
      %sub3A_354 = arith.subf %get3A_352, %sub3A_353 : vector<8x512xf32>
      %integer_pow3A_355 = arith.mulf %sub3A_354, %sub3A_354 : vector<8x512xf32>
      %add3A_356 = arith.addf %integer_pow3A_349, %integer_pow3A_355 : vector<8x512xf32>
      %get3A_357 = arith.constant 0 : index
      %get3A_358 = arith.constant 1024 : index
      %get3A_359 = vector.load %arg2[%get3A_357, %get3A_358] : memref<8x4096xf32, #tpu.memory_space<vmem>>, vector<8x512xf32>
      %sub3A_360 = vector.broadcast %broadcast_in_dim3A_277 : vector<8x1xf32> to vector<8x512xf32>
      %sub3A_361 = arith.subf %get3A_359, %sub3A_360 : vector<8x512xf32>
      %integer_pow3A_362 = arith.mulf %sub3A_361, %sub3A_361 : vector<8x512xf32>
      %add3A_363 = arith.addf %add3A_356, %integer_pow3A_362 : vector<8x512xf32>
      %get3A_364 = arith.constant 0 : index
      %get3A_365 = arith.constant 1024 : index
      %get3A_366 = vector.load %arg6[%get3A_364, %get3A_365] : memref<8x4096xf32, #tpu.memory_space<vmem>>, vector<8x512xf32>
      %min3A_367 = arith.minimumf %get3A_366, %add3A_363 : vector<8x512xf32>
      %swap3A_368 = arith.constant 0 : index
      %swap3A_369 = arith.constant 1024 : index
      %swap3A_370 = vector.load %arg6[%swap3A_368, %swap3A_369] : memref<8x4096xf32, #tpu.memory_space<vmem>>, vector<8x512xf32>
      tpu.vector_store %arg6[%swap3A_368, %swap3A_369], %min3A_367 {strides = array<i32>} : memref<8x4096xf32, #tpu.memory_space<vmem>>, vector<8x512xf32>,
      %max3A_371 = arith.maximumf %max3A_343, %min3A_367 : vector<8x512xf32>
      %get3A_372 = arith.constant 0 : index
      %get3A_373 = arith.constant 1536 : index
      %get3A_374 = vector.load %arg0[%get3A_372, %get3A_373] : memref<8x4096xf32, #tpu.memory_space<vmem>>, vector<8x512xf32>
      %sub3A_375 = vector.broadcast %broadcast_in_dim3A_271 : vector<8x1xf32> to vector<8x512xf32>
      %sub3A_376 = arith.subf %get3A_374, %sub3A_375 : vector<8x512xf32>
      %integer_pow3A_377 = arith.mulf %sub3A_376, %sub3A_376 : vector<8x512xf32>
      %get3A_378 = arith.constant 0 : index
      %get3A_379 = arith.constant 1536 : index
      %get3A_380 = vector.load %arg1[%get3A_378, %get3A_379] : memref<8x4096xf32, #tpu.memory_space<vmem>>, vector<8x512xf32>
      %sub3A_381 = vector.broadcast %broadcast_in_dim3A_274 : vector<8x1xf32> to vector<8x512xf32>
      %sub3A_382 = arith.subf %get3A_380, %sub3A_381 : vector<8x512xf32>
      %integer_pow3A_383 = arith.mulf %sub3A_382, %sub3A_382 : vector<8x512xf32>
      %add3A_384 = arith.addf %integer_pow3A_377, %integer_pow3A_383 : vector<8x512xf32>
      %get3A_385 = arith.constant 0 : index
      %get3A_386 = arith.constant 1536 : index
      %get3A_387 = vector.load %arg2[%get3A_385, %get3A_386] : memref<8x4096xf32, #tpu.memory_space<vmem>>, vector<8x512xf32>
      %sub3A_388 = vector.broadcast %broadcast_in_dim3A_277 : vector<8x1xf32> to vector<8x512xf32>
      %sub3A_389 = arith.subf %get3A_387, %sub3A_388 : vector<8x512xf32>
      %integer_pow3A_390 = arith.mulf %sub3A_389, %sub3A_389 : vector<8x512xf32>
      %add3A_391 = arith.addf %add3A_384, %integer_pow3A_390 : vector<8x512xf32>
      %get3A_392 = arith.constant 0 : index
      %get3A_393 = arith.constant 1536 : index
      %get3A_394 = vector.load %arg6[%get3A_392, %get3A_393] : memref<8x4096xf32, #tpu.memory_space<vmem>>, vector<8x512xf32>
      %min3A_395 = arith.minimumf %get3A_394, %add3A_391 : vector<8x512xf32>
      %swap3A_396 = arith.constant 0 : index
      %swap3A_397 = arith.constant 1536 : index
      %swap3A_398 = vector.load %arg6[%swap3A_396, %swap3A_397] : memref<8x4096xf32, #tpu.memory_space<vmem>>, vector<8x512xf32>
      tpu.vector_store %arg6[%swap3A_396, %swap3A_397], %min3A_395 {strides = array<i32>} : memref<8x4096xf32, #tpu.memory_space<vmem>>, vector<8x512xf32>,
      %max3A_399 = arith.maximumf %max3A_371, %min3A_395 : vector<8x512xf32>
      %get3A_400 = arith.constant 0 : index
      %get3A_401 = arith.constant 2048 : index
      %get3A_402 = vector.load %arg0[%get3A_400, %get3A_401] : memref<8x4096xf32, #tpu.memory_space<vmem>>, vector<8x512xf32>
      %sub3A_403 = vector.broadcast %broadcast_in_dim3A_271 : vector<8x1xf32> to vector<8x512xf32>
      %sub3A_404 = arith.subf %get3A_402, %sub3A_403 : vector<8x512xf32>
      %integer_pow3A_405 = arith.mulf %sub3A_404, %sub3A_404 : vector<8x512xf32>
      %get3A_406 = arith.constant 0 : index
      %get3A_407 = arith.constant 2048 : index
      %get3A_408 = vector.load %arg1[%get3A_406, %get3A_407] : memref<8x4096xf32, #tpu.memory_space<vmem>>, vector<8x512xf32>
      %sub3A_409 = vector.broadcast %broadcast_in_dim3A_274 : vector<8x1xf32> to vector<8x512xf32>
      %sub3A_410 = arith.subf %get3A_408, %sub3A_409 : vector<8x512xf32>
      %integer_pow3A_411 = arith.mulf %sub3A_410, %sub3A_410 : vector<8x512xf32>
      %add3A_412 = arith.addf %integer_pow3A_405, %integer_pow3A_411 : vector<8x512xf32>
      %get3A_413 = arith.constant 0 : index
      %get3A_414 = arith.constant 2048 : index
      %get3A_415 = vector.load %arg2[%get3A_413, %get3A_414] : memref<8x4096xf32, #tpu.memory_space<vmem>>, vector<8x512xf32>
      %sub3A_416 = vector.broadcast %broadcast_in_dim3A_277 : vector<8x1xf32> to vector<8x512xf32>
      %sub3A_417 = arith.subf %get3A_415, %sub3A_416 : vector<8x512xf32>
      %integer_pow3A_418 = arith.mulf %sub3A_417, %sub3A_417 : vector<8x512xf32>
      %add3A_419 = arith.addf %add3A_412, %integer_pow3A_418 : vector<8x512xf32>
      %get3A_420 = arith.constant 0 : index
      %get3A_421 = arith.constant 2048 : index
      %get3A_422 = vector.load %arg6[%get3A_420, %get3A_421] : memref<8x4096xf32, #tpu.memory_space<vmem>>, vector<8x512xf32>
      %min3A_423 = arith.minimumf %get3A_422, %add3A_419 : vector<8x512xf32>
      %swap3A_424 = arith.constant 0 : index
      %swap3A_425 = arith.constant 2048 : index
      %swap3A_426 = vector.load %arg6[%swap3A_424, %swap3A_425] : memref<8x4096xf32, #tpu.memory_space<vmem>>, vector<8x512xf32>
      tpu.vector_store %arg6[%swap3A_424, %swap3A_425], %min3A_423 {strides = array<i32>} : memref<8x4096xf32, #tpu.memory_space<vmem>>, vector<8x512xf32>,
      %max3A_427 = arith.maximumf %max3A_399, %min3A_423 : vector<8x512xf32>
      %get3A_428 = arith.constant 0 : index
      %get3A_429 = arith.constant 2560 : index
      %get3A_430 = vector.load %arg0[%get3A_428, %get3A_429] : memref<8x4096xf32, #tpu.memory_space<vmem>>, vector<8x512xf32>
      %sub3A_431 = vector.broadcast %broadcast_in_dim3A_271 : vector<8x1xf32> to vector<8x512xf32>
      %sub3A_432 = arith.subf %get3A_430, %sub3A_431 : vector<8x512xf32>
      %integer_pow3A_433 = arith.mulf %sub3A_432, %sub3A_432 : vector<8x512xf32>
      %get3A_434 = arith.constant 0 : index
      %get3A_435 = arith.constant 2560 : index
      %get3A_436 = vector.load %arg1[%get3A_434, %get3A_435] : memref<8x4096xf32, #tpu.memory_space<vmem>>, vector<8x512xf32>
      %sub3A_437 = vector.broadcast %broadcast_in_dim3A_274 : vector<8x1xf32> to vector<8x512xf32>
      %sub3A_438 = arith.subf %get3A_436, %sub3A_437 : vector<8x512xf32>
      %integer_pow3A_439 = arith.mulf %sub3A_438, %sub3A_438 : vector<8x512xf32>
      %add3A_440 = arith.addf %integer_pow3A_433, %integer_pow3A_439 : vector<8x512xf32>
      %get3A_441 = arith.constant 0 : index
      %get3A_442 = arith.constant 2560 : index
      %get3A_443 = vector.load %arg2[%get3A_441, %get3A_442] : memref<8x4096xf32, #tpu.memory_space<vmem>>, vector<8x512xf32>
      %sub3A_444 = vector.broadcast %broadcast_in_dim3A_277 : vector<8x1xf32> to vector<8x512xf32>
      %sub3A_445 = arith.subf %get3A_443, %sub3A_444 : vector<8x512xf32>
      %integer_pow3A_446 = arith.mulf %sub3A_445, %sub3A_445 : vector<8x512xf32>
      %add3A_447 = arith.addf %add3A_440, %integer_pow3A_446 : vector<8x512xf32>
      %get3A_448 = arith.constant 0 : index
      %get3A_449 = arith.constant 2560 : index
      %get3A_450 = vector.load %arg6[%get3A_448, %get3A_449] : memref<8x4096xf32, #tpu.memory_space<vmem>>, vector<8x512xf32>
      %min3A_451 = arith.minimumf %get3A_450, %add3A_447 : vector<8x512xf32>
      %swap3A_452 = arith.constant 0 : index
      %swap3A_453 = arith.constant 2560 : index
      %swap3A_454 = vector.load %arg6[%swap3A_452, %swap3A_453] : memref<8x4096xf32, #tpu.memory_space<vmem>>, vector<8x512xf32>
      tpu.vector_store %arg6[%swap3A_452, %swap3A_453], %min3A_451 {strides = array<i32>} : memref<8x4096xf32, #tpu.memory_space<vmem>>, vector<8x512xf32>,
      %max3A_455 = arith.maximumf %max3A_427, %min3A_451 : vector<8x512xf32>
      %get3A_456 = arith.constant 0 : index
      %get3A_457 = arith.constant 3072 : index
      %get3A_458 = vector.load %arg0[%get3A_456, %get3A_457] : memref<8x4096xf32, #tpu.memory_space<vmem>>, vector<8x512xf32>
      %sub3A_459 = vector.broadcast %broadcast_in_dim3A_271 : vector<8x1xf32> to vector<8x512xf32>
      %sub3A_460 = arith.subf %get3A_458, %sub3A_459 : vector<8x512xf32>
      %integer_pow3A_461 = arith.mulf %sub3A_460, %sub3A_460 : vector<8x512xf32>
      %get3A_462 = arith.constant 0 : index
      %get3A_463 = arith.constant 3072 : index
      %get3A_464 = vector.load %arg1[%get3A_462, %get3A_463] : memref<8x4096xf32, #tpu.memory_space<vmem>>, vector<8x512xf32>
      %sub3A_465 = vector.broadcast %broadcast_in_dim3A_274 : vector<8x1xf32> to vector<8x512xf32>
      %sub3A_466 = arith.subf %get3A_464, %sub3A_465 : vector<8x512xf32>
      %integer_pow3A_467 = arith.mulf %sub3A_466, %sub3A_466 : vector<8x512xf32>
      %add3A_468 = arith.addf %integer_pow3A_461, %integer_pow3A_467 : vector<8x512xf32>
      %get3A_469 = arith.constant 0 : index
      %get3A_470 = arith.constant 3072 : index
      %get3A_471 = vector.load %arg2[%get3A_469, %get3A_470] : memref<8x4096xf32, #tpu.memory_space<vmem>>, vector<8x512xf32>
      %sub3A_472 = vector.broadcast %broadcast_in_dim3A_277 : vector<8x1xf32> to vector<8x512xf32>
      %sub3A_473 = arith.subf %get3A_471, %sub3A_472 : vector<8x512xf32>
      %integer_pow3A_474 = arith.mulf %sub3A_473, %sub3A_473 : vector<8x512xf32>
      %add3A_475 = arith.addf %add3A_468, %integer_pow3A_474 : vector<8x512xf32>
      %get3A_476 = arith.constant 0 : index
      %get3A_477 = arith.constant 3072 : index
      %get3A_478 = vector.load %arg6[%get3A_476, %get3A_477] : memref<8x4096xf32, #tpu.memory_space<vmem>>, vector<8x512xf32>
      %min3A_479 = arith.minimumf %get3A_478, %add3A_475 : vector<8x512xf32>
      %swap3A_480 = arith.constant 0 : index
      %swap3A_481 = arith.constant 3072 : index
      %swap3A_482 = vector.load %arg6[%swap3A_480, %swap3A_481] : memref<8x4096xf32, #tpu.memory_space<vmem>>, vector<8x512xf32>
      tpu.vector_store %arg6[%swap3A_480, %swap3A_481], %min3A_479 {strides = array<i32>} : memref<8x4096xf32, #tpu.memory_space<vmem>>, vector<8x512xf32>,
      %max3A_483 = arith.maximumf %max3A_455, %min3A_479 : vector<8x512xf32>
      %get3A_484 = arith.constant 0 : index
      %get3A_485 = arith.constant 3584 : index
      %get3A_486 = vector.load %arg0[%get3A_484, %get3A_485] : memref<8x4096xf32, #tpu.memory_space<vmem>>, vector<8x512xf32>
      %sub3A_487 = vector.broadcast %broadcast_in_dim3A_271 : vector<8x1xf32> to vector<8x512xf32>
      %sub3A_488 = arith.subf %get3A_486, %sub3A_487 : vector<8x512xf32>
      %integer_pow3A_489 = arith.mulf %sub3A_488, %sub3A_488 : vector<8x512xf32>
      %get3A_490 = arith.constant 0 : index
      %get3A_491 = arith.constant 3584 : index
      %get3A_492 = vector.load %arg1[%get3A_490, %get3A_491] : memref<8x4096xf32, #tpu.memory_space<vmem>>, vector<8x512xf32>
      %sub3A_493 = vector.broadcast %broadcast_in_dim3A_274 : vector<8x1xf32> to vector<8x512xf32>
      %sub3A_494 = arith.subf %get3A_492, %sub3A_493 : vector<8x512xf32>
      %integer_pow3A_495 = arith.mulf %sub3A_494, %sub3A_494 : vector<8x512xf32>
      %add3A_496 = arith.addf %integer_pow3A_489, %integer_pow3A_495 : vector<8x512xf32>
      %get3A_497 = arith.constant 0 : index
      %get3A_498 = arith.constant 3584 : index
      %get3A_499 = vector.load %arg2[%get3A_497, %get3A_498] : memref<8x4096xf32, #tpu.memory_space<vmem>>, vector<8x512xf32>
      %sub3A_500 = vector.broadcast %broadcast_in_dim3A_277 : vector<8x1xf32> to vector<8x512xf32>
      %sub3A_501 = arith.subf %get3A_499, %sub3A_500 : vector<8x512xf32>
      %integer_pow3A_502 = arith.mulf %sub3A_501, %sub3A_501 : vector<8x512xf32>
      %add3A_503 = arith.addf %add3A_496, %integer_pow3A_502 : vector<8x512xf32>
      %get3A_504 = arith.constant 0 : index
      %get3A_505 = arith.constant 3584 : index
      %get3A_506 = vector.load %arg6[%get3A_504, %get3A_505] : memref<8x4096xf32, #tpu.memory_space<vmem>>, vector<8x512xf32>
      %min3A_507 = arith.minimumf %get3A_506, %add3A_503 : vector<8x512xf32>
      %swap3A_508 = arith.constant 0 : index
      %swap3A_509 = arith.constant 3584 : index
      %swap3A_510 = vector.load %arg6[%swap3A_508, %swap3A_509] : memref<8x4096xf32, #tpu.memory_space<vmem>>, vector<8x512xf32>
      tpu.vector_store %arg6[%swap3A_508, %swap3A_509], %min3A_507 {strides = array<i32>} : memref<8x4096xf32, #tpu.memory_space<vmem>>, vector<8x512xf32>,
      %max3A_511 = arith.maximumf %max3A_483, %min3A_507 : vector<8x512xf32>
      %reduce_max3A = arith.constant dense<0xFF800000> : vector<8xf32>
      %reduce_max3A_512 = vector.multi_reduction <maximumf>, %max3A_511, %reduce_max3A [1] : vector<8x512xf32> to vector<8xf32>
      %broadcast_in_dim3A_513 = vector.shape_cast %reduce_max3A_512 : vector<8xf32> to vector<8x1xf32>
      %broadcast_in_dim3A_514 = arith.constant 4096 : i32
      %broadcast_in_dim3A_515 = vector.broadcast %broadcast_in_dim3A_514 : i32 to vector<8x512xi32>
      %eq3A_516 = vector.broadcast %broadcast_in_dim3A_513 : vector<8x1xf32> to vector<8x512xf32>
      %eq3A_517 = arith.cmpf oeq, %min3A, %eq3A_516 : vector<8x512xf32>
      %add3A_518 = arith.constant 0 : i32
      %add3A_519 = vector.broadcast %add3A_518 : i32 to vector<8x512xi32>
      %add3A_520 = arith.addi %iota3A, %add3A_519 : vector<8x512xi32>
      %jit3A_521 = arith.constant 4096 : i32
      %broadcast_in_dim3A_522 = vector.broadcast %jit3A_521 : i32 to vector<8x512xi32>
      %select_n3A_523 = arith.select %eq3A_517, %add3A_520, %broadcast_in_dim3A_522 : vector<8x512xi1>, vector<8x512xi32>
      %min3A_524 = arith.minsi %broadcast_in_dim3A_515, %select_n3A_523 : vector<8x512xi32>
      %eq3A_525 = vector.broadcast %broadcast_in_dim3A_513 : vector<8x1xf32> to vector<8x512xf32>
      %eq3A_526 = arith.cmpf oeq, %min3A_339, %eq3A_525 : vector<8x512xf32>
      %add3A_527 = arith.constant 512 : i32
      %add3A_528 = vector.broadcast %add3A_527 : i32 to vector<8x512xi32>
      %add3A_529 = arith.addi %iota3A, %add3A_528 : vector<8x512xi32>
      %jit3A_530 = arith.constant 4096 : i32
      %broadcast_in_dim3A_531 = vector.broadcast %jit3A_530 : i32 to vector<8x512xi32>
      %select_n3A_532 = arith.select %eq3A_526, %add3A_529, %broadcast_in_dim3A_531 : vector<8x512xi1>, vector<8x512xi32>
      %min3A_533 = arith.minsi %min3A_524, %select_n3A_532 : vector<8x512xi32>
      %eq3A_534 = vector.broadcast %broadcast_in_dim3A_513 : vector<8x1xf32> to vector<8x512xf32>
      %eq3A_535 = arith.cmpf oeq, %min3A_367, %eq3A_534 : vector<8x512xf32>
      %add3A_536 = arith.constant 1024 : i32
      %add3A_537 = vector.broadcast %add3A_536 : i32 to vector<8x512xi32>
      %add3A_538 = arith.addi %iota3A, %add3A_537 : vector<8x512xi32>
      %jit3A_539 = arith.constant 4096 : i32
      %broadcast_in_dim3A_540 = vector.broadcast %jit3A_539 : i32 to vector<8x512xi32>
      %select_n3A_541 = arith.select %eq3A_535, %add3A_538, %broadcast_in_dim3A_540 : vector<8x512xi1>, vector<8x512xi32>
      %min3A_542 = arith.minsi %min3A_533, %select_n3A_541 : vector<8x512xi32>
      %eq3A_543 = vector.broadcast %broadcast_in_dim3A_513 : vector<8x1xf32> to vector<8x512xf32>
      %eq3A_544 = arith.cmpf oeq, %min3A_395, %eq3A_543 : vector<8x512xf32>
      %add3A_545 = arith.constant 1536 : i32
      %add3A_546 = vector.broadcast %add3A_545 : i32 to vector<8x512xi32>
      %add3A_547 = arith.addi %iota3A, %add3A_546 : vector<8x512xi32>
      %jit3A_548 = arith.constant 4096 : i32
      %broadcast_in_dim3A_549 = vector.broadcast %jit3A_548 : i32 to vector<8x512xi32>
      %select_n3A_550 = arith.select %eq3A_544, %add3A_547, %broadcast_in_dim3A_549 : vector<8x512xi1>, vector<8x512xi32>
      %min3A_551 = arith.minsi %min3A_542, %select_n3A_550 : vector<8x512xi32>
      %eq3A_552 = vector.broadcast %broadcast_in_dim3A_513 : vector<8x1xf32> to vector<8x512xf32>
      %eq3A_553 = arith.cmpf oeq, %min3A_423, %eq3A_552 : vector<8x512xf32>
      %add3A_554 = arith.constant 2048 : i32
      %add3A_555 = vector.broadcast %add3A_554 : i32 to vector<8x512xi32>
      %add3A_556 = arith.addi %iota3A, %add3A_555 : vector<8x512xi32>
      %jit3A_557 = arith.constant 4096 : i32
      %broadcast_in_dim3A_558 = vector.broadcast %jit3A_557 : i32 to vector<8x512xi32>
      %select_n3A_559 = arith.select %eq3A_553, %add3A_556, %broadcast_in_dim3A_558 : vector<8x512xi1>, vector<8x512xi32>
      %min3A_560 = arith.minsi %min3A_551, %select_n3A_559 : vector<8x512xi32>
      %eq3A_561 = vector.broadcast %broadcast_in_dim3A_513 : vector<8x1xf32> to vector<8x512xf32>
      %eq3A_562 = arith.cmpf oeq, %min3A_451, %eq3A_561 : vector<8x512xf32>
      %add3A_563 = arith.constant 2560 : i32
      %add3A_564 = vector.broadcast %add3A_563 : i32 to vector<8x512xi32>
      %add3A_565 = arith.addi %iota3A, %add3A_564 : vector<8x512xi32>
      %jit3A_566 = arith.constant 4096 : i32
      %broadcast_in_dim3A_567 = vector.broadcast %jit3A_566 : i32 to vector<8x512xi32>
      %select_n3A_568 = arith.select %eq3A_562, %add3A_565, %broadcast_in_dim3A_567 : vector<8x512xi1>, vector<8x512xi32>
      %min3A_569 = arith.minsi %min3A_560, %select_n3A_568 : vector<8x512xi32>
      %eq3A_570 = vector.broadcast %broadcast_in_dim3A_513 : vector<8x1xf32> to vector<8x512xf32>
      %eq3A_571 = arith.cmpf oeq, %min3A_479, %eq3A_570 : vector<8x512xf32>
      %add3A_572 = arith.constant 3072 : i32
      %add3A_573 = vector.broadcast %add3A_572 : i32 to vector<8x512xi32>
      %add3A_574 = arith.addi %iota3A, %add3A_573 : vector<8x512xi32>
      %jit3A_575 = arith.constant 4096 : i32
      %broadcast_in_dim3A_576 = vector.broadcast %jit3A_575 : i32 to vector<8x512xi32>
      %select_n3A_577 = arith.select %eq3A_571, %add3A_574, %broadcast_in_dim3A_576 : vector<8x512xi1>, vector<8x512xi32>
      %min3A_578 = arith.minsi %min3A_569, %select_n3A_577 : vector<8x512xi32>
      %eq3A_579 = vector.broadcast %broadcast_in_dim3A_513 : vector<8x1xf32> to vector<8x512xf32>
      %eq3A_580 = arith.cmpf oeq, %min3A_507, %eq3A_579 : vector<8x512xf32>
      %add3A_581 = arith.constant 3584 : i32
      %add3A_582 = vector.broadcast %add3A_581 : i32 to vector<8x512xi32>
      %add3A_583 = arith.addi %iota3A, %add3A_582 : vector<8x512xi32>
      %jit3A_584 = arith.constant 4096 : i32
      %broadcast_in_dim3A_585 = vector.broadcast %jit3A_584 : i32 to vector<8x512xi32>
      %select_n3A_586 = arith.select %eq3A_580, %add3A_583, %broadcast_in_dim3A_585 : vector<8x512xi1>, vector<8x512xi32>
      %min3A_587 = arith.minsi %min3A_578, %select_n3A_586 : vector<8x512xi32>
      %reduce_min3A = arith.constant dense<2147483647> : vector<8xi32>
      %reduce_min3A_588 = vector.multi_reduction <minsi>, %min3A_587, %reduce_min3A [1] : vector<8x512xi32> to vector<8xi32>
      %broadcast_in_dim3A_589 = vector.shape_cast %reduce_min3A_588 : vector<8xi32> to vector<8x1xi32>
      scf.yield %broadcast_in_dim3A_589, %select_n3A_282, %select_n3A_285, %select_n3A_288 : vector<8x1xi32>, vector<8x512xf32>, vector<8x512xf32>, vector<8x512xf32>
    }
    %scan3A_47 = arith.constant 512 : i32
    %swap3A_48 = arith.constant 0 : index
    %swap3A_49 = arith.constant 0 : index
    %swap3A_50 = vector.load %arg3[%swap3A_48, %swap3A_49] : memref<8x512xf32, #tpu.memory_space<vmem>>, vector<8x512xf32>
    tpu.vector_store %arg3[%swap3A_48, %swap3A_49], %scan3A_46#1 {strides = array<i32>} : memref<8x512xf32, #tpu.memory_space<vmem>>, vector<8x512xf32>,
    %swap3A_51 = arith.constant 0 : index
    %swap3A_52 = arith.constant 0 : index
    %swap3A_53 = vector.load %arg4[%swap3A_51, %swap3A_52] : memref<8x512xf32, #tpu.memory_space<vmem>>, vector<8x512xf32>
    tpu.vector_store %arg4[%swap3A_51, %swap3A_52], %scan3A_46#2 {strides = array<i32>} : memref<8x512xf32, #tpu.memory_space<vmem>>, vector<8x512xf32>,
    %swap3A_54 = arith.constant 0 : index
    %swap3A_55 = arith.constant 0 : index
    %swap3A_56 = vector.load %arg5[%swap3A_54, %swap3A_55] : memref<8x512xf32, #tpu.memory_space<vmem>>, vector<8x512xf32>
    tpu.vector_store %arg5[%swap3A_54, %swap3A_55], %scan3A_46#3 {strides = array<i32>} : memref<8x512xf32, #tpu.memory_space<vmem>>, vector<8x512xf32>,
    return
  }
}

module attributes {stable_mosaic.version = 14 : i64} {
  func.func @_ballq_body(%arg0: i32, %arg1: i32, %arg2: memref<1x256x3xf32, #tpu.memory_space<vmem>>, %arg3: memref<1x3x4096xf32, #tpu.memory_space<vmem>>, %arg4: memref<1x256x32xi32, #tpu.memory_space<vmem>>) attributes {dimension_semantics = [#tpu.dimension_semantics<arbitrary>, #tpu.dimension_semantics<arbitrary>], iteration_bounds = array<i64: 8, 2>, scalar_prefetch = 0 : i64, scratch_operands = 0 : i64, tpu.core_type = #tpu.core_type<tc>, window_params = [{transform_indices = @transform_0, window_bounds = array<i64: 1, 256, 3>}, {transform_indices = @transform_1, window_bounds = array<i64: 1, 3, 4096>}, {transform_indices = @transform_2, window_bounds = array<i64: 1, 256, 32>}]} {
    %get3A = arith.constant 0 : index
    %get3A_0 = arith.constant 0 : index
    %get3A_1 = arith.constant 0 : index
    %get3A_2 = vector.load %arg2[%get3A, %get3A_0, %get3A_1] : memref<1x256x3xf32, #tpu.memory_space<vmem>>, vector<1x256x3xf32>
    %get3A_3 = vector.shape_cast %get3A_2 : vector<1x256x3xf32> to vector<256x3xf32>
    %get3A_4 = arith.constant 0 : index
    %get3A_5 = arith.constant 0 : index
    %get3A_6 = arith.constant 0 : index
    %get3A_7 = vector.load %arg3[%get3A_4, %get3A_5, %get3A_6] : memref<1x3x4096xf32, #tpu.memory_space<vmem>>, vector<1x3x4096xf32>
    %get3A_8 = vector.shape_cast %get3A_7 : vector<1x3x4096xf32> to vector<3x4096xf32>
    %slice3A = vector.extract_strided_slice %get3A_3 {offsets = [0, 0], sizes = [256, 1], strides = [1, 1]} : vector<256x3xf32> to vector<256x1xf32>
    %slice3A_9 = vector.extract_strided_slice %get3A_3 {offsets = [0, 1], sizes = [256, 1], strides = [1, 1]} : vector<256x3xf32> to vector<256x1xf32>
    %slice3A_10 = vector.extract_strided_slice %get3A_3 {offsets = [0, 2], sizes = [256, 1], strides = [1, 1]} : vector<256x3xf32> to vector<256x1xf32>
    %slice3A_11 = vector.extract_strided_slice %get3A_8 {offsets = [0, 0], sizes = [1, 4096], strides = [1, 1]} : vector<3x4096xf32> to vector<1x4096xf32>
    %slice3A_12 = vector.extract_strided_slice %get3A_8 {offsets = [1, 0], sizes = [1, 4096], strides = [1, 1]} : vector<3x4096xf32> to vector<1x4096xf32>
    %slice3A_13 = vector.extract_strided_slice %get3A_8 {offsets = [2, 0], sizes = [1, 4096], strides = [1, 1]} : vector<3x4096xf32> to vector<1x4096xf32>
    %mul3A = arith.mulf %slice3A, %slice3A : vector<256x1xf32>
    %mul3A_14 = arith.mulf %slice3A_9, %slice3A_9 : vector<256x1xf32>
    %add3A = arith.addf %mul3A, %mul3A_14 : vector<256x1xf32>
    %mul3A_15 = arith.mulf %slice3A_10, %slice3A_10 : vector<256x1xf32>
    %add3A_16 = arith.addf %add3A, %mul3A_15 : vector<256x1xf32>
    %mul3A_17 = arith.mulf %slice3A_11, %slice3A_11 : vector<1x4096xf32>
    %mul3A_18 = arith.mulf %slice3A_12, %slice3A_12 : vector<1x4096xf32>
    %add3A_19 = arith.addf %mul3A_17, %mul3A_18 : vector<1x4096xf32>
    %mul3A_20 = arith.mulf %slice3A_13, %slice3A_13 : vector<1x4096xf32>
    %add3A_21 = arith.addf %add3A_19, %mul3A_20 : vector<1x4096xf32>
    %convert_element_type3A = arith.truncf %get3A_3 : vector<256x3xf32> to vector<256x3xbf16>
    %convert_element_type3A_22 = arith.truncf %get3A_8 : vector<3x4096xf32> to vector<3x4096xbf16>
    %dot_general3A = arith.constant dense<0.000000e+00> : vector<256x4096xf32>
    %dot_general3A_23 = tpu.matmul %convert_element_type3A, %convert_element_type3A_22, %dot_general3A {dimension_numbers = #tpu.dot_dimension_numbers<[1], [0], [0], [1], [0, 0, 1, 1], [], []>, transpose_lhs_hint = false} : vector<256x3xbf16>, vector<3x4096xbf16>, vector<256x4096xf32> -> vector<256x4096xf32>
    %sub3A = arith.constant 4.000000e-02 : f32
    %sub3A_24 = vector.broadcast %sub3A : f32 to vector<256x1xf32>
    %sub3A_25 = arith.subf %add3A_16, %sub3A_24 : vector<256x1xf32>
    %add3A_26 = vector.broadcast %sub3A_25 : vector<256x1xf32> to vector<256x4096xf32>
    %add3A_27 = vector.broadcast %add3A_21 : vector<1x4096xf32> to vector<256x4096xf32>
    %add3A_28 = arith.addf %add3A_26, %add3A_27 : vector<256x4096xf32>
    %mul3A_29 = arith.constant 2.000000e+00 : f32
    %mul3A_30 = vector.broadcast %mul3A_29 : f32 to vector<256x4096xf32>
    %mul3A_31 = arith.mulf %mul3A_30, %dot_general3A_23 : vector<256x4096xf32>
    %ge3A = arith.cmpf oge, %mul3A_31, %add3A_28 : vector<256x4096xf32>
    %convert_element_type3A_32 = arith.extui %ge3A : vector<256x4096xi1> to vector<256x4096xi32>
    %broadcast_in_dim3A = arith.constant 0 : i32
    %broadcast_in_dim3A_33 = vector.broadcast %broadcast_in_dim3A : i32 to vector<256x128xi32>
    %slice3A_34 = vector.extract_strided_slice %convert_element_type3A_32 {offsets = [0, 0], sizes = [256, 128], strides = [1, 1]} : vector<256x4096xi32> to vector<256x128xi32>
    %shift_left3A = arith.constant 0 : i32
    %shift_left3A_35 = vector.broadcast %shift_left3A : i32 to vector<256x128xi32>
    %shift_left3A_36 = arith.shli %slice3A_34, %shift_left3A_35 : vector<256x128xi32>
    %or3A = arith.ori %broadcast_in_dim3A_33, %shift_left3A_36 : vector<256x128xi32>
    %slice3A_37 = vector.extract_strided_slice %convert_element_type3A_32 {offsets = [0, 128], sizes = [256, 128], strides = [1, 1]} : vector<256x4096xi32> to vector<256x128xi32>
    %shift_left3A_38 = arith.constant 1 : i32
    %shift_left3A_39 = vector.broadcast %shift_left3A_38 : i32 to vector<256x128xi32>
    %shift_left3A_40 = arith.shli %slice3A_37, %shift_left3A_39 : vector<256x128xi32>
    %or3A_41 = arith.ori %or3A, %shift_left3A_40 : vector<256x128xi32>
    %slice3A_42 = vector.extract_strided_slice %convert_element_type3A_32 {offsets = [0, 256], sizes = [256, 128], strides = [1, 1]} : vector<256x4096xi32> to vector<256x128xi32>
    %shift_left3A_43 = arith.constant 2 : i32
    %shift_left3A_44 = vector.broadcast %shift_left3A_43 : i32 to vector<256x128xi32>
    %shift_left3A_45 = arith.shli %slice3A_42, %shift_left3A_44 : vector<256x128xi32>
    %or3A_46 = arith.ori %or3A_41, %shift_left3A_45 : vector<256x128xi32>
    %slice3A_47 = vector.extract_strided_slice %convert_element_type3A_32 {offsets = [0, 384], sizes = [256, 128], strides = [1, 1]} : vector<256x4096xi32> to vector<256x128xi32>
    %shift_left3A_48 = arith.constant 3 : i32
    %shift_left3A_49 = vector.broadcast %shift_left3A_48 : i32 to vector<256x128xi32>
    %shift_left3A_50 = arith.shli %slice3A_47, %shift_left3A_49 : vector<256x128xi32>
    %or3A_51 = arith.ori %or3A_46, %shift_left3A_50 : vector<256x128xi32>
    %slice3A_52 = vector.extract_strided_slice %convert_element_type3A_32 {offsets = [0, 512], sizes = [256, 128], strides = [1, 1]} : vector<256x4096xi32> to vector<256x128xi32>
    %shift_left3A_53 = arith.constant 4 : i32
    %shift_left3A_54 = vector.broadcast %shift_left3A_53 : i32 to vector<256x128xi32>
    %shift_left3A_55 = arith.shli %slice3A_52, %shift_left3A_54 : vector<256x128xi32>
    %or3A_56 = arith.ori %or3A_51, %shift_left3A_55 : vector<256x128xi32>
    %slice3A_57 = vector.extract_strided_slice %convert_element_type3A_32 {offsets = [0, 640], sizes = [256, 128], strides = [1, 1]} : vector<256x4096xi32> to vector<256x128xi32>
    %shift_left3A_58 = arith.constant 5 : i32
    %shift_left3A_59 = vector.broadcast %shift_left3A_58 : i32 to vector<256x128xi32>
    %shift_left3A_60 = arith.shli %slice3A_57, %shift_left3A_59 : vector<256x128xi32>
    %or3A_61 = arith.ori %or3A_56, %shift_left3A_60 : vector<256x128xi32>
    %slice3A_62 = vector.extract_strided_slice %convert_element_type3A_32 {offsets = [0, 768], sizes = [256, 128], strides = [1, 1]} : vector<256x4096xi32> to vector<256x128xi32>
    %shift_left3A_63 = arith.constant 6 : i32
    %shift_left3A_64 = vector.broadcast %shift_left3A_63 : i32 to vector<256x128xi32>
    %shift_left3A_65 = arith.shli %slice3A_62, %shift_left3A_64 : vector<256x128xi32>
    %or3A_66 = arith.ori %or3A_61, %shift_left3A_65 : vector<256x128xi32>
    %slice3A_67 = vector.extract_strided_slice %convert_element_type3A_32 {offsets = [0, 896], sizes = [256, 128], strides = [1, 1]} : vector<256x4096xi32> to vector<256x128xi32>
    %shift_left3A_68 = arith.constant 7 : i32
    %shift_left3A_69 = vector.broadcast %shift_left3A_68 : i32 to vector<256x128xi32>
    %shift_left3A_70 = arith.shli %slice3A_67, %shift_left3A_69 : vector<256x128xi32>
    %or3A_71 = arith.ori %or3A_66, %shift_left3A_70 : vector<256x128xi32>
    %slice3A_72 = vector.extract_strided_slice %convert_element_type3A_32 {offsets = [0, 1024], sizes = [256, 128], strides = [1, 1]} : vector<256x4096xi32> to vector<256x128xi32>
    %shift_left3A_73 = arith.constant 8 : i32
    %shift_left3A_74 = vector.broadcast %shift_left3A_73 : i32 to vector<256x128xi32>
    %shift_left3A_75 = arith.shli %slice3A_72, %shift_left3A_74 : vector<256x128xi32>
    %or3A_76 = arith.ori %or3A_71, %shift_left3A_75 : vector<256x128xi32>
    %slice3A_77 = vector.extract_strided_slice %convert_element_type3A_32 {offsets = [0, 1152], sizes = [256, 128], strides = [1, 1]} : vector<256x4096xi32> to vector<256x128xi32>
    %shift_left3A_78 = arith.constant 9 : i32
    %shift_left3A_79 = vector.broadcast %shift_left3A_78 : i32 to vector<256x128xi32>
    %shift_left3A_80 = arith.shli %slice3A_77, %shift_left3A_79 : vector<256x128xi32>
    %or3A_81 = arith.ori %or3A_76, %shift_left3A_80 : vector<256x128xi32>
    %slice3A_82 = vector.extract_strided_slice %convert_element_type3A_32 {offsets = [0, 1280], sizes = [256, 128], strides = [1, 1]} : vector<256x4096xi32> to vector<256x128xi32>
    %shift_left3A_83 = arith.constant 10 : i32
    %shift_left3A_84 = vector.broadcast %shift_left3A_83 : i32 to vector<256x128xi32>
    %shift_left3A_85 = arith.shli %slice3A_82, %shift_left3A_84 : vector<256x128xi32>
    %or3A_86 = arith.ori %or3A_81, %shift_left3A_85 : vector<256x128xi32>
    %slice3A_87 = vector.extract_strided_slice %convert_element_type3A_32 {offsets = [0, 1408], sizes = [256, 128], strides = [1, 1]} : vector<256x4096xi32> to vector<256x128xi32>
    %shift_left3A_88 = arith.constant 11 : i32
    %shift_left3A_89 = vector.broadcast %shift_left3A_88 : i32 to vector<256x128xi32>
    %shift_left3A_90 = arith.shli %slice3A_87, %shift_left3A_89 : vector<256x128xi32>
    %or3A_91 = arith.ori %or3A_86, %shift_left3A_90 : vector<256x128xi32>
    %slice3A_92 = vector.extract_strided_slice %convert_element_type3A_32 {offsets = [0, 1536], sizes = [256, 128], strides = [1, 1]} : vector<256x4096xi32> to vector<256x128xi32>
    %shift_left3A_93 = arith.constant 12 : i32
    %shift_left3A_94 = vector.broadcast %shift_left3A_93 : i32 to vector<256x128xi32>
    %shift_left3A_95 = arith.shli %slice3A_92, %shift_left3A_94 : vector<256x128xi32>
    %or3A_96 = arith.ori %or3A_91, %shift_left3A_95 : vector<256x128xi32>
    %slice3A_97 = vector.extract_strided_slice %convert_element_type3A_32 {offsets = [0, 1664], sizes = [256, 128], strides = [1, 1]} : vector<256x4096xi32> to vector<256x128xi32>
    %shift_left3A_98 = arith.constant 13 : i32
    %shift_left3A_99 = vector.broadcast %shift_left3A_98 : i32 to vector<256x128xi32>
    %shift_left3A_100 = arith.shli %slice3A_97, %shift_left3A_99 : vector<256x128xi32>
    %or3A_101 = arith.ori %or3A_96, %shift_left3A_100 : vector<256x128xi32>
    %slice3A_102 = vector.extract_strided_slice %convert_element_type3A_32 {offsets = [0, 1792], sizes = [256, 128], strides = [1, 1]} : vector<256x4096xi32> to vector<256x128xi32>
    %shift_left3A_103 = arith.constant 14 : i32
    %shift_left3A_104 = vector.broadcast %shift_left3A_103 : i32 to vector<256x128xi32>
    %shift_left3A_105 = arith.shli %slice3A_102, %shift_left3A_104 : vector<256x128xi32>
    %or3A_106 = arith.ori %or3A_101, %shift_left3A_105 : vector<256x128xi32>
    %slice3A_107 = vector.extract_strided_slice %convert_element_type3A_32 {offsets = [0, 1920], sizes = [256, 128], strides = [1, 1]} : vector<256x4096xi32> to vector<256x128xi32>
    %shift_left3A_108 = arith.constant 15 : i32
    %shift_left3A_109 = vector.broadcast %shift_left3A_108 : i32 to vector<256x128xi32>
    %shift_left3A_110 = arith.shli %slice3A_107, %shift_left3A_109 : vector<256x128xi32>
    %or3A_111 = arith.ori %or3A_106, %shift_left3A_110 : vector<256x128xi32>
    %slice3A_112 = vector.extract_strided_slice %convert_element_type3A_32 {offsets = [0, 2048], sizes = [256, 128], strides = [1, 1]} : vector<256x4096xi32> to vector<256x128xi32>
    %shift_left3A_113 = arith.constant 16 : i32
    %shift_left3A_114 = vector.broadcast %shift_left3A_113 : i32 to vector<256x128xi32>
    %shift_left3A_115 = arith.shli %slice3A_112, %shift_left3A_114 : vector<256x128xi32>
    %or3A_116 = arith.ori %or3A_111, %shift_left3A_115 : vector<256x128xi32>
    %slice3A_117 = vector.extract_strided_slice %convert_element_type3A_32 {offsets = [0, 2176], sizes = [256, 128], strides = [1, 1]} : vector<256x4096xi32> to vector<256x128xi32>
    %shift_left3A_118 = arith.constant 17 : i32
    %shift_left3A_119 = vector.broadcast %shift_left3A_118 : i32 to vector<256x128xi32>
    %shift_left3A_120 = arith.shli %slice3A_117, %shift_left3A_119 : vector<256x128xi32>
    %or3A_121 = arith.ori %or3A_116, %shift_left3A_120 : vector<256x128xi32>
    %slice3A_122 = vector.extract_strided_slice %convert_element_type3A_32 {offsets = [0, 2304], sizes = [256, 128], strides = [1, 1]} : vector<256x4096xi32> to vector<256x128xi32>
    %shift_left3A_123 = arith.constant 18 : i32
    %shift_left3A_124 = vector.broadcast %shift_left3A_123 : i32 to vector<256x128xi32>
    %shift_left3A_125 = arith.shli %slice3A_122, %shift_left3A_124 : vector<256x128xi32>
    %or3A_126 = arith.ori %or3A_121, %shift_left3A_125 : vector<256x128xi32>
    %slice3A_127 = vector.extract_strided_slice %convert_element_type3A_32 {offsets = [0, 2432], sizes = [256, 128], strides = [1, 1]} : vector<256x4096xi32> to vector<256x128xi32>
    %shift_left3A_128 = arith.constant 19 : i32
    %shift_left3A_129 = vector.broadcast %shift_left3A_128 : i32 to vector<256x128xi32>
    %shift_left3A_130 = arith.shli %slice3A_127, %shift_left3A_129 : vector<256x128xi32>
    %or3A_131 = arith.ori %or3A_126, %shift_left3A_130 : vector<256x128xi32>
    %slice3A_132 = vector.extract_strided_slice %convert_element_type3A_32 {offsets = [0, 2560], sizes = [256, 128], strides = [1, 1]} : vector<256x4096xi32> to vector<256x128xi32>
    %shift_left3A_133 = arith.constant 20 : i32
    %shift_left3A_134 = vector.broadcast %shift_left3A_133 : i32 to vector<256x128xi32>
    %shift_left3A_135 = arith.shli %slice3A_132, %shift_left3A_134 : vector<256x128xi32>
    %or3A_136 = arith.ori %or3A_131, %shift_left3A_135 : vector<256x128xi32>
    %slice3A_137 = vector.extract_strided_slice %convert_element_type3A_32 {offsets = [0, 2688], sizes = [256, 128], strides = [1, 1]} : vector<256x4096xi32> to vector<256x128xi32>
    %shift_left3A_138 = arith.constant 21 : i32
    %shift_left3A_139 = vector.broadcast %shift_left3A_138 : i32 to vector<256x128xi32>
    %shift_left3A_140 = arith.shli %slice3A_137, %shift_left3A_139 : vector<256x128xi32>
    %or3A_141 = arith.ori %or3A_136, %shift_left3A_140 : vector<256x128xi32>
    %slice3A_142 = vector.extract_strided_slice %convert_element_type3A_32 {offsets = [0, 2816], sizes = [256, 128], strides = [1, 1]} : vector<256x4096xi32> to vector<256x128xi32>
    %shift_left3A_143 = arith.constant 22 : i32
    %shift_left3A_144 = vector.broadcast %shift_left3A_143 : i32 to vector<256x128xi32>
    %shift_left3A_145 = arith.shli %slice3A_142, %shift_left3A_144 : vector<256x128xi32>
    %or3A_146 = arith.ori %or3A_141, %shift_left3A_145 : vector<256x128xi32>
    %slice3A_147 = vector.extract_strided_slice %convert_element_type3A_32 {offsets = [0, 2944], sizes = [256, 128], strides = [1, 1]} : vector<256x4096xi32> to vector<256x128xi32>
    %shift_left3A_148 = arith.constant 23 : i32
    %shift_left3A_149 = vector.broadcast %shift_left3A_148 : i32 to vector<256x128xi32>
    %shift_left3A_150 = arith.shli %slice3A_147, %shift_left3A_149 : vector<256x128xi32>
    %or3A_151 = arith.ori %or3A_146, %shift_left3A_150 : vector<256x128xi32>
    %slice3A_152 = vector.extract_strided_slice %convert_element_type3A_32 {offsets = [0, 3072], sizes = [256, 128], strides = [1, 1]} : vector<256x4096xi32> to vector<256x128xi32>
    %shift_left3A_153 = arith.constant 24 : i32
    %shift_left3A_154 = vector.broadcast %shift_left3A_153 : i32 to vector<256x128xi32>
    %shift_left3A_155 = arith.shli %slice3A_152, %shift_left3A_154 : vector<256x128xi32>
    %or3A_156 = arith.ori %or3A_151, %shift_left3A_155 : vector<256x128xi32>
    %slice3A_157 = vector.extract_strided_slice %convert_element_type3A_32 {offsets = [0, 3200], sizes = [256, 128], strides = [1, 1]} : vector<256x4096xi32> to vector<256x128xi32>
    %shift_left3A_158 = arith.constant 25 : i32
    %shift_left3A_159 = vector.broadcast %shift_left3A_158 : i32 to vector<256x128xi32>
    %shift_left3A_160 = arith.shli %slice3A_157, %shift_left3A_159 : vector<256x128xi32>
    %or3A_161 = arith.ori %or3A_156, %shift_left3A_160 : vector<256x128xi32>
    %slice3A_162 = vector.extract_strided_slice %convert_element_type3A_32 {offsets = [0, 3328], sizes = [256, 128], strides = [1, 1]} : vector<256x4096xi32> to vector<256x128xi32>
    %shift_left3A_163 = arith.constant 26 : i32
    %shift_left3A_164 = vector.broadcast %shift_left3A_163 : i32 to vector<256x128xi32>
    %shift_left3A_165 = arith.shli %slice3A_162, %shift_left3A_164 : vector<256x128xi32>
    %or3A_166 = arith.ori %or3A_161, %shift_left3A_165 : vector<256x128xi32>
    %slice3A_167 = vector.extract_strided_slice %convert_element_type3A_32 {offsets = [0, 3456], sizes = [256, 128], strides = [1, 1]} : vector<256x4096xi32> to vector<256x128xi32>
    %shift_left3A_168 = arith.constant 27 : i32
    %shift_left3A_169 = vector.broadcast %shift_left3A_168 : i32 to vector<256x128xi32>
    %shift_left3A_170 = arith.shli %slice3A_167, %shift_left3A_169 : vector<256x128xi32>
    %or3A_171 = arith.ori %or3A_166, %shift_left3A_170 : vector<256x128xi32>
    %slice3A_172 = vector.extract_strided_slice %convert_element_type3A_32 {offsets = [0, 3584], sizes = [256, 128], strides = [1, 1]} : vector<256x4096xi32> to vector<256x128xi32>
    %shift_left3A_173 = arith.constant 28 : i32
    %shift_left3A_174 = vector.broadcast %shift_left3A_173 : i32 to vector<256x128xi32>
    %shift_left3A_175 = arith.shli %slice3A_172, %shift_left3A_174 : vector<256x128xi32>
    %or3A_176 = arith.ori %or3A_171, %shift_left3A_175 : vector<256x128xi32>
    %slice3A_177 = vector.extract_strided_slice %convert_element_type3A_32 {offsets = [0, 3712], sizes = [256, 128], strides = [1, 1]} : vector<256x4096xi32> to vector<256x128xi32>
    %shift_left3A_178 = arith.constant 29 : i32
    %shift_left3A_179 = vector.broadcast %shift_left3A_178 : i32 to vector<256x128xi32>
    %shift_left3A_180 = arith.shli %slice3A_177, %shift_left3A_179 : vector<256x128xi32>
    %or3A_181 = arith.ori %or3A_176, %shift_left3A_180 : vector<256x128xi32>
    %slice3A_182 = vector.extract_strided_slice %convert_element_type3A_32 {offsets = [0, 3840], sizes = [256, 128], strides = [1, 1]} : vector<256x4096xi32> to vector<256x128xi32>
    %shift_left3A_183 = arith.constant 30 : i32
    %shift_left3A_184 = vector.broadcast %shift_left3A_183 : i32 to vector<256x128xi32>
    %shift_left3A_185 = arith.shli %slice3A_182, %shift_left3A_184 : vector<256x128xi32>
    %or3A_186 = arith.ori %or3A_181, %shift_left3A_185 : vector<256x128xi32>
    %slice3A_187 = vector.extract_strided_slice %convert_element_type3A_32 {offsets = [0, 3968], sizes = [256, 128], strides = [1, 1]} : vector<256x4096xi32> to vector<256x128xi32>
    %shift_left3A_188 = arith.constant 31 : i32
    %shift_left3A_189 = vector.broadcast %shift_left3A_188 : i32 to vector<256x128xi32>
    %shift_left3A_190 = arith.shli %slice3A_187, %shift_left3A_189 : vector<256x128xi32>
    %or3A_191 = arith.ori %or3A_186, %shift_left3A_190 : vector<256x128xi32>
    %iota3A = tpu.iota {dimensions = array<i32: 1>} : vector<256x128xi32>
    %neg3A = arith.constant 0 : i32
    %neg3A_192 = vector.broadcast %neg3A : i32 to vector<256x128xi32>
    %neg3A_193 = arith.subi %neg3A_192, %or3A_191 : vector<256x128xi32>
    %and3A = arith.andi %or3A_191, %neg3A_193 : vector<256x128xi32>
    %sub3A_194 = arith.constant 1 : i32
    %sub3A_195 = vector.broadcast %sub3A_194 : i32 to vector<256x128xi32>
    %sub3A_196 = arith.subi %and3A, %sub3A_195 : vector<256x128xi32>
    %population_count3A = math.ctpop %sub3A_196 : vector<256x128xi32>
    %ne3A = arith.constant 0 : i32
    %ne3A_197 = vector.broadcast %ne3A : i32 to vector<256x128xi32>
    %ne3A_198 = arith.cmpi ne, %or3A_191, %ne3A_197 : vector<256x128xi32>
    %mul3A_199 = arith.constant 128 : i32
    %mul3A_200 = vector.broadcast %mul3A_199 : i32 to vector<256x128xi32>
    %mul3A_201 = arith.muli %population_count3A, %mul3A_200 : vector<256x128xi32>
    %add3A_202 = arith.addi %mul3A_201, %iota3A : vector<256x128xi32>
    %jit3A = arith.constant 4096 : i32
    %broadcast_in_dim3A_203 = vector.broadcast %jit3A : i32 to vector<256x128xi32>
    %select_n3A = arith.select %ne3A_198, %add3A_202, %broadcast_in_dim3A_203 : vector<256x128xi1>, vector<256x128xi32>
    %reduce_min3A = arith.constant dense<2147483647> : vector<256xi32>
    %reduce_min3A_204 = vector.multi_reduction <minsi>, %select_n3A, %reduce_min3A [1] : vector<256x128xi32> to vector<256xi32>
    %broadcast_in_dim3A_205 = vector.shape_cast %reduce_min3A_204 : vector<256xi32> to vector<256x1xi32>
    %shift_right_arithmetic3A = arith.constant 7 : i32
    %shift_right_arithmetic3A_206 = vector.broadcast %shift_right_arithmetic3A : i32 to vector<256x1xi32>
    %shift_right_arithmetic3A_207 = arith.shrsi %broadcast_in_dim3A_205, %shift_right_arithmetic3A_206 : vector<256x1xi32>
    %min3A = arith.constant 31 : i32
    %min3A_208 = vector.broadcast %min3A : i32 to vector<256x1xi32>
    %min3A_209 = arith.minsi %shift_right_arithmetic3A_207, %min3A_208 : vector<256x1xi32>
    %lt3A = arith.constant 4096 : i32
    %lt3A_210 = vector.broadcast %lt3A : i32 to vector<256x1xi32>
    %lt3A_211 = arith.cmpi slt, %broadcast_in_dim3A_205, %lt3A_210 : vector<256x1xi32>
    %shift_left3A_212 = arith.constant 1 : i32
    %shift_left3A_213 = vector.broadcast %shift_left3A_212 : i32 to vector<256x1xi32>
    %shift_left3A_214 = arith.shli %shift_left3A_213, %min3A_209 : vector<256x1xi32>
    %jit3A_215 = arith.constant 0 : i32
    %broadcast_in_dim3A_216 = vector.broadcast %jit3A_215 : i32 to vector<256x1xi32>
    %select_n3A_217 = arith.select %lt3A_211, %shift_left3A_214, %broadcast_in_dim3A_216 : vector<256x1xi1>, vector<256x1xi32>
    %and3A_218 = arith.constant 127 : i32
    %and3A_219 = vector.broadcast %and3A_218 : i32 to vector<256x1xi32>
    %and3A_220 = arith.andi %broadcast_in_dim3A_205, %and3A_219 : vector<256x1xi32>
    %eq3A = vector.broadcast %and3A_220 : vector<256x1xi32> to vector<256x128xi32>
    %eq3A_221 = arith.cmpi eq, %iota3A, %eq3A : vector<256x128xi32>
    %not3A = arith.constant dense<-1> : vector<256x1xi32>
    %not3A_222 = arith.xori %select_n3A_217, %not3A : vector<256x1xi32>
    %and3A_223 = vector.broadcast %not3A_222 : vector<256x1xi32> to vector<256x128xi32>
    %and3A_224 = arith.andi %or3A_191, %and3A_223 : vector<256x128xi32>
    %select_n3A_225 = arith.select %eq3A_221, %and3A_224, %or3A_191 : vector<256x128xi1>, vector<256x128xi32>
    %neg3A_226 = arith.constant 0 : i32
    %neg3A_227 = vector.broadcast %neg3A_226 : i32 to vector<256x128xi32>
    %neg3A_228 = arith.subi %neg3A_227, %select_n3A_225 : vector<256x128xi32>
    %and3A_229 = arith.andi %select_n3A_225, %neg3A_228 : vector<256x128xi32>
    %sub3A_230 = arith.constant 1 : i32
    %sub3A_231 = vector.broadcast %sub3A_230 : i32 to vector<256x128xi32>
    %sub3A_232 = arith.subi %and3A_229, %sub3A_231 : vector<256x128xi32>
    %population_count3A_233 = math.ctpop %sub3A_232 : vector<256x128xi32>
    %ne3A_234 = arith.constant 0 : i32
    %ne3A_235 = vector.broadcast %ne3A_234 : i32 to vector<256x128xi32>
    %ne3A_236 = arith.cmpi ne, %select_n3A_225, %ne3A_235 : vector<256x128xi32>
    %mul3A_237 = arith.constant 128 : i32
    %mul3A_238 = vector.broadcast %mul3A_237 : i32 to vector<256x128xi32>
    %mul3A_239 = arith.muli %population_count3A_233, %mul3A_238 : vector<256x128xi32>
    %add3A_240 = arith.addi %mul3A_239, %iota3A : vector<256x128xi32>
    %jit3A_241 = arith.constant 4096 : i32
    %broadcast_in_dim3A_242 = vector.broadcast %jit3A_241 : i32 to vector<256x128xi32>
    %select_n3A_243 = arith.select %ne3A_236, %add3A_240, %broadcast_in_dim3A_242 : vector<256x128xi1>, vector<256x128xi32>
    %reduce_min3A_244 = arith.constant dense<2147483647> : vector<256xi32>
    %reduce_min3A_245 = vector.multi_reduction <minsi>, %select_n3A_243, %reduce_min3A_244 [1] : vector<256x128xi32> to vector<256xi32>
    %broadcast_in_dim3A_246 = vector.shape_cast %reduce_min3A_245 : vector<256xi32> to vector<256x1xi32>
    %shift_right_arithmetic3A_247 = arith.constant 7 : i32
    %shift_right_arithmetic3A_248 = vector.broadcast %shift_right_arithmetic3A_247 : i32 to vector<256x1xi32>
    %shift_right_arithmetic3A_249 = arith.shrsi %broadcast_in_dim3A_246, %shift_right_arithmetic3A_248 : vector<256x1xi32>
    %min3A_250 = arith.constant 31 : i32
    %min3A_251 = vector.broadcast %min3A_250 : i32 to vector<256x1xi32>
    %min3A_252 = arith.minsi %shift_right_arithmetic3A_249, %min3A_251 : vector<256x1xi32>
    %lt3A_253 = arith.constant 4096 : i32
    %lt3A_254 = vector.broadcast %lt3A_253 : i32 to vector<256x1xi32>
    %lt3A_255 = arith.cmpi slt, %broadcast_in_dim3A_246, %lt3A_254 : vector<256x1xi32>
    %shift_left3A_256 = arith.constant 1 : i32
    %shift_left3A_257 = vector.broadcast %shift_left3A_256 : i32 to vector<256x1xi32>
    %shift_left3A_258 = arith.shli %shift_left3A_257, %min3A_252 : vector<256x1xi32>
    %jit3A_259 = arith.constant 0 : i32
    %broadcast_in_dim3A_260 = vector.broadcast %jit3A_259 : i32 to vector<256x1xi32>
    %select_n3A_261 = arith.select %lt3A_255, %shift_left3A_258, %broadcast_in_dim3A_260 : vector<256x1xi1>, vector<256x1xi32>
    %and3A_262 = arith.constant 127 : i32
    %and3A_263 = vector.broadcast %and3A_262 : i32 to vector<256x1xi32>
    %and3A_264 = arith.andi %broadcast_in_dim3A_246, %and3A_263 : vector<256x1xi32>
    %eq3A_265 = vector.broadcast %and3A_264 : vector<256x1xi32> to vector<256x128xi32>
    %eq3A_266 = arith.cmpi eq, %iota3A, %eq3A_265 : vector<256x128xi32>
    %not3A_267 = arith.constant dense<-1> : vector<256x1xi32>
    %not3A_268 = arith.xori %select_n3A_261, %not3A_267 : vector<256x1xi32>
    %and3A_269 = vector.broadcast %not3A_268 : vector<256x1xi32> to vector<256x128xi32>
    %and3A_270 = arith.andi %select_n3A_225, %and3A_269 : vector<256x128xi32>
    %select_n3A_271 = arith.select %eq3A_266, %and3A_270, %select_n3A_225 : vector<256x128xi1>, vector<256x128xi32>
    %neg3A_272 = arith.constant 0 : i32
    %neg3A_273 = vector.broadcast %neg3A_272 : i32 to vector<256x128xi32>
    %neg3A_274 = arith.subi %neg3A_273, %select_n3A_271 : vector<256x128xi32>
    %and3A_275 = arith.andi %select_n3A_271, %neg3A_274 : vector<256x128xi32>
    %sub3A_276 = arith.constant 1 : i32
    %sub3A_277 = vector.broadcast %sub3A_276 : i32 to vector<256x128xi32>
    %sub3A_278 = arith.subi %and3A_275, %sub3A_277 : vector<256x128xi32>
    %population_count3A_279 = math.ctpop %sub3A_278 : vector<256x128xi32>
    %ne3A_280 = arith.constant 0 : i32
    %ne3A_281 = vector.broadcast %ne3A_280 : i32 to vector<256x128xi32>
    %ne3A_282 = arith.cmpi ne, %select_n3A_271, %ne3A_281 : vector<256x128xi32>
    %mul3A_283 = arith.constant 128 : i32
    %mul3A_284 = vector.broadcast %mul3A_283 : i32 to vector<256x128xi32>
    %mul3A_285 = arith.muli %population_count3A_279, %mul3A_284 : vector<256x128xi32>
    %add3A_286 = arith.addi %mul3A_285, %iota3A : vector<256x128xi32>
    %jit3A_287 = arith.constant 4096 : i32
    %broadcast_in_dim3A_288 = vector.broadcast %jit3A_287 : i32 to vector<256x128xi32>
    %select_n3A_289 = arith.select %ne3A_282, %add3A_286, %broadcast_in_dim3A_288 : vector<256x128xi1>, vector<256x128xi32>
    %reduce_min3A_290 = arith.constant dense<2147483647> : vector<256xi32>
    %reduce_min3A_291 = vector.multi_reduction <minsi>, %select_n3A_289, %reduce_min3A_290 [1] : vector<256x128xi32> to vector<256xi32>
    %broadcast_in_dim3A_292 = vector.shape_cast %reduce_min3A_291 : vector<256xi32> to vector<256x1xi32>
    %shift_right_arithmetic3A_293 = arith.constant 7 : i32
    %shift_right_arithmetic3A_294 = vector.broadcast %shift_right_arithmetic3A_293 : i32 to vector<256x1xi32>
    %shift_right_arithmetic3A_295 = arith.shrsi %broadcast_in_dim3A_292, %shift_right_arithmetic3A_294 : vector<256x1xi32>
    %min3A_296 = arith.constant 31 : i32
    %min3A_297 = vector.broadcast %min3A_296 : i32 to vector<256x1xi32>
    %min3A_298 = arith.minsi %shift_right_arithmetic3A_295, %min3A_297 : vector<256x1xi32>
    %lt3A_299 = arith.constant 4096 : i32
    %lt3A_300 = vector.broadcast %lt3A_299 : i32 to vector<256x1xi32>
    %lt3A_301 = arith.cmpi slt, %broadcast_in_dim3A_292, %lt3A_300 : vector<256x1xi32>
    %shift_left3A_302 = arith.constant 1 : i32
    %shift_left3A_303 = vector.broadcast %shift_left3A_302 : i32 to vector<256x1xi32>
    %shift_left3A_304 = arith.shli %shift_left3A_303, %min3A_298 : vector<256x1xi32>
    %jit3A_305 = arith.constant 0 : i32
    %broadcast_in_dim3A_306 = vector.broadcast %jit3A_305 : i32 to vector<256x1xi32>
    %select_n3A_307 = arith.select %lt3A_301, %shift_left3A_304, %broadcast_in_dim3A_306 : vector<256x1xi1>, vector<256x1xi32>
    %and3A_308 = arith.constant 127 : i32
    %and3A_309 = vector.broadcast %and3A_308 : i32 to vector<256x1xi32>
    %and3A_310 = arith.andi %broadcast_in_dim3A_292, %and3A_309 : vector<256x1xi32>
    %eq3A_311 = vector.broadcast %and3A_310 : vector<256x1xi32> to vector<256x128xi32>
    %eq3A_312 = arith.cmpi eq, %iota3A, %eq3A_311 : vector<256x128xi32>
    %not3A_313 = arith.constant dense<-1> : vector<256x1xi32>
    %not3A_314 = arith.xori %select_n3A_307, %not3A_313 : vector<256x1xi32>
    %and3A_315 = vector.broadcast %not3A_314 : vector<256x1xi32> to vector<256x128xi32>
    %and3A_316 = arith.andi %select_n3A_271, %and3A_315 : vector<256x128xi32>
    %select_n3A_317 = arith.select %eq3A_312, %and3A_316, %select_n3A_271 : vector<256x128xi1>, vector<256x128xi32>
    %neg3A_318 = arith.constant 0 : i32
    %neg3A_319 = vector.broadcast %neg3A_318 : i32 to vector<256x128xi32>
    %neg3A_320 = arith.subi %neg3A_319, %select_n3A_317 : vector<256x128xi32>
    %and3A_321 = arith.andi %select_n3A_317, %neg3A_320 : vector<256x128xi32>
    %sub3A_322 = arith.constant 1 : i32
    %sub3A_323 = vector.broadcast %sub3A_322 : i32 to vector<256x128xi32>
    %sub3A_324 = arith.subi %and3A_321, %sub3A_323 : vector<256x128xi32>
    %population_count3A_325 = math.ctpop %sub3A_324 : vector<256x128xi32>
    %ne3A_326 = arith.constant 0 : i32
    %ne3A_327 = vector.broadcast %ne3A_326 : i32 to vector<256x128xi32>
    %ne3A_328 = arith.cmpi ne, %select_n3A_317, %ne3A_327 : vector<256x128xi32>
    %mul3A_329 = arith.constant 128 : i32
    %mul3A_330 = vector.broadcast %mul3A_329 : i32 to vector<256x128xi32>
    %mul3A_331 = arith.muli %population_count3A_325, %mul3A_330 : vector<256x128xi32>
    %add3A_332 = arith.addi %mul3A_331, %iota3A : vector<256x128xi32>
    %jit3A_333 = arith.constant 4096 : i32
    %broadcast_in_dim3A_334 = vector.broadcast %jit3A_333 : i32 to vector<256x128xi32>
    %select_n3A_335 = arith.select %ne3A_328, %add3A_332, %broadcast_in_dim3A_334 : vector<256x128xi1>, vector<256x128xi32>
    %reduce_min3A_336 = arith.constant dense<2147483647> : vector<256xi32>
    %reduce_min3A_337 = vector.multi_reduction <minsi>, %select_n3A_335, %reduce_min3A_336 [1] : vector<256x128xi32> to vector<256xi32>
    %broadcast_in_dim3A_338 = vector.shape_cast %reduce_min3A_337 : vector<256xi32> to vector<256x1xi32>
    %shift_right_arithmetic3A_339 = arith.constant 7 : i32
    %shift_right_arithmetic3A_340 = vector.broadcast %shift_right_arithmetic3A_339 : i32 to vector<256x1xi32>
    %shift_right_arithmetic3A_341 = arith.shrsi %broadcast_in_dim3A_338, %shift_right_arithmetic3A_340 : vector<256x1xi32>
    %min3A_342 = arith.constant 31 : i32
    %min3A_343 = vector.broadcast %min3A_342 : i32 to vector<256x1xi32>
    %min3A_344 = arith.minsi %shift_right_arithmetic3A_341, %min3A_343 : vector<256x1xi32>
    %lt3A_345 = arith.constant 4096 : i32
    %lt3A_346 = vector.broadcast %lt3A_345 : i32 to vector<256x1xi32>
    %lt3A_347 = arith.cmpi slt, %broadcast_in_dim3A_338, %lt3A_346 : vector<256x1xi32>
    %shift_left3A_348 = arith.constant 1 : i32
    %shift_left3A_349 = vector.broadcast %shift_left3A_348 : i32 to vector<256x1xi32>
    %shift_left3A_350 = arith.shli %shift_left3A_349, %min3A_344 : vector<256x1xi32>
    %jit3A_351 = arith.constant 0 : i32
    %broadcast_in_dim3A_352 = vector.broadcast %jit3A_351 : i32 to vector<256x1xi32>
    %select_n3A_353 = arith.select %lt3A_347, %shift_left3A_350, %broadcast_in_dim3A_352 : vector<256x1xi1>, vector<256x1xi32>
    %and3A_354 = arith.constant 127 : i32
    %and3A_355 = vector.broadcast %and3A_354 : i32 to vector<256x1xi32>
    %and3A_356 = arith.andi %broadcast_in_dim3A_338, %and3A_355 : vector<256x1xi32>
    %eq3A_357 = vector.broadcast %and3A_356 : vector<256x1xi32> to vector<256x128xi32>
    %eq3A_358 = arith.cmpi eq, %iota3A, %eq3A_357 : vector<256x128xi32>
    %not3A_359 = arith.constant dense<-1> : vector<256x1xi32>
    %not3A_360 = arith.xori %select_n3A_353, %not3A_359 : vector<256x1xi32>
    %and3A_361 = vector.broadcast %not3A_360 : vector<256x1xi32> to vector<256x128xi32>
    %and3A_362 = arith.andi %select_n3A_317, %and3A_361 : vector<256x128xi32>
    %select_n3A_363 = arith.select %eq3A_358, %and3A_362, %select_n3A_317 : vector<256x128xi1>, vector<256x128xi32>
    %neg3A_364 = arith.constant 0 : i32
    %neg3A_365 = vector.broadcast %neg3A_364 : i32 to vector<256x128xi32>
    %neg3A_366 = arith.subi %neg3A_365, %select_n3A_363 : vector<256x128xi32>
    %and3A_367 = arith.andi %select_n3A_363, %neg3A_366 : vector<256x128xi32>
    %sub3A_368 = arith.constant 1 : i32
    %sub3A_369 = vector.broadcast %sub3A_368 : i32 to vector<256x128xi32>
    %sub3A_370 = arith.subi %and3A_367, %sub3A_369 : vector<256x128xi32>
    %population_count3A_371 = math.ctpop %sub3A_370 : vector<256x128xi32>
    %ne3A_372 = arith.constant 0 : i32
    %ne3A_373 = vector.broadcast %ne3A_372 : i32 to vector<256x128xi32>
    %ne3A_374 = arith.cmpi ne, %select_n3A_363, %ne3A_373 : vector<256x128xi32>
    %mul3A_375 = arith.constant 128 : i32
    %mul3A_376 = vector.broadcast %mul3A_375 : i32 to vector<256x128xi32>
    %mul3A_377 = arith.muli %population_count3A_371, %mul3A_376 : vector<256x128xi32>
    %add3A_378 = arith.addi %mul3A_377, %iota3A : vector<256x128xi32>
    %jit3A_379 = arith.constant 4096 : i32
    %broadcast_in_dim3A_380 = vector.broadcast %jit3A_379 : i32 to vector<256x128xi32>
    %select_n3A_381 = arith.select %ne3A_374, %add3A_378, %broadcast_in_dim3A_380 : vector<256x128xi1>, vector<256x128xi32>
    %reduce_min3A_382 = arith.constant dense<2147483647> : vector<256xi32>
    %reduce_min3A_383 = vector.multi_reduction <minsi>, %select_n3A_381, %reduce_min3A_382 [1] : vector<256x128xi32> to vector<256xi32>
    %broadcast_in_dim3A_384 = vector.shape_cast %reduce_min3A_383 : vector<256xi32> to vector<256x1xi32>
    %shift_right_arithmetic3A_385 = arith.constant 7 : i32
    %shift_right_arithmetic3A_386 = vector.broadcast %shift_right_arithmetic3A_385 : i32 to vector<256x1xi32>
    %shift_right_arithmetic3A_387 = arith.shrsi %broadcast_in_dim3A_384, %shift_right_arithmetic3A_386 : vector<256x1xi32>
    %min3A_388 = arith.constant 31 : i32
    %min3A_389 = vector.broadcast %min3A_388 : i32 to vector<256x1xi32>
    %min3A_390 = arith.minsi %shift_right_arithmetic3A_387, %min3A_389 : vector<256x1xi32>
    %lt3A_391 = arith.constant 4096 : i32
    %lt3A_392 = vector.broadcast %lt3A_391 : i32 to vector<256x1xi32>
    %lt3A_393 = arith.cmpi slt, %broadcast_in_dim3A_384, %lt3A_392 : vector<256x1xi32>
    %shift_left3A_394 = arith.constant 1 : i32
    %shift_left3A_395 = vector.broadcast %shift_left3A_394 : i32 to vector<256x1xi32>
    %shift_left3A_396 = arith.shli %shift_left3A_395, %min3A_390 : vector<256x1xi32>
    %jit3A_397 = arith.constant 0 : i32
    %broadcast_in_dim3A_398 = vector.broadcast %jit3A_397 : i32 to vector<256x1xi32>
    %select_n3A_399 = arith.select %lt3A_393, %shift_left3A_396, %broadcast_in_dim3A_398 : vector<256x1xi1>, vector<256x1xi32>
    %and3A_400 = arith.constant 127 : i32
    %and3A_401 = vector.broadcast %and3A_400 : i32 to vector<256x1xi32>
    %and3A_402 = arith.andi %broadcast_in_dim3A_384, %and3A_401 : vector<256x1xi32>
    %eq3A_403 = vector.broadcast %and3A_402 : vector<256x1xi32> to vector<256x128xi32>
    %eq3A_404 = arith.cmpi eq, %iota3A, %eq3A_403 : vector<256x128xi32>
    %not3A_405 = arith.constant dense<-1> : vector<256x1xi32>
    %not3A_406 = arith.xori %select_n3A_399, %not3A_405 : vector<256x1xi32>
    %and3A_407 = vector.broadcast %not3A_406 : vector<256x1xi32> to vector<256x128xi32>
    %and3A_408 = arith.andi %select_n3A_363, %and3A_407 : vector<256x128xi32>
    %select_n3A_409 = arith.select %eq3A_404, %and3A_408, %select_n3A_363 : vector<256x128xi1>, vector<256x128xi32>
    %neg3A_410 = arith.constant 0 : i32
    %neg3A_411 = vector.broadcast %neg3A_410 : i32 to vector<256x128xi32>
    %neg3A_412 = arith.subi %neg3A_411, %select_n3A_409 : vector<256x128xi32>
    %and3A_413 = arith.andi %select_n3A_409, %neg3A_412 : vector<256x128xi32>
    %sub3A_414 = arith.constant 1 : i32
    %sub3A_415 = vector.broadcast %sub3A_414 : i32 to vector<256x128xi32>
    %sub3A_416 = arith.subi %and3A_413, %sub3A_415 : vector<256x128xi32>
    %population_count3A_417 = math.ctpop %sub3A_416 : vector<256x128xi32>
    %ne3A_418 = arith.constant 0 : i32
    %ne3A_419 = vector.broadcast %ne3A_418 : i32 to vector<256x128xi32>
    %ne3A_420 = arith.cmpi ne, %select_n3A_409, %ne3A_419 : vector<256x128xi32>
    %mul3A_421 = arith.constant 128 : i32
    %mul3A_422 = vector.broadcast %mul3A_421 : i32 to vector<256x128xi32>
    %mul3A_423 = arith.muli %population_count3A_417, %mul3A_422 : vector<256x128xi32>
    %add3A_424 = arith.addi %mul3A_423, %iota3A : vector<256x128xi32>
    %jit3A_425 = arith.constant 4096 : i32
    %broadcast_in_dim3A_426 = vector.broadcast %jit3A_425 : i32 to vector<256x128xi32>
    %select_n3A_427 = arith.select %ne3A_420, %add3A_424, %broadcast_in_dim3A_426 : vector<256x128xi1>, vector<256x128xi32>
    %reduce_min3A_428 = arith.constant dense<2147483647> : vector<256xi32>
    %reduce_min3A_429 = vector.multi_reduction <minsi>, %select_n3A_427, %reduce_min3A_428 [1] : vector<256x128xi32> to vector<256xi32>
    %broadcast_in_dim3A_430 = vector.shape_cast %reduce_min3A_429 : vector<256xi32> to vector<256x1xi32>
    %shift_right_arithmetic3A_431 = arith.constant 7 : i32
    %shift_right_arithmetic3A_432 = vector.broadcast %shift_right_arithmetic3A_431 : i32 to vector<256x1xi32>
    %shift_right_arithmetic3A_433 = arith.shrsi %broadcast_in_dim3A_430, %shift_right_arithmetic3A_432 : vector<256x1xi32>
    %min3A_434 = arith.constant 31 : i32
    %min3A_435 = vector.broadcast %min3A_434 : i32 to vector<256x1xi32>
    %min3A_436 = arith.minsi %shift_right_arithmetic3A_433, %min3A_435 : vector<256x1xi32>
    %lt3A_437 = arith.constant 4096 : i32
    %lt3A_438 = vector.broadcast %lt3A_437 : i32 to vector<256x1xi32>
    %lt3A_439 = arith.cmpi slt, %broadcast_in_dim3A_430, %lt3A_438 : vector<256x1xi32>
    %shift_left3A_440 = arith.constant 1 : i32
    %shift_left3A_441 = vector.broadcast %shift_left3A_440 : i32 to vector<256x1xi32>
    %shift_left3A_442 = arith.shli %shift_left3A_441, %min3A_436 : vector<256x1xi32>
    %jit3A_443 = arith.constant 0 : i32
    %broadcast_in_dim3A_444 = vector.broadcast %jit3A_443 : i32 to vector<256x1xi32>
    %select_n3A_445 = arith.select %lt3A_439, %shift_left3A_442, %broadcast_in_dim3A_444 : vector<256x1xi1>, vector<256x1xi32>
    %and3A_446 = arith.constant 127 : i32
    %and3A_447 = vector.broadcast %and3A_446 : i32 to vector<256x1xi32>
    %and3A_448 = arith.andi %broadcast_in_dim3A_430, %and3A_447 : vector<256x1xi32>
    %eq3A_449 = vector.broadcast %and3A_448 : vector<256x1xi32> to vector<256x128xi32>
    %eq3A_450 = arith.cmpi eq, %iota3A, %eq3A_449 : vector<256x128xi32>
    %not3A_451 = arith.constant dense<-1> : vector<256x1xi32>
    %not3A_452 = arith.xori %select_n3A_445, %not3A_451 : vector<256x1xi32>
    %and3A_453 = vector.broadcast %not3A_452 : vector<256x1xi32> to vector<256x128xi32>
    %and3A_454 = arith.andi %select_n3A_409, %and3A_453 : vector<256x128xi32>
    %select_n3A_455 = arith.select %eq3A_450, %and3A_454, %select_n3A_409 : vector<256x128xi1>, vector<256x128xi32>
    %neg3A_456 = arith.constant 0 : i32
    %neg3A_457 = vector.broadcast %neg3A_456 : i32 to vector<256x128xi32>
    %neg3A_458 = arith.subi %neg3A_457, %select_n3A_455 : vector<256x128xi32>
    %and3A_459 = arith.andi %select_n3A_455, %neg3A_458 : vector<256x128xi32>
    %sub3A_460 = arith.constant 1 : i32
    %sub3A_461 = vector.broadcast %sub3A_460 : i32 to vector<256x128xi32>
    %sub3A_462 = arith.subi %and3A_459, %sub3A_461 : vector<256x128xi32>
    %population_count3A_463 = math.ctpop %sub3A_462 : vector<256x128xi32>
    %ne3A_464 = arith.constant 0 : i32
    %ne3A_465 = vector.broadcast %ne3A_464 : i32 to vector<256x128xi32>
    %ne3A_466 = arith.cmpi ne, %select_n3A_455, %ne3A_465 : vector<256x128xi32>
    %mul3A_467 = arith.constant 128 : i32
    %mul3A_468 = vector.broadcast %mul3A_467 : i32 to vector<256x128xi32>
    %mul3A_469 = arith.muli %population_count3A_463, %mul3A_468 : vector<256x128xi32>
    %add3A_470 = arith.addi %mul3A_469, %iota3A : vector<256x128xi32>
    %jit3A_471 = arith.constant 4096 : i32
    %broadcast_in_dim3A_472 = vector.broadcast %jit3A_471 : i32 to vector<256x128xi32>
    %select_n3A_473 = arith.select %ne3A_466, %add3A_470, %broadcast_in_dim3A_472 : vector<256x128xi1>, vector<256x128xi32>
    %reduce_min3A_474 = arith.constant dense<2147483647> : vector<256xi32>
    %reduce_min3A_475 = vector.multi_reduction <minsi>, %select_n3A_473, %reduce_min3A_474 [1] : vector<256x128xi32> to vector<256xi32>
    %broadcast_in_dim3A_476 = vector.shape_cast %reduce_min3A_475 : vector<256xi32> to vector<256x1xi32>
    %shift_right_arithmetic3A_477 = arith.constant 7 : i32
    %shift_right_arithmetic3A_478 = vector.broadcast %shift_right_arithmetic3A_477 : i32 to vector<256x1xi32>
    %shift_right_arithmetic3A_479 = arith.shrsi %broadcast_in_dim3A_476, %shift_right_arithmetic3A_478 : vector<256x1xi32>
    %min3A_480 = arith.constant 31 : i32
    %min3A_481 = vector.broadcast %min3A_480 : i32 to vector<256x1xi32>
    %min3A_482 = arith.minsi %shift_right_arithmetic3A_479, %min3A_481 : vector<256x1xi32>
    %lt3A_483 = arith.constant 4096 : i32
    %lt3A_484 = vector.broadcast %lt3A_483 : i32 to vector<256x1xi32>
    %lt3A_485 = arith.cmpi slt, %broadcast_in_dim3A_476, %lt3A_484 : vector<256x1xi32>
    %shift_left3A_486 = arith.constant 1 : i32
    %shift_left3A_487 = vector.broadcast %shift_left3A_486 : i32 to vector<256x1xi32>
    %shift_left3A_488 = arith.shli %shift_left3A_487, %min3A_482 : vector<256x1xi32>
    %jit3A_489 = arith.constant 0 : i32
    %broadcast_in_dim3A_490 = vector.broadcast %jit3A_489 : i32 to vector<256x1xi32>
    %select_n3A_491 = arith.select %lt3A_485, %shift_left3A_488, %broadcast_in_dim3A_490 : vector<256x1xi1>, vector<256x1xi32>
    %and3A_492 = arith.constant 127 : i32
    %and3A_493 = vector.broadcast %and3A_492 : i32 to vector<256x1xi32>
    %and3A_494 = arith.andi %broadcast_in_dim3A_476, %and3A_493 : vector<256x1xi32>
    %eq3A_495 = vector.broadcast %and3A_494 : vector<256x1xi32> to vector<256x128xi32>
    %eq3A_496 = arith.cmpi eq, %iota3A, %eq3A_495 : vector<256x128xi32>
    %not3A_497 = arith.constant dense<-1> : vector<256x1xi32>
    %not3A_498 = arith.xori %select_n3A_491, %not3A_497 : vector<256x1xi32>
    %and3A_499 = vector.broadcast %not3A_498 : vector<256x1xi32> to vector<256x128xi32>
    %and3A_500 = arith.andi %select_n3A_455, %and3A_499 : vector<256x128xi32>
    %select_n3A_501 = arith.select %eq3A_496, %and3A_500, %select_n3A_455 : vector<256x128xi1>, vector<256x128xi32>
    %neg3A_502 = arith.constant 0 : i32
    %neg3A_503 = vector.broadcast %neg3A_502 : i32 to vector<256x128xi32>
    %neg3A_504 = arith.subi %neg3A_503, %select_n3A_501 : vector<256x128xi32>
    %and3A_505 = arith.andi %select_n3A_501, %neg3A_504 : vector<256x128xi32>
    %sub3A_506 = arith.constant 1 : i32
    %sub3A_507 = vector.broadcast %sub3A_506 : i32 to vector<256x128xi32>
    %sub3A_508 = arith.subi %and3A_505, %sub3A_507 : vector<256x128xi32>
    %population_count3A_509 = math.ctpop %sub3A_508 : vector<256x128xi32>
    %ne3A_510 = arith.constant 0 : i32
    %ne3A_511 = vector.broadcast %ne3A_510 : i32 to vector<256x128xi32>
    %ne3A_512 = arith.cmpi ne, %select_n3A_501, %ne3A_511 : vector<256x128xi32>
    %mul3A_513 = arith.constant 128 : i32
    %mul3A_514 = vector.broadcast %mul3A_513 : i32 to vector<256x128xi32>
    %mul3A_515 = arith.muli %population_count3A_509, %mul3A_514 : vector<256x128xi32>
    %add3A_516 = arith.addi %mul3A_515, %iota3A : vector<256x128xi32>
    %jit3A_517 = arith.constant 4096 : i32
    %broadcast_in_dim3A_518 = vector.broadcast %jit3A_517 : i32 to vector<256x128xi32>
    %select_n3A_519 = arith.select %ne3A_512, %add3A_516, %broadcast_in_dim3A_518 : vector<256x128xi1>, vector<256x128xi32>
    %reduce_min3A_520 = arith.constant dense<2147483647> : vector<256xi32>
    %reduce_min3A_521 = vector.multi_reduction <minsi>, %select_n3A_519, %reduce_min3A_520 [1] : vector<256x128xi32> to vector<256xi32>
    %broadcast_in_dim3A_522 = vector.shape_cast %reduce_min3A_521 : vector<256xi32> to vector<256x1xi32>
    %shift_right_arithmetic3A_523 = arith.constant 7 : i32
    %shift_right_arithmetic3A_524 = vector.broadcast %shift_right_arithmetic3A_523 : i32 to vector<256x1xi32>
    %shift_right_arithmetic3A_525 = arith.shrsi %broadcast_in_dim3A_522, %shift_right_arithmetic3A_524 : vector<256x1xi32>
    %min3A_526 = arith.constant 31 : i32
    %min3A_527 = vector.broadcast %min3A_526 : i32 to vector<256x1xi32>
    %min3A_528 = arith.minsi %shift_right_arithmetic3A_525, %min3A_527 : vector<256x1xi32>
    %lt3A_529 = arith.constant 4096 : i32
    %lt3A_530 = vector.broadcast %lt3A_529 : i32 to vector<256x1xi32>
    %lt3A_531 = arith.cmpi slt, %broadcast_in_dim3A_522, %lt3A_530 : vector<256x1xi32>
    %shift_left3A_532 = arith.constant 1 : i32
    %shift_left3A_533 = vector.broadcast %shift_left3A_532 : i32 to vector<256x1xi32>
    %shift_left3A_534 = arith.shli %shift_left3A_533, %min3A_528 : vector<256x1xi32>
    %jit3A_535 = arith.constant 0 : i32
    %broadcast_in_dim3A_536 = vector.broadcast %jit3A_535 : i32 to vector<256x1xi32>
    %select_n3A_537 = arith.select %lt3A_531, %shift_left3A_534, %broadcast_in_dim3A_536 : vector<256x1xi1>, vector<256x1xi32>
    %and3A_538 = arith.constant 127 : i32
    %and3A_539 = vector.broadcast %and3A_538 : i32 to vector<256x1xi32>
    %and3A_540 = arith.andi %broadcast_in_dim3A_522, %and3A_539 : vector<256x1xi32>
    %eq3A_541 = vector.broadcast %and3A_540 : vector<256x1xi32> to vector<256x128xi32>
    %eq3A_542 = arith.cmpi eq, %iota3A, %eq3A_541 : vector<256x128xi32>
    %not3A_543 = arith.constant dense<-1> : vector<256x1xi32>
    %not3A_544 = arith.xori %select_n3A_537, %not3A_543 : vector<256x1xi32>
    %and3A_545 = vector.broadcast %not3A_544 : vector<256x1xi32> to vector<256x128xi32>
    %and3A_546 = arith.andi %select_n3A_501, %and3A_545 : vector<256x128xi32>
    %select_n3A_547 = arith.select %eq3A_542, %and3A_546, %select_n3A_501 : vector<256x128xi1>, vector<256x128xi32>
    %neg3A_548 = arith.constant 0 : i32
    %neg3A_549 = vector.broadcast %neg3A_548 : i32 to vector<256x128xi32>
    %neg3A_550 = arith.subi %neg3A_549, %select_n3A_547 : vector<256x128xi32>
    %and3A_551 = arith.andi %select_n3A_547, %neg3A_550 : vector<256x128xi32>
    %sub3A_552 = arith.constant 1 : i32
    %sub3A_553 = vector.broadcast %sub3A_552 : i32 to vector<256x128xi32>
    %sub3A_554 = arith.subi %and3A_551, %sub3A_553 : vector<256x128xi32>
    %population_count3A_555 = math.ctpop %sub3A_554 : vector<256x128xi32>
    %ne3A_556 = arith.constant 0 : i32
    %ne3A_557 = vector.broadcast %ne3A_556 : i32 to vector<256x128xi32>
    %ne3A_558 = arith.cmpi ne, %select_n3A_547, %ne3A_557 : vector<256x128xi32>
    %mul3A_559 = arith.constant 128 : i32
    %mul3A_560 = vector.broadcast %mul3A_559 : i32 to vector<256x128xi32>
    %mul3A_561 = arith.muli %population_count3A_555, %mul3A_560 : vector<256x128xi32>
    %add3A_562 = arith.addi %mul3A_561, %iota3A : vector<256x128xi32>
    %jit3A_563 = arith.constant 4096 : i32
    %broadcast_in_dim3A_564 = vector.broadcast %jit3A_563 : i32 to vector<256x128xi32>
    %select_n3A_565 = arith.select %ne3A_558, %add3A_562, %broadcast_in_dim3A_564 : vector<256x128xi1>, vector<256x128xi32>
    %reduce_min3A_566 = arith.constant dense<2147483647> : vector<256xi32>
    %reduce_min3A_567 = vector.multi_reduction <minsi>, %select_n3A_565, %reduce_min3A_566 [1] : vector<256x128xi32> to vector<256xi32>
    %broadcast_in_dim3A_568 = vector.shape_cast %reduce_min3A_567 : vector<256xi32> to vector<256x1xi32>
    %shift_right_arithmetic3A_569 = arith.constant 7 : i32
    %shift_right_arithmetic3A_570 = vector.broadcast %shift_right_arithmetic3A_569 : i32 to vector<256x1xi32>
    %shift_right_arithmetic3A_571 = arith.shrsi %broadcast_in_dim3A_568, %shift_right_arithmetic3A_570 : vector<256x1xi32>
    %min3A_572 = arith.constant 31 : i32
    %min3A_573 = vector.broadcast %min3A_572 : i32 to vector<256x1xi32>
    %min3A_574 = arith.minsi %shift_right_arithmetic3A_571, %min3A_573 : vector<256x1xi32>
    %lt3A_575 = arith.constant 4096 : i32
    %lt3A_576 = vector.broadcast %lt3A_575 : i32 to vector<256x1xi32>
    %lt3A_577 = arith.cmpi slt, %broadcast_in_dim3A_568, %lt3A_576 : vector<256x1xi32>
    %shift_left3A_578 = arith.constant 1 : i32
    %shift_left3A_579 = vector.broadcast %shift_left3A_578 : i32 to vector<256x1xi32>
    %shift_left3A_580 = arith.shli %shift_left3A_579, %min3A_574 : vector<256x1xi32>
    %jit3A_581 = arith.constant 0 : i32
    %broadcast_in_dim3A_582 = vector.broadcast %jit3A_581 : i32 to vector<256x1xi32>
    %select_n3A_583 = arith.select %lt3A_577, %shift_left3A_580, %broadcast_in_dim3A_582 : vector<256x1xi1>, vector<256x1xi32>
    %and3A_584 = arith.constant 127 : i32
    %and3A_585 = vector.broadcast %and3A_584 : i32 to vector<256x1xi32>
    %and3A_586 = arith.andi %broadcast_in_dim3A_568, %and3A_585 : vector<256x1xi32>
    %eq3A_587 = vector.broadcast %and3A_586 : vector<256x1xi32> to vector<256x128xi32>
    %eq3A_588 = arith.cmpi eq, %iota3A, %eq3A_587 : vector<256x128xi32>
    %not3A_589 = arith.constant dense<-1> : vector<256x1xi32>
    %not3A_590 = arith.xori %select_n3A_583, %not3A_589 : vector<256x1xi32>
    %and3A_591 = vector.broadcast %not3A_590 : vector<256x1xi32> to vector<256x128xi32>
    %and3A_592 = arith.andi %select_n3A_547, %and3A_591 : vector<256x128xi32>
    %select_n3A_593 = arith.select %eq3A_588, %and3A_592, %select_n3A_547 : vector<256x128xi1>, vector<256x128xi32>
    %neg3A_594 = arith.constant 0 : i32
    %neg3A_595 = vector.broadcast %neg3A_594 : i32 to vector<256x128xi32>
    %neg3A_596 = arith.subi %neg3A_595, %select_n3A_593 : vector<256x128xi32>
    %and3A_597 = arith.andi %select_n3A_593, %neg3A_596 : vector<256x128xi32>
    %sub3A_598 = arith.constant 1 : i32
    %sub3A_599 = vector.broadcast %sub3A_598 : i32 to vector<256x128xi32>
    %sub3A_600 = arith.subi %and3A_597, %sub3A_599 : vector<256x128xi32>
    %population_count3A_601 = math.ctpop %sub3A_600 : vector<256x128xi32>
    %ne3A_602 = arith.constant 0 : i32
    %ne3A_603 = vector.broadcast %ne3A_602 : i32 to vector<256x128xi32>
    %ne3A_604 = arith.cmpi ne, %select_n3A_593, %ne3A_603 : vector<256x128xi32>
    %mul3A_605 = arith.constant 128 : i32
    %mul3A_606 = vector.broadcast %mul3A_605 : i32 to vector<256x128xi32>
    %mul3A_607 = arith.muli %population_count3A_601, %mul3A_606 : vector<256x128xi32>
    %add3A_608 = arith.addi %mul3A_607, %iota3A : vector<256x128xi32>
    %jit3A_609 = arith.constant 4096 : i32
    %broadcast_in_dim3A_610 = vector.broadcast %jit3A_609 : i32 to vector<256x128xi32>
    %select_n3A_611 = arith.select %ne3A_604, %add3A_608, %broadcast_in_dim3A_610 : vector<256x128xi1>, vector<256x128xi32>
    %reduce_min3A_612 = arith.constant dense<2147483647> : vector<256xi32>
    %reduce_min3A_613 = vector.multi_reduction <minsi>, %select_n3A_611, %reduce_min3A_612 [1] : vector<256x128xi32> to vector<256xi32>
    %broadcast_in_dim3A_614 = vector.shape_cast %reduce_min3A_613 : vector<256xi32> to vector<256x1xi32>
    %shift_right_arithmetic3A_615 = arith.constant 7 : i32
    %shift_right_arithmetic3A_616 = vector.broadcast %shift_right_arithmetic3A_615 : i32 to vector<256x1xi32>
    %shift_right_arithmetic3A_617 = arith.shrsi %broadcast_in_dim3A_614, %shift_right_arithmetic3A_616 : vector<256x1xi32>
    %min3A_618 = arith.constant 31 : i32
    %min3A_619 = vector.broadcast %min3A_618 : i32 to vector<256x1xi32>
    %min3A_620 = arith.minsi %shift_right_arithmetic3A_617, %min3A_619 : vector<256x1xi32>
    %lt3A_621 = arith.constant 4096 : i32
    %lt3A_622 = vector.broadcast %lt3A_621 : i32 to vector<256x1xi32>
    %lt3A_623 = arith.cmpi slt, %broadcast_in_dim3A_614, %lt3A_622 : vector<256x1xi32>
    %shift_left3A_624 = arith.constant 1 : i32
    %shift_left3A_625 = vector.broadcast %shift_left3A_624 : i32 to vector<256x1xi32>
    %shift_left3A_626 = arith.shli %shift_left3A_625, %min3A_620 : vector<256x1xi32>
    %jit3A_627 = arith.constant 0 : i32
    %broadcast_in_dim3A_628 = vector.broadcast %jit3A_627 : i32 to vector<256x1xi32>
    %select_n3A_629 = arith.select %lt3A_623, %shift_left3A_626, %broadcast_in_dim3A_628 : vector<256x1xi1>, vector<256x1xi32>
    %and3A_630 = arith.constant 127 : i32
    %and3A_631 = vector.broadcast %and3A_630 : i32 to vector<256x1xi32>
    %and3A_632 = arith.andi %broadcast_in_dim3A_614, %and3A_631 : vector<256x1xi32>
    %eq3A_633 = vector.broadcast %and3A_632 : vector<256x1xi32> to vector<256x128xi32>
    %eq3A_634 = arith.cmpi eq, %iota3A, %eq3A_633 : vector<256x128xi32>
    %not3A_635 = arith.constant dense<-1> : vector<256x1xi32>
    %not3A_636 = arith.xori %select_n3A_629, %not3A_635 : vector<256x1xi32>
    %and3A_637 = vector.broadcast %not3A_636 : vector<256x1xi32> to vector<256x128xi32>
    %and3A_638 = arith.andi %select_n3A_593, %and3A_637 : vector<256x128xi32>
    %select_n3A_639 = arith.select %eq3A_634, %and3A_638, %select_n3A_593 : vector<256x128xi1>, vector<256x128xi32>
    %neg3A_640 = arith.constant 0 : i32
    %neg3A_641 = vector.broadcast %neg3A_640 : i32 to vector<256x128xi32>
    %neg3A_642 = arith.subi %neg3A_641, %select_n3A_639 : vector<256x128xi32>
    %and3A_643 = arith.andi %select_n3A_639, %neg3A_642 : vector<256x128xi32>
    %sub3A_644 = arith.constant 1 : i32
    %sub3A_645 = vector.broadcast %sub3A_644 : i32 to vector<256x128xi32>
    %sub3A_646 = arith.subi %and3A_643, %sub3A_645 : vector<256x128xi32>
    %population_count3A_647 = math.ctpop %sub3A_646 : vector<256x128xi32>
    %ne3A_648 = arith.constant 0 : i32
    %ne3A_649 = vector.broadcast %ne3A_648 : i32 to vector<256x128xi32>
    %ne3A_650 = arith.cmpi ne, %select_n3A_639, %ne3A_649 : vector<256x128xi32>
    %mul3A_651 = arith.constant 128 : i32
    %mul3A_652 = vector.broadcast %mul3A_651 : i32 to vector<256x128xi32>
    %mul3A_653 = arith.muli %population_count3A_647, %mul3A_652 : vector<256x128xi32>
    %add3A_654 = arith.addi %mul3A_653, %iota3A : vector<256x128xi32>
    %jit3A_655 = arith.constant 4096 : i32
    %broadcast_in_dim3A_656 = vector.broadcast %jit3A_655 : i32 to vector<256x128xi32>
    %select_n3A_657 = arith.select %ne3A_650, %add3A_654, %broadcast_in_dim3A_656 : vector<256x128xi1>, vector<256x128xi32>
    %reduce_min3A_658 = arith.constant dense<2147483647> : vector<256xi32>
    %reduce_min3A_659 = vector.multi_reduction <minsi>, %select_n3A_657, %reduce_min3A_658 [1] : vector<256x128xi32> to vector<256xi32>
    %broadcast_in_dim3A_660 = vector.shape_cast %reduce_min3A_659 : vector<256xi32> to vector<256x1xi32>
    %shift_right_arithmetic3A_661 = arith.constant 7 : i32
    %shift_right_arithmetic3A_662 = vector.broadcast %shift_right_arithmetic3A_661 : i32 to vector<256x1xi32>
    %shift_right_arithmetic3A_663 = arith.shrsi %broadcast_in_dim3A_660, %shift_right_arithmetic3A_662 : vector<256x1xi32>
    %min3A_664 = arith.constant 31 : i32
    %min3A_665 = vector.broadcast %min3A_664 : i32 to vector<256x1xi32>
    %min3A_666 = arith.minsi %shift_right_arithmetic3A_663, %min3A_665 : vector<256x1xi32>
    %lt3A_667 = arith.constant 4096 : i32
    %lt3A_668 = vector.broadcast %lt3A_667 : i32 to vector<256x1xi32>
    %lt3A_669 = arith.cmpi slt, %broadcast_in_dim3A_660, %lt3A_668 : vector<256x1xi32>
    %shift_left3A_670 = arith.constant 1 : i32
    %shift_left3A_671 = vector.broadcast %shift_left3A_670 : i32 to vector<256x1xi32>
    %shift_left3A_672 = arith.shli %shift_left3A_671, %min3A_666 : vector<256x1xi32>
    %jit3A_673 = arith.constant 0 : i32
    %broadcast_in_dim3A_674 = vector.broadcast %jit3A_673 : i32 to vector<256x1xi32>
    %select_n3A_675 = arith.select %lt3A_669, %shift_left3A_672, %broadcast_in_dim3A_674 : vector<256x1xi1>, vector<256x1xi32>
    %and3A_676 = arith.constant 127 : i32
    %and3A_677 = vector.broadcast %and3A_676 : i32 to vector<256x1xi32>
    %and3A_678 = arith.andi %broadcast_in_dim3A_660, %and3A_677 : vector<256x1xi32>
    %eq3A_679 = vector.broadcast %and3A_678 : vector<256x1xi32> to vector<256x128xi32>
    %eq3A_680 = arith.cmpi eq, %iota3A, %eq3A_679 : vector<256x128xi32>
    %not3A_681 = arith.constant dense<-1> : vector<256x1xi32>
    %not3A_682 = arith.xori %select_n3A_675, %not3A_681 : vector<256x1xi32>
    %and3A_683 = vector.broadcast %not3A_682 : vector<256x1xi32> to vector<256x128xi32>
    %and3A_684 = arith.andi %select_n3A_639, %and3A_683 : vector<256x128xi32>
    %select_n3A_685 = arith.select %eq3A_680, %and3A_684, %select_n3A_639 : vector<256x128xi1>, vector<256x128xi32>
    %neg3A_686 = arith.constant 0 : i32
    %neg3A_687 = vector.broadcast %neg3A_686 : i32 to vector<256x128xi32>
    %neg3A_688 = arith.subi %neg3A_687, %select_n3A_685 : vector<256x128xi32>
    %and3A_689 = arith.andi %select_n3A_685, %neg3A_688 : vector<256x128xi32>
    %sub3A_690 = arith.constant 1 : i32
    %sub3A_691 = vector.broadcast %sub3A_690 : i32 to vector<256x128xi32>
    %sub3A_692 = arith.subi %and3A_689, %sub3A_691 : vector<256x128xi32>
    %population_count3A_693 = math.ctpop %sub3A_692 : vector<256x128xi32>
    %ne3A_694 = arith.constant 0 : i32
    %ne3A_695 = vector.broadcast %ne3A_694 : i32 to vector<256x128xi32>
    %ne3A_696 = arith.cmpi ne, %select_n3A_685, %ne3A_695 : vector<256x128xi32>
    %mul3A_697 = arith.constant 128 : i32
    %mul3A_698 = vector.broadcast %mul3A_697 : i32 to vector<256x128xi32>
    %mul3A_699 = arith.muli %population_count3A_693, %mul3A_698 : vector<256x128xi32>
    %add3A_700 = arith.addi %mul3A_699, %iota3A : vector<256x128xi32>
    %jit3A_701 = arith.constant 4096 : i32
    %broadcast_in_dim3A_702 = vector.broadcast %jit3A_701 : i32 to vector<256x128xi32>
    %select_n3A_703 = arith.select %ne3A_696, %add3A_700, %broadcast_in_dim3A_702 : vector<256x128xi1>, vector<256x128xi32>
    %reduce_min3A_704 = arith.constant dense<2147483647> : vector<256xi32>
    %reduce_min3A_705 = vector.multi_reduction <minsi>, %select_n3A_703, %reduce_min3A_704 [1] : vector<256x128xi32> to vector<256xi32>
    %broadcast_in_dim3A_706 = vector.shape_cast %reduce_min3A_705 : vector<256xi32> to vector<256x1xi32>
    %shift_right_arithmetic3A_707 = arith.constant 7 : i32
    %shift_right_arithmetic3A_708 = vector.broadcast %shift_right_arithmetic3A_707 : i32 to vector<256x1xi32>
    %shift_right_arithmetic3A_709 = arith.shrsi %broadcast_in_dim3A_706, %shift_right_arithmetic3A_708 : vector<256x1xi32>
    %min3A_710 = arith.constant 31 : i32
    %min3A_711 = vector.broadcast %min3A_710 : i32 to vector<256x1xi32>
    %min3A_712 = arith.minsi %shift_right_arithmetic3A_709, %min3A_711 : vector<256x1xi32>
    %lt3A_713 = arith.constant 4096 : i32
    %lt3A_714 = vector.broadcast %lt3A_713 : i32 to vector<256x1xi32>
    %lt3A_715 = arith.cmpi slt, %broadcast_in_dim3A_706, %lt3A_714 : vector<256x1xi32>
    %shift_left3A_716 = arith.constant 1 : i32
    %shift_left3A_717 = vector.broadcast %shift_left3A_716 : i32 to vector<256x1xi32>
    %shift_left3A_718 = arith.shli %shift_left3A_717, %min3A_712 : vector<256x1xi32>
    %jit3A_719 = arith.constant 0 : i32
    %broadcast_in_dim3A_720 = vector.broadcast %jit3A_719 : i32 to vector<256x1xi32>
    %select_n3A_721 = arith.select %lt3A_715, %shift_left3A_718, %broadcast_in_dim3A_720 : vector<256x1xi1>, vector<256x1xi32>
    %and3A_722 = arith.constant 127 : i32
    %and3A_723 = vector.broadcast %and3A_722 : i32 to vector<256x1xi32>
    %and3A_724 = arith.andi %broadcast_in_dim3A_706, %and3A_723 : vector<256x1xi32>
    %eq3A_725 = vector.broadcast %and3A_724 : vector<256x1xi32> to vector<256x128xi32>
    %eq3A_726 = arith.cmpi eq, %iota3A, %eq3A_725 : vector<256x128xi32>
    %not3A_727 = arith.constant dense<-1> : vector<256x1xi32>
    %not3A_728 = arith.xori %select_n3A_721, %not3A_727 : vector<256x1xi32>
    %and3A_729 = vector.broadcast %not3A_728 : vector<256x1xi32> to vector<256x128xi32>
    %and3A_730 = arith.andi %select_n3A_685, %and3A_729 : vector<256x128xi32>
    %select_n3A_731 = arith.select %eq3A_726, %and3A_730, %select_n3A_685 : vector<256x128xi1>, vector<256x128xi32>
    %neg3A_732 = arith.constant 0 : i32
    %neg3A_733 = vector.broadcast %neg3A_732 : i32 to vector<256x128xi32>
    %neg3A_734 = arith.subi %neg3A_733, %select_n3A_731 : vector<256x128xi32>
    %and3A_735 = arith.andi %select_n3A_731, %neg3A_734 : vector<256x128xi32>
    %sub3A_736 = arith.constant 1 : i32
    %sub3A_737 = vector.broadcast %sub3A_736 : i32 to vector<256x128xi32>
    %sub3A_738 = arith.subi %and3A_735, %sub3A_737 : vector<256x128xi32>
    %population_count3A_739 = math.ctpop %sub3A_738 : vector<256x128xi32>
    %ne3A_740 = arith.constant 0 : i32
    %ne3A_741 = vector.broadcast %ne3A_740 : i32 to vector<256x128xi32>
    %ne3A_742 = arith.cmpi ne, %select_n3A_731, %ne3A_741 : vector<256x128xi32>
    %mul3A_743 = arith.constant 128 : i32
    %mul3A_744 = vector.broadcast %mul3A_743 : i32 to vector<256x128xi32>
    %mul3A_745 = arith.muli %population_count3A_739, %mul3A_744 : vector<256x128xi32>
    %add3A_746 = arith.addi %mul3A_745, %iota3A : vector<256x128xi32>
    %jit3A_747 = arith.constant 4096 : i32
    %broadcast_in_dim3A_748 = vector.broadcast %jit3A_747 : i32 to vector<256x128xi32>
    %select_n3A_749 = arith.select %ne3A_742, %add3A_746, %broadcast_in_dim3A_748 : vector<256x128xi1>, vector<256x128xi32>
    %reduce_min3A_750 = arith.constant dense<2147483647> : vector<256xi32>
    %reduce_min3A_751 = vector.multi_reduction <minsi>, %select_n3A_749, %reduce_min3A_750 [1] : vector<256x128xi32> to vector<256xi32>
    %broadcast_in_dim3A_752 = vector.shape_cast %reduce_min3A_751 : vector<256xi32> to vector<256x1xi32>
    %shift_right_arithmetic3A_753 = arith.constant 7 : i32
    %shift_right_arithmetic3A_754 = vector.broadcast %shift_right_arithmetic3A_753 : i32 to vector<256x1xi32>
    %shift_right_arithmetic3A_755 = arith.shrsi %broadcast_in_dim3A_752, %shift_right_arithmetic3A_754 : vector<256x1xi32>
    %min3A_756 = arith.constant 31 : i32
    %min3A_757 = vector.broadcast %min3A_756 : i32 to vector<256x1xi32>
    %min3A_758 = arith.minsi %shift_right_arithmetic3A_755, %min3A_757 : vector<256x1xi32>
    %lt3A_759 = arith.constant 4096 : i32
    %lt3A_760 = vector.broadcast %lt3A_759 : i32 to vector<256x1xi32>
    %lt3A_761 = arith.cmpi slt, %broadcast_in_dim3A_752, %lt3A_760 : vector<256x1xi32>
    %shift_left3A_762 = arith.constant 1 : i32
    %shift_left3A_763 = vector.broadcast %shift_left3A_762 : i32 to vector<256x1xi32>
    %shift_left3A_764 = arith.shli %shift_left3A_763, %min3A_758 : vector<256x1xi32>
    %jit3A_765 = arith.constant 0 : i32
    %broadcast_in_dim3A_766 = vector.broadcast %jit3A_765 : i32 to vector<256x1xi32>
    %select_n3A_767 = arith.select %lt3A_761, %shift_left3A_764, %broadcast_in_dim3A_766 : vector<256x1xi1>, vector<256x1xi32>
    %and3A_768 = arith.constant 127 : i32
    %and3A_769 = vector.broadcast %and3A_768 : i32 to vector<256x1xi32>
    %and3A_770 = arith.andi %broadcast_in_dim3A_752, %and3A_769 : vector<256x1xi32>
    %eq3A_771 = vector.broadcast %and3A_770 : vector<256x1xi32> to vector<256x128xi32>
    %eq3A_772 = arith.cmpi eq, %iota3A, %eq3A_771 : vector<256x128xi32>
    %not3A_773 = arith.constant dense<-1> : vector<256x1xi32>
    %not3A_774 = arith.xori %select_n3A_767, %not3A_773 : vector<256x1xi32>
    %and3A_775 = vector.broadcast %not3A_774 : vector<256x1xi32> to vector<256x128xi32>
    %and3A_776 = arith.andi %select_n3A_731, %and3A_775 : vector<256x128xi32>
    %select_n3A_777 = arith.select %eq3A_772, %and3A_776, %select_n3A_731 : vector<256x128xi1>, vector<256x128xi32>
    %neg3A_778 = arith.constant 0 : i32
    %neg3A_779 = vector.broadcast %neg3A_778 : i32 to vector<256x128xi32>
    %neg3A_780 = arith.subi %neg3A_779, %select_n3A_777 : vector<256x128xi32>
    %and3A_781 = arith.andi %select_n3A_777, %neg3A_780 : vector<256x128xi32>
    %sub3A_782 = arith.constant 1 : i32
    %sub3A_783 = vector.broadcast %sub3A_782 : i32 to vector<256x128xi32>
    %sub3A_784 = arith.subi %and3A_781, %sub3A_783 : vector<256x128xi32>
    %population_count3A_785 = math.ctpop %sub3A_784 : vector<256x128xi32>
    %ne3A_786 = arith.constant 0 : i32
    %ne3A_787 = vector.broadcast %ne3A_786 : i32 to vector<256x128xi32>
    %ne3A_788 = arith.cmpi ne, %select_n3A_777, %ne3A_787 : vector<256x128xi32>
    %mul3A_789 = arith.constant 128 : i32
    %mul3A_790 = vector.broadcast %mul3A_789 : i32 to vector<256x128xi32>
    %mul3A_791 = arith.muli %population_count3A_785, %mul3A_790 : vector<256x128xi32>
    %add3A_792 = arith.addi %mul3A_791, %iota3A : vector<256x128xi32>
    %jit3A_793 = arith.constant 4096 : i32
    %broadcast_in_dim3A_794 = vector.broadcast %jit3A_793 : i32 to vector<256x128xi32>
    %select_n3A_795 = arith.select %ne3A_788, %add3A_792, %broadcast_in_dim3A_794 : vector<256x128xi1>, vector<256x128xi32>
    %reduce_min3A_796 = arith.constant dense<2147483647> : vector<256xi32>
    %reduce_min3A_797 = vector.multi_reduction <minsi>, %select_n3A_795, %reduce_min3A_796 [1] : vector<256x128xi32> to vector<256xi32>
    %broadcast_in_dim3A_798 = vector.shape_cast %reduce_min3A_797 : vector<256xi32> to vector<256x1xi32>
    %shift_right_arithmetic3A_799 = arith.constant 7 : i32
    %shift_right_arithmetic3A_800 = vector.broadcast %shift_right_arithmetic3A_799 : i32 to vector<256x1xi32>
    %shift_right_arithmetic3A_801 = arith.shrsi %broadcast_in_dim3A_798, %shift_right_arithmetic3A_800 : vector<256x1xi32>
    %min3A_802 = arith.constant 31 : i32
    %min3A_803 = vector.broadcast %min3A_802 : i32 to vector<256x1xi32>
    %min3A_804 = arith.minsi %shift_right_arithmetic3A_801, %min3A_803 : vector<256x1xi32>
    %lt3A_805 = arith.constant 4096 : i32
    %lt3A_806 = vector.broadcast %lt3A_805 : i32 to vector<256x1xi32>
    %lt3A_807 = arith.cmpi slt, %broadcast_in_dim3A_798, %lt3A_806 : vector<256x1xi32>
    %shift_left3A_808 = arith.constant 1 : i32
    %shift_left3A_809 = vector.broadcast %shift_left3A_808 : i32 to vector<256x1xi32>
    %shift_left3A_810 = arith.shli %shift_left3A_809, %min3A_804 : vector<256x1xi32>
    %jit3A_811 = arith.constant 0 : i32
    %broadcast_in_dim3A_812 = vector.broadcast %jit3A_811 : i32 to vector<256x1xi32>
    %select_n3A_813 = arith.select %lt3A_807, %shift_left3A_810, %broadcast_in_dim3A_812 : vector<256x1xi1>, vector<256x1xi32>
    %and3A_814 = arith.constant 127 : i32
    %and3A_815 = vector.broadcast %and3A_814 : i32 to vector<256x1xi32>
    %and3A_816 = arith.andi %broadcast_in_dim3A_798, %and3A_815 : vector<256x1xi32>
    %eq3A_817 = vector.broadcast %and3A_816 : vector<256x1xi32> to vector<256x128xi32>
    %eq3A_818 = arith.cmpi eq, %iota3A, %eq3A_817 : vector<256x128xi32>
    %not3A_819 = arith.constant dense<-1> : vector<256x1xi32>
    %not3A_820 = arith.xori %select_n3A_813, %not3A_819 : vector<256x1xi32>
    %and3A_821 = vector.broadcast %not3A_820 : vector<256x1xi32> to vector<256x128xi32>
    %and3A_822 = arith.andi %select_n3A_777, %and3A_821 : vector<256x128xi32>
    %select_n3A_823 = arith.select %eq3A_818, %and3A_822, %select_n3A_777 : vector<256x128xi1>, vector<256x128xi32>
    %neg3A_824 = arith.constant 0 : i32
    %neg3A_825 = vector.broadcast %neg3A_824 : i32 to vector<256x128xi32>
    %neg3A_826 = arith.subi %neg3A_825, %select_n3A_823 : vector<256x128xi32>
    %and3A_827 = arith.andi %select_n3A_823, %neg3A_826 : vector<256x128xi32>
    %sub3A_828 = arith.constant 1 : i32
    %sub3A_829 = vector.broadcast %sub3A_828 : i32 to vector<256x128xi32>
    %sub3A_830 = arith.subi %and3A_827, %sub3A_829 : vector<256x128xi32>
    %population_count3A_831 = math.ctpop %sub3A_830 : vector<256x128xi32>
    %ne3A_832 = arith.constant 0 : i32
    %ne3A_833 = vector.broadcast %ne3A_832 : i32 to vector<256x128xi32>
    %ne3A_834 = arith.cmpi ne, %select_n3A_823, %ne3A_833 : vector<256x128xi32>
    %mul3A_835 = arith.constant 128 : i32
    %mul3A_836 = vector.broadcast %mul3A_835 : i32 to vector<256x128xi32>
    %mul3A_837 = arith.muli %population_count3A_831, %mul3A_836 : vector<256x128xi32>
    %add3A_838 = arith.addi %mul3A_837, %iota3A : vector<256x128xi32>
    %jit3A_839 = arith.constant 4096 : i32
    %broadcast_in_dim3A_840 = vector.broadcast %jit3A_839 : i32 to vector<256x128xi32>
    %select_n3A_841 = arith.select %ne3A_834, %add3A_838, %broadcast_in_dim3A_840 : vector<256x128xi1>, vector<256x128xi32>
    %reduce_min3A_842 = arith.constant dense<2147483647> : vector<256xi32>
    %reduce_min3A_843 = vector.multi_reduction <minsi>, %select_n3A_841, %reduce_min3A_842 [1] : vector<256x128xi32> to vector<256xi32>
    %broadcast_in_dim3A_844 = vector.shape_cast %reduce_min3A_843 : vector<256xi32> to vector<256x1xi32>
    %shift_right_arithmetic3A_845 = arith.constant 7 : i32
    %shift_right_arithmetic3A_846 = vector.broadcast %shift_right_arithmetic3A_845 : i32 to vector<256x1xi32>
    %shift_right_arithmetic3A_847 = arith.shrsi %broadcast_in_dim3A_844, %shift_right_arithmetic3A_846 : vector<256x1xi32>
    %min3A_848 = arith.constant 31 : i32
    %min3A_849 = vector.broadcast %min3A_848 : i32 to vector<256x1xi32>
    %min3A_850 = arith.minsi %shift_right_arithmetic3A_847, %min3A_849 : vector<256x1xi32>
    %lt3A_851 = arith.constant 4096 : i32
    %lt3A_852 = vector.broadcast %lt3A_851 : i32 to vector<256x1xi32>
    %lt3A_853 = arith.cmpi slt, %broadcast_in_dim3A_844, %lt3A_852 : vector<256x1xi32>
    %shift_left3A_854 = arith.constant 1 : i32
    %shift_left3A_855 = vector.broadcast %shift_left3A_854 : i32 to vector<256x1xi32>
    %shift_left3A_856 = arith.shli %shift_left3A_855, %min3A_850 : vector<256x1xi32>
    %jit3A_857 = arith.constant 0 : i32
    %broadcast_in_dim3A_858 = vector.broadcast %jit3A_857 : i32 to vector<256x1xi32>
    %select_n3A_859 = arith.select %lt3A_853, %shift_left3A_856, %broadcast_in_dim3A_858 : vector<256x1xi1>, vector<256x1xi32>
    %and3A_860 = arith.constant 127 : i32
    %and3A_861 = vector.broadcast %and3A_860 : i32 to vector<256x1xi32>
    %and3A_862 = arith.andi %broadcast_in_dim3A_844, %and3A_861 : vector<256x1xi32>
    %eq3A_863 = vector.broadcast %and3A_862 : vector<256x1xi32> to vector<256x128xi32>
    %eq3A_864 = arith.cmpi eq, %iota3A, %eq3A_863 : vector<256x128xi32>
    %not3A_865 = arith.constant dense<-1> : vector<256x1xi32>
    %not3A_866 = arith.xori %select_n3A_859, %not3A_865 : vector<256x1xi32>
    %and3A_867 = vector.broadcast %not3A_866 : vector<256x1xi32> to vector<256x128xi32>
    %and3A_868 = arith.andi %select_n3A_823, %and3A_867 : vector<256x128xi32>
    %select_n3A_869 = arith.select %eq3A_864, %and3A_868, %select_n3A_823 : vector<256x128xi1>, vector<256x128xi32>
    %neg3A_870 = arith.constant 0 : i32
    %neg3A_871 = vector.broadcast %neg3A_870 : i32 to vector<256x128xi32>
    %neg3A_872 = arith.subi %neg3A_871, %select_n3A_869 : vector<256x128xi32>
    %and3A_873 = arith.andi %select_n3A_869, %neg3A_872 : vector<256x128xi32>
    %sub3A_874 = arith.constant 1 : i32
    %sub3A_875 = vector.broadcast %sub3A_874 : i32 to vector<256x128xi32>
    %sub3A_876 = arith.subi %and3A_873, %sub3A_875 : vector<256x128xi32>
    %population_count3A_877 = math.ctpop %sub3A_876 : vector<256x128xi32>
    %ne3A_878 = arith.constant 0 : i32
    %ne3A_879 = vector.broadcast %ne3A_878 : i32 to vector<256x128xi32>
    %ne3A_880 = arith.cmpi ne, %select_n3A_869, %ne3A_879 : vector<256x128xi32>
    %mul3A_881 = arith.constant 128 : i32
    %mul3A_882 = vector.broadcast %mul3A_881 : i32 to vector<256x128xi32>
    %mul3A_883 = arith.muli %population_count3A_877, %mul3A_882 : vector<256x128xi32>
    %add3A_884 = arith.addi %mul3A_883, %iota3A : vector<256x128xi32>
    %jit3A_885 = arith.constant 4096 : i32
    %broadcast_in_dim3A_886 = vector.broadcast %jit3A_885 : i32 to vector<256x128xi32>
    %select_n3A_887 = arith.select %ne3A_880, %add3A_884, %broadcast_in_dim3A_886 : vector<256x128xi1>, vector<256x128xi32>
    %reduce_min3A_888 = arith.constant dense<2147483647> : vector<256xi32>
    %reduce_min3A_889 = vector.multi_reduction <minsi>, %select_n3A_887, %reduce_min3A_888 [1] : vector<256x128xi32> to vector<256xi32>
    %broadcast_in_dim3A_890 = vector.shape_cast %reduce_min3A_889 : vector<256xi32> to vector<256x1xi32>
    %shift_right_arithmetic3A_891 = arith.constant 7 : i32
    %shift_right_arithmetic3A_892 = vector.broadcast %shift_right_arithmetic3A_891 : i32 to vector<256x1xi32>
    %shift_right_arithmetic3A_893 = arith.shrsi %broadcast_in_dim3A_890, %shift_right_arithmetic3A_892 : vector<256x1xi32>
    %min3A_894 = arith.constant 31 : i32
    %min3A_895 = vector.broadcast %min3A_894 : i32 to vector<256x1xi32>
    %min3A_896 = arith.minsi %shift_right_arithmetic3A_893, %min3A_895 : vector<256x1xi32>
    %lt3A_897 = arith.constant 4096 : i32
    %lt3A_898 = vector.broadcast %lt3A_897 : i32 to vector<256x1xi32>
    %lt3A_899 = arith.cmpi slt, %broadcast_in_dim3A_890, %lt3A_898 : vector<256x1xi32>
    %shift_left3A_900 = arith.constant 1 : i32
    %shift_left3A_901 = vector.broadcast %shift_left3A_900 : i32 to vector<256x1xi32>
    %shift_left3A_902 = arith.shli %shift_left3A_901, %min3A_896 : vector<256x1xi32>
    %jit3A_903 = arith.constant 0 : i32
    %broadcast_in_dim3A_904 = vector.broadcast %jit3A_903 : i32 to vector<256x1xi32>
    %select_n3A_905 = arith.select %lt3A_899, %shift_left3A_902, %broadcast_in_dim3A_904 : vector<256x1xi1>, vector<256x1xi32>
    %and3A_906 = arith.constant 127 : i32
    %and3A_907 = vector.broadcast %and3A_906 : i32 to vector<256x1xi32>
    %and3A_908 = arith.andi %broadcast_in_dim3A_890, %and3A_907 : vector<256x1xi32>
    %eq3A_909 = vector.broadcast %and3A_908 : vector<256x1xi32> to vector<256x128xi32>
    %eq3A_910 = arith.cmpi eq, %iota3A, %eq3A_909 : vector<256x128xi32>
    %not3A_911 = arith.constant dense<-1> : vector<256x1xi32>
    %not3A_912 = arith.xori %select_n3A_905, %not3A_911 : vector<256x1xi32>
    %and3A_913 = vector.broadcast %not3A_912 : vector<256x1xi32> to vector<256x128xi32>
    %and3A_914 = arith.andi %select_n3A_869, %and3A_913 : vector<256x128xi32>
    %select_n3A_915 = arith.select %eq3A_910, %and3A_914, %select_n3A_869 : vector<256x128xi1>, vector<256x128xi32>
    %neg3A_916 = arith.constant 0 : i32
    %neg3A_917 = vector.broadcast %neg3A_916 : i32 to vector<256x128xi32>
    %neg3A_918 = arith.subi %neg3A_917, %select_n3A_915 : vector<256x128xi32>
    %and3A_919 = arith.andi %select_n3A_915, %neg3A_918 : vector<256x128xi32>
    %sub3A_920 = arith.constant 1 : i32
    %sub3A_921 = vector.broadcast %sub3A_920 : i32 to vector<256x128xi32>
    %sub3A_922 = arith.subi %and3A_919, %sub3A_921 : vector<256x128xi32>
    %population_count3A_923 = math.ctpop %sub3A_922 : vector<256x128xi32>
    %ne3A_924 = arith.constant 0 : i32
    %ne3A_925 = vector.broadcast %ne3A_924 : i32 to vector<256x128xi32>
    %ne3A_926 = arith.cmpi ne, %select_n3A_915, %ne3A_925 : vector<256x128xi32>
    %mul3A_927 = arith.constant 128 : i32
    %mul3A_928 = vector.broadcast %mul3A_927 : i32 to vector<256x128xi32>
    %mul3A_929 = arith.muli %population_count3A_923, %mul3A_928 : vector<256x128xi32>
    %add3A_930 = arith.addi %mul3A_929, %iota3A : vector<256x128xi32>
    %jit3A_931 = arith.constant 4096 : i32
    %broadcast_in_dim3A_932 = vector.broadcast %jit3A_931 : i32 to vector<256x128xi32>
    %select_n3A_933 = arith.select %ne3A_926, %add3A_930, %broadcast_in_dim3A_932 : vector<256x128xi1>, vector<256x128xi32>
    %reduce_min3A_934 = arith.constant dense<2147483647> : vector<256xi32>
    %reduce_min3A_935 = vector.multi_reduction <minsi>, %select_n3A_933, %reduce_min3A_934 [1] : vector<256x128xi32> to vector<256xi32>
    %broadcast_in_dim3A_936 = vector.shape_cast %reduce_min3A_935 : vector<256xi32> to vector<256x1xi32>
    %shift_right_arithmetic3A_937 = arith.constant 7 : i32
    %shift_right_arithmetic3A_938 = vector.broadcast %shift_right_arithmetic3A_937 : i32 to vector<256x1xi32>
    %shift_right_arithmetic3A_939 = arith.shrsi %broadcast_in_dim3A_936, %shift_right_arithmetic3A_938 : vector<256x1xi32>
    %min3A_940 = arith.constant 31 : i32
    %min3A_941 = vector.broadcast %min3A_940 : i32 to vector<256x1xi32>
    %min3A_942 = arith.minsi %shift_right_arithmetic3A_939, %min3A_941 : vector<256x1xi32>
    %lt3A_943 = arith.constant 4096 : i32
    %lt3A_944 = vector.broadcast %lt3A_943 : i32 to vector<256x1xi32>
    %lt3A_945 = arith.cmpi slt, %broadcast_in_dim3A_936, %lt3A_944 : vector<256x1xi32>
    %shift_left3A_946 = arith.constant 1 : i32
    %shift_left3A_947 = vector.broadcast %shift_left3A_946 : i32 to vector<256x1xi32>
    %shift_left3A_948 = arith.shli %shift_left3A_947, %min3A_942 : vector<256x1xi32>
    %jit3A_949 = arith.constant 0 : i32
    %broadcast_in_dim3A_950 = vector.broadcast %jit3A_949 : i32 to vector<256x1xi32>
    %select_n3A_951 = arith.select %lt3A_945, %shift_left3A_948, %broadcast_in_dim3A_950 : vector<256x1xi1>, vector<256x1xi32>
    %and3A_952 = arith.constant 127 : i32
    %and3A_953 = vector.broadcast %and3A_952 : i32 to vector<256x1xi32>
    %and3A_954 = arith.andi %broadcast_in_dim3A_936, %and3A_953 : vector<256x1xi32>
    %eq3A_955 = vector.broadcast %and3A_954 : vector<256x1xi32> to vector<256x128xi32>
    %eq3A_956 = arith.cmpi eq, %iota3A, %eq3A_955 : vector<256x128xi32>
    %not3A_957 = arith.constant dense<-1> : vector<256x1xi32>
    %not3A_958 = arith.xori %select_n3A_951, %not3A_957 : vector<256x1xi32>
    %and3A_959 = vector.broadcast %not3A_958 : vector<256x1xi32> to vector<256x128xi32>
    %and3A_960 = arith.andi %select_n3A_915, %and3A_959 : vector<256x128xi32>
    %select_n3A_961 = arith.select %eq3A_956, %and3A_960, %select_n3A_915 : vector<256x128xi1>, vector<256x128xi32>
    %neg3A_962 = arith.constant 0 : i32
    %neg3A_963 = vector.broadcast %neg3A_962 : i32 to vector<256x128xi32>
    %neg3A_964 = arith.subi %neg3A_963, %select_n3A_961 : vector<256x128xi32>
    %and3A_965 = arith.andi %select_n3A_961, %neg3A_964 : vector<256x128xi32>
    %sub3A_966 = arith.constant 1 : i32
    %sub3A_967 = vector.broadcast %sub3A_966 : i32 to vector<256x128xi32>
    %sub3A_968 = arith.subi %and3A_965, %sub3A_967 : vector<256x128xi32>
    %population_count3A_969 = math.ctpop %sub3A_968 : vector<256x128xi32>
    %ne3A_970 = arith.constant 0 : i32
    %ne3A_971 = vector.broadcast %ne3A_970 : i32 to vector<256x128xi32>
    %ne3A_972 = arith.cmpi ne, %select_n3A_961, %ne3A_971 : vector<256x128xi32>
    %mul3A_973 = arith.constant 128 : i32
    %mul3A_974 = vector.broadcast %mul3A_973 : i32 to vector<256x128xi32>
    %mul3A_975 = arith.muli %population_count3A_969, %mul3A_974 : vector<256x128xi32>
    %add3A_976 = arith.addi %mul3A_975, %iota3A : vector<256x128xi32>
    %jit3A_977 = arith.constant 4096 : i32
    %broadcast_in_dim3A_978 = vector.broadcast %jit3A_977 : i32 to vector<256x128xi32>
    %select_n3A_979 = arith.select %ne3A_972, %add3A_976, %broadcast_in_dim3A_978 : vector<256x128xi1>, vector<256x128xi32>
    %reduce_min3A_980 = arith.constant dense<2147483647> : vector<256xi32>
    %reduce_min3A_981 = vector.multi_reduction <minsi>, %select_n3A_979, %reduce_min3A_980 [1] : vector<256x128xi32> to vector<256xi32>
    %broadcast_in_dim3A_982 = vector.shape_cast %reduce_min3A_981 : vector<256xi32> to vector<256x1xi32>
    %shift_right_arithmetic3A_983 = arith.constant 7 : i32
    %shift_right_arithmetic3A_984 = vector.broadcast %shift_right_arithmetic3A_983 : i32 to vector<256x1xi32>
    %shift_right_arithmetic3A_985 = arith.shrsi %broadcast_in_dim3A_982, %shift_right_arithmetic3A_984 : vector<256x1xi32>
    %min3A_986 = arith.constant 31 : i32
    %min3A_987 = vector.broadcast %min3A_986 : i32 to vector<256x1xi32>
    %min3A_988 = arith.minsi %shift_right_arithmetic3A_985, %min3A_987 : vector<256x1xi32>
    %lt3A_989 = arith.constant 4096 : i32
    %lt3A_990 = vector.broadcast %lt3A_989 : i32 to vector<256x1xi32>
    %lt3A_991 = arith.cmpi slt, %broadcast_in_dim3A_982, %lt3A_990 : vector<256x1xi32>
    %shift_left3A_992 = arith.constant 1 : i32
    %shift_left3A_993 = vector.broadcast %shift_left3A_992 : i32 to vector<256x1xi32>
    %shift_left3A_994 = arith.shli %shift_left3A_993, %min3A_988 : vector<256x1xi32>
    %jit3A_995 = arith.constant 0 : i32
    %broadcast_in_dim3A_996 = vector.broadcast %jit3A_995 : i32 to vector<256x1xi32>
    %select_n3A_997 = arith.select %lt3A_991, %shift_left3A_994, %broadcast_in_dim3A_996 : vector<256x1xi1>, vector<256x1xi32>
    %and3A_998 = arith.constant 127 : i32
    %and3A_999 = vector.broadcast %and3A_998 : i32 to vector<256x1xi32>
    %and3A_1000 = arith.andi %broadcast_in_dim3A_982, %and3A_999 : vector<256x1xi32>
    %eq3A_1001 = vector.broadcast %and3A_1000 : vector<256x1xi32> to vector<256x128xi32>
    %eq3A_1002 = arith.cmpi eq, %iota3A, %eq3A_1001 : vector<256x128xi32>
    %not3A_1003 = arith.constant dense<-1> : vector<256x1xi32>
    %not3A_1004 = arith.xori %select_n3A_997, %not3A_1003 : vector<256x1xi32>
    %and3A_1005 = vector.broadcast %not3A_1004 : vector<256x1xi32> to vector<256x128xi32>
    %and3A_1006 = arith.andi %select_n3A_961, %and3A_1005 : vector<256x128xi32>
    %select_n3A_1007 = arith.select %eq3A_1002, %and3A_1006, %select_n3A_961 : vector<256x128xi1>, vector<256x128xi32>
    %neg3A_1008 = arith.constant 0 : i32
    %neg3A_1009 = vector.broadcast %neg3A_1008 : i32 to vector<256x128xi32>
    %neg3A_1010 = arith.subi %neg3A_1009, %select_n3A_1007 : vector<256x128xi32>
    %and3A_1011 = arith.andi %select_n3A_1007, %neg3A_1010 : vector<256x128xi32>
    %sub3A_1012 = arith.constant 1 : i32
    %sub3A_1013 = vector.broadcast %sub3A_1012 : i32 to vector<256x128xi32>
    %sub3A_1014 = arith.subi %and3A_1011, %sub3A_1013 : vector<256x128xi32>
    %population_count3A_1015 = math.ctpop %sub3A_1014 : vector<256x128xi32>
    %ne3A_1016 = arith.constant 0 : i32
    %ne3A_1017 = vector.broadcast %ne3A_1016 : i32 to vector<256x128xi32>
    %ne3A_1018 = arith.cmpi ne, %select_n3A_1007, %ne3A_1017 : vector<256x128xi32>
    %mul3A_1019 = arith.constant 128 : i32
    %mul3A_1020 = vector.broadcast %mul3A_1019 : i32 to vector<256x128xi32>
    %mul3A_1021 = arith.muli %population_count3A_1015, %mul3A_1020 : vector<256x128xi32>
    %add3A_1022 = arith.addi %mul3A_1021, %iota3A : vector<256x128xi32>
    %jit3A_1023 = arith.constant 4096 : i32
    %broadcast_in_dim3A_1024 = vector.broadcast %jit3A_1023 : i32 to vector<256x128xi32>
    %select_n3A_1025 = arith.select %ne3A_1018, %add3A_1022, %broadcast_in_dim3A_1024 : vector<256x128xi1>, vector<256x128xi32>
    %reduce_min3A_1026 = arith.constant dense<2147483647> : vector<256xi32>
    %reduce_min3A_1027 = vector.multi_reduction <minsi>, %select_n3A_1025, %reduce_min3A_1026 [1] : vector<256x128xi32> to vector<256xi32>
    %broadcast_in_dim3A_1028 = vector.shape_cast %reduce_min3A_1027 : vector<256xi32> to vector<256x1xi32>
    %shift_right_arithmetic3A_1029 = arith.constant 7 : i32
    %shift_right_arithmetic3A_1030 = vector.broadcast %shift_right_arithmetic3A_1029 : i32 to vector<256x1xi32>
    %shift_right_arithmetic3A_1031 = arith.shrsi %broadcast_in_dim3A_1028, %shift_right_arithmetic3A_1030 : vector<256x1xi32>
    %min3A_1032 = arith.constant 31 : i32
    %min3A_1033 = vector.broadcast %min3A_1032 : i32 to vector<256x1xi32>
    %min3A_1034 = arith.minsi %shift_right_arithmetic3A_1031, %min3A_1033 : vector<256x1xi32>
    %lt3A_1035 = arith.constant 4096 : i32
    %lt3A_1036 = vector.broadcast %lt3A_1035 : i32 to vector<256x1xi32>
    %lt3A_1037 = arith.cmpi slt, %broadcast_in_dim3A_1028, %lt3A_1036 : vector<256x1xi32>
    %shift_left3A_1038 = arith.constant 1 : i32
    %shift_left3A_1039 = vector.broadcast %shift_left3A_1038 : i32 to vector<256x1xi32>
    %shift_left3A_1040 = arith.shli %shift_left3A_1039, %min3A_1034 : vector<256x1xi32>
    %jit3A_1041 = arith.constant 0 : i32
    %broadcast_in_dim3A_1042 = vector.broadcast %jit3A_1041 : i32 to vector<256x1xi32>
    %select_n3A_1043 = arith.select %lt3A_1037, %shift_left3A_1040, %broadcast_in_dim3A_1042 : vector<256x1xi1>, vector<256x1xi32>
    %and3A_1044 = arith.constant 127 : i32
    %and3A_1045 = vector.broadcast %and3A_1044 : i32 to vector<256x1xi32>
    %and3A_1046 = arith.andi %broadcast_in_dim3A_1028, %and3A_1045 : vector<256x1xi32>
    %eq3A_1047 = vector.broadcast %and3A_1046 : vector<256x1xi32> to vector<256x128xi32>
    %eq3A_1048 = arith.cmpi eq, %iota3A, %eq3A_1047 : vector<256x128xi32>
    %not3A_1049 = arith.constant dense<-1> : vector<256x1xi32>
    %not3A_1050 = arith.xori %select_n3A_1043, %not3A_1049 : vector<256x1xi32>
    %and3A_1051 = vector.broadcast %not3A_1050 : vector<256x1xi32> to vector<256x128xi32>
    %and3A_1052 = arith.andi %select_n3A_1007, %and3A_1051 : vector<256x128xi32>
    %select_n3A_1053 = arith.select %eq3A_1048, %and3A_1052, %select_n3A_1007 : vector<256x128xi1>, vector<256x128xi32>
    %neg3A_1054 = arith.constant 0 : i32
    %neg3A_1055 = vector.broadcast %neg3A_1054 : i32 to vector<256x128xi32>
    %neg3A_1056 = arith.subi %neg3A_1055, %select_n3A_1053 : vector<256x128xi32>
    %and3A_1057 = arith.andi %select_n3A_1053, %neg3A_1056 : vector<256x128xi32>
    %sub3A_1058 = arith.constant 1 : i32
    %sub3A_1059 = vector.broadcast %sub3A_1058 : i32 to vector<256x128xi32>
    %sub3A_1060 = arith.subi %and3A_1057, %sub3A_1059 : vector<256x128xi32>
    %population_count3A_1061 = math.ctpop %sub3A_1060 : vector<256x128xi32>
    %ne3A_1062 = arith.constant 0 : i32
    %ne3A_1063 = vector.broadcast %ne3A_1062 : i32 to vector<256x128xi32>
    %ne3A_1064 = arith.cmpi ne, %select_n3A_1053, %ne3A_1063 : vector<256x128xi32>
    %mul3A_1065 = arith.constant 128 : i32
    %mul3A_1066 = vector.broadcast %mul3A_1065 : i32 to vector<256x128xi32>
    %mul3A_1067 = arith.muli %population_count3A_1061, %mul3A_1066 : vector<256x128xi32>
    %add3A_1068 = arith.addi %mul3A_1067, %iota3A : vector<256x128xi32>
    %jit3A_1069 = arith.constant 4096 : i32
    %broadcast_in_dim3A_1070 = vector.broadcast %jit3A_1069 : i32 to vector<256x128xi32>
    %select_n3A_1071 = arith.select %ne3A_1064, %add3A_1068, %broadcast_in_dim3A_1070 : vector<256x128xi1>, vector<256x128xi32>
    %reduce_min3A_1072 = arith.constant dense<2147483647> : vector<256xi32>
    %reduce_min3A_1073 = vector.multi_reduction <minsi>, %select_n3A_1071, %reduce_min3A_1072 [1] : vector<256x128xi32> to vector<256xi32>
    %broadcast_in_dim3A_1074 = vector.shape_cast %reduce_min3A_1073 : vector<256xi32> to vector<256x1xi32>
    %shift_right_arithmetic3A_1075 = arith.constant 7 : i32
    %shift_right_arithmetic3A_1076 = vector.broadcast %shift_right_arithmetic3A_1075 : i32 to vector<256x1xi32>
    %shift_right_arithmetic3A_1077 = arith.shrsi %broadcast_in_dim3A_1074, %shift_right_arithmetic3A_1076 : vector<256x1xi32>
    %min3A_1078 = arith.constant 31 : i32
    %min3A_1079 = vector.broadcast %min3A_1078 : i32 to vector<256x1xi32>
    %min3A_1080 = arith.minsi %shift_right_arithmetic3A_1077, %min3A_1079 : vector<256x1xi32>
    %lt3A_1081 = arith.constant 4096 : i32
    %lt3A_1082 = vector.broadcast %lt3A_1081 : i32 to vector<256x1xi32>
    %lt3A_1083 = arith.cmpi slt, %broadcast_in_dim3A_1074, %lt3A_1082 : vector<256x1xi32>
    %shift_left3A_1084 = arith.constant 1 : i32
    %shift_left3A_1085 = vector.broadcast %shift_left3A_1084 : i32 to vector<256x1xi32>
    %shift_left3A_1086 = arith.shli %shift_left3A_1085, %min3A_1080 : vector<256x1xi32>
    %jit3A_1087 = arith.constant 0 : i32
    %broadcast_in_dim3A_1088 = vector.broadcast %jit3A_1087 : i32 to vector<256x1xi32>
    %select_n3A_1089 = arith.select %lt3A_1083, %shift_left3A_1086, %broadcast_in_dim3A_1088 : vector<256x1xi1>, vector<256x1xi32>
    %and3A_1090 = arith.constant 127 : i32
    %and3A_1091 = vector.broadcast %and3A_1090 : i32 to vector<256x1xi32>
    %and3A_1092 = arith.andi %broadcast_in_dim3A_1074, %and3A_1091 : vector<256x1xi32>
    %eq3A_1093 = vector.broadcast %and3A_1092 : vector<256x1xi32> to vector<256x128xi32>
    %eq3A_1094 = arith.cmpi eq, %iota3A, %eq3A_1093 : vector<256x128xi32>
    %not3A_1095 = arith.constant dense<-1> : vector<256x1xi32>
    %not3A_1096 = arith.xori %select_n3A_1089, %not3A_1095 : vector<256x1xi32>
    %and3A_1097 = vector.broadcast %not3A_1096 : vector<256x1xi32> to vector<256x128xi32>
    %and3A_1098 = arith.andi %select_n3A_1053, %and3A_1097 : vector<256x128xi32>
    %select_n3A_1099 = arith.select %eq3A_1094, %and3A_1098, %select_n3A_1053 : vector<256x128xi1>, vector<256x128xi32>
    %neg3A_1100 = arith.constant 0 : i32
    %neg3A_1101 = vector.broadcast %neg3A_1100 : i32 to vector<256x128xi32>
    %neg3A_1102 = arith.subi %neg3A_1101, %select_n3A_1099 : vector<256x128xi32>
    %and3A_1103 = arith.andi %select_n3A_1099, %neg3A_1102 : vector<256x128xi32>
    %sub3A_1104 = arith.constant 1 : i32
    %sub3A_1105 = vector.broadcast %sub3A_1104 : i32 to vector<256x128xi32>
    %sub3A_1106 = arith.subi %and3A_1103, %sub3A_1105 : vector<256x128xi32>
    %population_count3A_1107 = math.ctpop %sub3A_1106 : vector<256x128xi32>
    %ne3A_1108 = arith.constant 0 : i32
    %ne3A_1109 = vector.broadcast %ne3A_1108 : i32 to vector<256x128xi32>
    %ne3A_1110 = arith.cmpi ne, %select_n3A_1099, %ne3A_1109 : vector<256x128xi32>
    %mul3A_1111 = arith.constant 128 : i32
    %mul3A_1112 = vector.broadcast %mul3A_1111 : i32 to vector<256x128xi32>
    %mul3A_1113 = arith.muli %population_count3A_1107, %mul3A_1112 : vector<256x128xi32>
    %add3A_1114 = arith.addi %mul3A_1113, %iota3A : vector<256x128xi32>
    %jit3A_1115 = arith.constant 4096 : i32
    %broadcast_in_dim3A_1116 = vector.broadcast %jit3A_1115 : i32 to vector<256x128xi32>
    %select_n3A_1117 = arith.select %ne3A_1110, %add3A_1114, %broadcast_in_dim3A_1116 : vector<256x128xi1>, vector<256x128xi32>
    %reduce_min3A_1118 = arith.constant dense<2147483647> : vector<256xi32>
    %reduce_min3A_1119 = vector.multi_reduction <minsi>, %select_n3A_1117, %reduce_min3A_1118 [1] : vector<256x128xi32> to vector<256xi32>
    %broadcast_in_dim3A_1120 = vector.shape_cast %reduce_min3A_1119 : vector<256xi32> to vector<256x1xi32>
    %shift_right_arithmetic3A_1121 = arith.constant 7 : i32
    %shift_right_arithmetic3A_1122 = vector.broadcast %shift_right_arithmetic3A_1121 : i32 to vector<256x1xi32>
    %shift_right_arithmetic3A_1123 = arith.shrsi %broadcast_in_dim3A_1120, %shift_right_arithmetic3A_1122 : vector<256x1xi32>
    %min3A_1124 = arith.constant 31 : i32
    %min3A_1125 = vector.broadcast %min3A_1124 : i32 to vector<256x1xi32>
    %min3A_1126 = arith.minsi %shift_right_arithmetic3A_1123, %min3A_1125 : vector<256x1xi32>
    %lt3A_1127 = arith.constant 4096 : i32
    %lt3A_1128 = vector.broadcast %lt3A_1127 : i32 to vector<256x1xi32>
    %lt3A_1129 = arith.cmpi slt, %broadcast_in_dim3A_1120, %lt3A_1128 : vector<256x1xi32>
    %shift_left3A_1130 = arith.constant 1 : i32
    %shift_left3A_1131 = vector.broadcast %shift_left3A_1130 : i32 to vector<256x1xi32>
    %shift_left3A_1132 = arith.shli %shift_left3A_1131, %min3A_1126 : vector<256x1xi32>
    %jit3A_1133 = arith.constant 0 : i32
    %broadcast_in_dim3A_1134 = vector.broadcast %jit3A_1133 : i32 to vector<256x1xi32>
    %select_n3A_1135 = arith.select %lt3A_1129, %shift_left3A_1132, %broadcast_in_dim3A_1134 : vector<256x1xi1>, vector<256x1xi32>
    %and3A_1136 = arith.constant 127 : i32
    %and3A_1137 = vector.broadcast %and3A_1136 : i32 to vector<256x1xi32>
    %and3A_1138 = arith.andi %broadcast_in_dim3A_1120, %and3A_1137 : vector<256x1xi32>
    %eq3A_1139 = vector.broadcast %and3A_1138 : vector<256x1xi32> to vector<256x128xi32>
    %eq3A_1140 = arith.cmpi eq, %iota3A, %eq3A_1139 : vector<256x128xi32>
    %not3A_1141 = arith.constant dense<-1> : vector<256x1xi32>
    %not3A_1142 = arith.xori %select_n3A_1135, %not3A_1141 : vector<256x1xi32>
    %and3A_1143 = vector.broadcast %not3A_1142 : vector<256x1xi32> to vector<256x128xi32>
    %and3A_1144 = arith.andi %select_n3A_1099, %and3A_1143 : vector<256x128xi32>
    %select_n3A_1145 = arith.select %eq3A_1140, %and3A_1144, %select_n3A_1099 : vector<256x128xi1>, vector<256x128xi32>
    %neg3A_1146 = arith.constant 0 : i32
    %neg3A_1147 = vector.broadcast %neg3A_1146 : i32 to vector<256x128xi32>
    %neg3A_1148 = arith.subi %neg3A_1147, %select_n3A_1145 : vector<256x128xi32>
    %and3A_1149 = arith.andi %select_n3A_1145, %neg3A_1148 : vector<256x128xi32>
    %sub3A_1150 = arith.constant 1 : i32
    %sub3A_1151 = vector.broadcast %sub3A_1150 : i32 to vector<256x128xi32>
    %sub3A_1152 = arith.subi %and3A_1149, %sub3A_1151 : vector<256x128xi32>
    %population_count3A_1153 = math.ctpop %sub3A_1152 : vector<256x128xi32>
    %ne3A_1154 = arith.constant 0 : i32
    %ne3A_1155 = vector.broadcast %ne3A_1154 : i32 to vector<256x128xi32>
    %ne3A_1156 = arith.cmpi ne, %select_n3A_1145, %ne3A_1155 : vector<256x128xi32>
    %mul3A_1157 = arith.constant 128 : i32
    %mul3A_1158 = vector.broadcast %mul3A_1157 : i32 to vector<256x128xi32>
    %mul3A_1159 = arith.muli %population_count3A_1153, %mul3A_1158 : vector<256x128xi32>
    %add3A_1160 = arith.addi %mul3A_1159, %iota3A : vector<256x128xi32>
    %jit3A_1161 = arith.constant 4096 : i32
    %broadcast_in_dim3A_1162 = vector.broadcast %jit3A_1161 : i32 to vector<256x128xi32>
    %select_n3A_1163 = arith.select %ne3A_1156, %add3A_1160, %broadcast_in_dim3A_1162 : vector<256x128xi1>, vector<256x128xi32>
    %reduce_min3A_1164 = arith.constant dense<2147483647> : vector<256xi32>
    %reduce_min3A_1165 = vector.multi_reduction <minsi>, %select_n3A_1163, %reduce_min3A_1164 [1] : vector<256x128xi32> to vector<256xi32>
    %broadcast_in_dim3A_1166 = vector.shape_cast %reduce_min3A_1165 : vector<256xi32> to vector<256x1xi32>
    %shift_right_arithmetic3A_1167 = arith.constant 7 : i32
    %shift_right_arithmetic3A_1168 = vector.broadcast %shift_right_arithmetic3A_1167 : i32 to vector<256x1xi32>
    %shift_right_arithmetic3A_1169 = arith.shrsi %broadcast_in_dim3A_1166, %shift_right_arithmetic3A_1168 : vector<256x1xi32>
    %min3A_1170 = arith.constant 31 : i32
    %min3A_1171 = vector.broadcast %min3A_1170 : i32 to vector<256x1xi32>
    %min3A_1172 = arith.minsi %shift_right_arithmetic3A_1169, %min3A_1171 : vector<256x1xi32>
    %lt3A_1173 = arith.constant 4096 : i32
    %lt3A_1174 = vector.broadcast %lt3A_1173 : i32 to vector<256x1xi32>
    %lt3A_1175 = arith.cmpi slt, %broadcast_in_dim3A_1166, %lt3A_1174 : vector<256x1xi32>
    %shift_left3A_1176 = arith.constant 1 : i32
    %shift_left3A_1177 = vector.broadcast %shift_left3A_1176 : i32 to vector<256x1xi32>
    %shift_left3A_1178 = arith.shli %shift_left3A_1177, %min3A_1172 : vector<256x1xi32>
    %jit3A_1179 = arith.constant 0 : i32
    %broadcast_in_dim3A_1180 = vector.broadcast %jit3A_1179 : i32 to vector<256x1xi32>
    %select_n3A_1181 = arith.select %lt3A_1175, %shift_left3A_1178, %broadcast_in_dim3A_1180 : vector<256x1xi1>, vector<256x1xi32>
    %and3A_1182 = arith.constant 127 : i32
    %and3A_1183 = vector.broadcast %and3A_1182 : i32 to vector<256x1xi32>
    %and3A_1184 = arith.andi %broadcast_in_dim3A_1166, %and3A_1183 : vector<256x1xi32>
    %eq3A_1185 = vector.broadcast %and3A_1184 : vector<256x1xi32> to vector<256x128xi32>
    %eq3A_1186 = arith.cmpi eq, %iota3A, %eq3A_1185 : vector<256x128xi32>
    %not3A_1187 = arith.constant dense<-1> : vector<256x1xi32>
    %not3A_1188 = arith.xori %select_n3A_1181, %not3A_1187 : vector<256x1xi32>
    %and3A_1189 = vector.broadcast %not3A_1188 : vector<256x1xi32> to vector<256x128xi32>
    %and3A_1190 = arith.andi %select_n3A_1145, %and3A_1189 : vector<256x128xi32>
    %select_n3A_1191 = arith.select %eq3A_1186, %and3A_1190, %select_n3A_1145 : vector<256x128xi1>, vector<256x128xi32>
    %neg3A_1192 = arith.constant 0 : i32
    %neg3A_1193 = vector.broadcast %neg3A_1192 : i32 to vector<256x128xi32>
    %neg3A_1194 = arith.subi %neg3A_1193, %select_n3A_1191 : vector<256x128xi32>
    %and3A_1195 = arith.andi %select_n3A_1191, %neg3A_1194 : vector<256x128xi32>
    %sub3A_1196 = arith.constant 1 : i32
    %sub3A_1197 = vector.broadcast %sub3A_1196 : i32 to vector<256x128xi32>
    %sub3A_1198 = arith.subi %and3A_1195, %sub3A_1197 : vector<256x128xi32>
    %population_count3A_1199 = math.ctpop %sub3A_1198 : vector<256x128xi32>
    %ne3A_1200 = arith.constant 0 : i32
    %ne3A_1201 = vector.broadcast %ne3A_1200 : i32 to vector<256x128xi32>
    %ne3A_1202 = arith.cmpi ne, %select_n3A_1191, %ne3A_1201 : vector<256x128xi32>
    %mul3A_1203 = arith.constant 128 : i32
    %mul3A_1204 = vector.broadcast %mul3A_1203 : i32 to vector<256x128xi32>
    %mul3A_1205 = arith.muli %population_count3A_1199, %mul3A_1204 : vector<256x128xi32>
    %add3A_1206 = arith.addi %mul3A_1205, %iota3A : vector<256x128xi32>
    %jit3A_1207 = arith.constant 4096 : i32
    %broadcast_in_dim3A_1208 = vector.broadcast %jit3A_1207 : i32 to vector<256x128xi32>
    %select_n3A_1209 = arith.select %ne3A_1202, %add3A_1206, %broadcast_in_dim3A_1208 : vector<256x128xi1>, vector<256x128xi32>
    %reduce_min3A_1210 = arith.constant dense<2147483647> : vector<256xi32>
    %reduce_min3A_1211 = vector.multi_reduction <minsi>, %select_n3A_1209, %reduce_min3A_1210 [1] : vector<256x128xi32> to vector<256xi32>
    %broadcast_in_dim3A_1212 = vector.shape_cast %reduce_min3A_1211 : vector<256xi32> to vector<256x1xi32>
    %shift_right_arithmetic3A_1213 = arith.constant 7 : i32
    %shift_right_arithmetic3A_1214 = vector.broadcast %shift_right_arithmetic3A_1213 : i32 to vector<256x1xi32>
    %shift_right_arithmetic3A_1215 = arith.shrsi %broadcast_in_dim3A_1212, %shift_right_arithmetic3A_1214 : vector<256x1xi32>
    %min3A_1216 = arith.constant 31 : i32
    %min3A_1217 = vector.broadcast %min3A_1216 : i32 to vector<256x1xi32>
    %min3A_1218 = arith.minsi %shift_right_arithmetic3A_1215, %min3A_1217 : vector<256x1xi32>
    %lt3A_1219 = arith.constant 4096 : i32
    %lt3A_1220 = vector.broadcast %lt3A_1219 : i32 to vector<256x1xi32>
    %lt3A_1221 = arith.cmpi slt, %broadcast_in_dim3A_1212, %lt3A_1220 : vector<256x1xi32>
    %shift_left3A_1222 = arith.constant 1 : i32
    %shift_left3A_1223 = vector.broadcast %shift_left3A_1222 : i32 to vector<256x1xi32>
    %shift_left3A_1224 = arith.shli %shift_left3A_1223, %min3A_1218 : vector<256x1xi32>
    %jit3A_1225 = arith.constant 0 : i32
    %broadcast_in_dim3A_1226 = vector.broadcast %jit3A_1225 : i32 to vector<256x1xi32>
    %select_n3A_1227 = arith.select %lt3A_1221, %shift_left3A_1224, %broadcast_in_dim3A_1226 : vector<256x1xi1>, vector<256x1xi32>
    %and3A_1228 = arith.constant 127 : i32
    %and3A_1229 = vector.broadcast %and3A_1228 : i32 to vector<256x1xi32>
    %and3A_1230 = arith.andi %broadcast_in_dim3A_1212, %and3A_1229 : vector<256x1xi32>
    %eq3A_1231 = vector.broadcast %and3A_1230 : vector<256x1xi32> to vector<256x128xi32>
    %eq3A_1232 = arith.cmpi eq, %iota3A, %eq3A_1231 : vector<256x128xi32>
    %not3A_1233 = arith.constant dense<-1> : vector<256x1xi32>
    %not3A_1234 = arith.xori %select_n3A_1227, %not3A_1233 : vector<256x1xi32>
    %and3A_1235 = vector.broadcast %not3A_1234 : vector<256x1xi32> to vector<256x128xi32>
    %and3A_1236 = arith.andi %select_n3A_1191, %and3A_1235 : vector<256x128xi32>
    %select_n3A_1237 = arith.select %eq3A_1232, %and3A_1236, %select_n3A_1191 : vector<256x128xi1>, vector<256x128xi32>
    %neg3A_1238 = arith.constant 0 : i32
    %neg3A_1239 = vector.broadcast %neg3A_1238 : i32 to vector<256x128xi32>
    %neg3A_1240 = arith.subi %neg3A_1239, %select_n3A_1237 : vector<256x128xi32>
    %and3A_1241 = arith.andi %select_n3A_1237, %neg3A_1240 : vector<256x128xi32>
    %sub3A_1242 = arith.constant 1 : i32
    %sub3A_1243 = vector.broadcast %sub3A_1242 : i32 to vector<256x128xi32>
    %sub3A_1244 = arith.subi %and3A_1241, %sub3A_1243 : vector<256x128xi32>
    %population_count3A_1245 = math.ctpop %sub3A_1244 : vector<256x128xi32>
    %ne3A_1246 = arith.constant 0 : i32
    %ne3A_1247 = vector.broadcast %ne3A_1246 : i32 to vector<256x128xi32>
    %ne3A_1248 = arith.cmpi ne, %select_n3A_1237, %ne3A_1247 : vector<256x128xi32>
    %mul3A_1249 = arith.constant 128 : i32
    %mul3A_1250 = vector.broadcast %mul3A_1249 : i32 to vector<256x128xi32>
    %mul3A_1251 = arith.muli %population_count3A_1245, %mul3A_1250 : vector<256x128xi32>
    %add3A_1252 = arith.addi %mul3A_1251, %iota3A : vector<256x128xi32>
    %jit3A_1253 = arith.constant 4096 : i32
    %broadcast_in_dim3A_1254 = vector.broadcast %jit3A_1253 : i32 to vector<256x128xi32>
    %select_n3A_1255 = arith.select %ne3A_1248, %add3A_1252, %broadcast_in_dim3A_1254 : vector<256x128xi1>, vector<256x128xi32>
    %reduce_min3A_1256 = arith.constant dense<2147483647> : vector<256xi32>
    %reduce_min3A_1257 = vector.multi_reduction <minsi>, %select_n3A_1255, %reduce_min3A_1256 [1] : vector<256x128xi32> to vector<256xi32>
    %broadcast_in_dim3A_1258 = vector.shape_cast %reduce_min3A_1257 : vector<256xi32> to vector<256x1xi32>
    %shift_right_arithmetic3A_1259 = arith.constant 7 : i32
    %shift_right_arithmetic3A_1260 = vector.broadcast %shift_right_arithmetic3A_1259 : i32 to vector<256x1xi32>
    %shift_right_arithmetic3A_1261 = arith.shrsi %broadcast_in_dim3A_1258, %shift_right_arithmetic3A_1260 : vector<256x1xi32>
    %min3A_1262 = arith.constant 31 : i32
    %min3A_1263 = vector.broadcast %min3A_1262 : i32 to vector<256x1xi32>
    %min3A_1264 = arith.minsi %shift_right_arithmetic3A_1261, %min3A_1263 : vector<256x1xi32>
    %lt3A_1265 = arith.constant 4096 : i32
    %lt3A_1266 = vector.broadcast %lt3A_1265 : i32 to vector<256x1xi32>
    %lt3A_1267 = arith.cmpi slt, %broadcast_in_dim3A_1258, %lt3A_1266 : vector<256x1xi32>
    %shift_left3A_1268 = arith.constant 1 : i32
    %shift_left3A_1269 = vector.broadcast %shift_left3A_1268 : i32 to vector<256x1xi32>
    %shift_left3A_1270 = arith.shli %shift_left3A_1269, %min3A_1264 : vector<256x1xi32>
    %jit3A_1271 = arith.constant 0 : i32
    %broadcast_in_dim3A_1272 = vector.broadcast %jit3A_1271 : i32 to vector<256x1xi32>
    %select_n3A_1273 = arith.select %lt3A_1267, %shift_left3A_1270, %broadcast_in_dim3A_1272 : vector<256x1xi1>, vector<256x1xi32>
    %and3A_1274 = arith.constant 127 : i32
    %and3A_1275 = vector.broadcast %and3A_1274 : i32 to vector<256x1xi32>
    %and3A_1276 = arith.andi %broadcast_in_dim3A_1258, %and3A_1275 : vector<256x1xi32>
    %eq3A_1277 = vector.broadcast %and3A_1276 : vector<256x1xi32> to vector<256x128xi32>
    %eq3A_1278 = arith.cmpi eq, %iota3A, %eq3A_1277 : vector<256x128xi32>
    %not3A_1279 = arith.constant dense<-1> : vector<256x1xi32>
    %not3A_1280 = arith.xori %select_n3A_1273, %not3A_1279 : vector<256x1xi32>
    %and3A_1281 = vector.broadcast %not3A_1280 : vector<256x1xi32> to vector<256x128xi32>
    %and3A_1282 = arith.andi %select_n3A_1237, %and3A_1281 : vector<256x128xi32>
    %select_n3A_1283 = arith.select %eq3A_1278, %and3A_1282, %select_n3A_1237 : vector<256x128xi1>, vector<256x128xi32>
    %neg3A_1284 = arith.constant 0 : i32
    %neg3A_1285 = vector.broadcast %neg3A_1284 : i32 to vector<256x128xi32>
    %neg3A_1286 = arith.subi %neg3A_1285, %select_n3A_1283 : vector<256x128xi32>
    %and3A_1287 = arith.andi %select_n3A_1283, %neg3A_1286 : vector<256x128xi32>
    %sub3A_1288 = arith.constant 1 : i32
    %sub3A_1289 = vector.broadcast %sub3A_1288 : i32 to vector<256x128xi32>
    %sub3A_1290 = arith.subi %and3A_1287, %sub3A_1289 : vector<256x128xi32>
    %population_count3A_1291 = math.ctpop %sub3A_1290 : vector<256x128xi32>
    %ne3A_1292 = arith.constant 0 : i32
    %ne3A_1293 = vector.broadcast %ne3A_1292 : i32 to vector<256x128xi32>
    %ne3A_1294 = arith.cmpi ne, %select_n3A_1283, %ne3A_1293 : vector<256x128xi32>
    %mul3A_1295 = arith.constant 128 : i32
    %mul3A_1296 = vector.broadcast %mul3A_1295 : i32 to vector<256x128xi32>
    %mul3A_1297 = arith.muli %population_count3A_1291, %mul3A_1296 : vector<256x128xi32>
    %add3A_1298 = arith.addi %mul3A_1297, %iota3A : vector<256x128xi32>
    %jit3A_1299 = arith.constant 4096 : i32
    %broadcast_in_dim3A_1300 = vector.broadcast %jit3A_1299 : i32 to vector<256x128xi32>
    %select_n3A_1301 = arith.select %ne3A_1294, %add3A_1298, %broadcast_in_dim3A_1300 : vector<256x128xi1>, vector<256x128xi32>
    %reduce_min3A_1302 = arith.constant dense<2147483647> : vector<256xi32>
    %reduce_min3A_1303 = vector.multi_reduction <minsi>, %select_n3A_1301, %reduce_min3A_1302 [1] : vector<256x128xi32> to vector<256xi32>
    %broadcast_in_dim3A_1304 = vector.shape_cast %reduce_min3A_1303 : vector<256xi32> to vector<256x1xi32>
    %shift_right_arithmetic3A_1305 = arith.constant 7 : i32
    %shift_right_arithmetic3A_1306 = vector.broadcast %shift_right_arithmetic3A_1305 : i32 to vector<256x1xi32>
    %shift_right_arithmetic3A_1307 = arith.shrsi %broadcast_in_dim3A_1304, %shift_right_arithmetic3A_1306 : vector<256x1xi32>
    %min3A_1308 = arith.constant 31 : i32
    %min3A_1309 = vector.broadcast %min3A_1308 : i32 to vector<256x1xi32>
    %min3A_1310 = arith.minsi %shift_right_arithmetic3A_1307, %min3A_1309 : vector<256x1xi32>
    %lt3A_1311 = arith.constant 4096 : i32
    %lt3A_1312 = vector.broadcast %lt3A_1311 : i32 to vector<256x1xi32>
    %lt3A_1313 = arith.cmpi slt, %broadcast_in_dim3A_1304, %lt3A_1312 : vector<256x1xi32>
    %shift_left3A_1314 = arith.constant 1 : i32
    %shift_left3A_1315 = vector.broadcast %shift_left3A_1314 : i32 to vector<256x1xi32>
    %shift_left3A_1316 = arith.shli %shift_left3A_1315, %min3A_1310 : vector<256x1xi32>
    %jit3A_1317 = arith.constant 0 : i32
    %broadcast_in_dim3A_1318 = vector.broadcast %jit3A_1317 : i32 to vector<256x1xi32>
    %select_n3A_1319 = arith.select %lt3A_1313, %shift_left3A_1316, %broadcast_in_dim3A_1318 : vector<256x1xi1>, vector<256x1xi32>
    %and3A_1320 = arith.constant 127 : i32
    %and3A_1321 = vector.broadcast %and3A_1320 : i32 to vector<256x1xi32>
    %and3A_1322 = arith.andi %broadcast_in_dim3A_1304, %and3A_1321 : vector<256x1xi32>
    %eq3A_1323 = vector.broadcast %and3A_1322 : vector<256x1xi32> to vector<256x128xi32>
    %eq3A_1324 = arith.cmpi eq, %iota3A, %eq3A_1323 : vector<256x128xi32>
    %not3A_1325 = arith.constant dense<-1> : vector<256x1xi32>
    %not3A_1326 = arith.xori %select_n3A_1319, %not3A_1325 : vector<256x1xi32>
    %and3A_1327 = vector.broadcast %not3A_1326 : vector<256x1xi32> to vector<256x128xi32>
    %and3A_1328 = arith.andi %select_n3A_1283, %and3A_1327 : vector<256x128xi32>
    %select_n3A_1329 = arith.select %eq3A_1324, %and3A_1328, %select_n3A_1283 : vector<256x128xi1>, vector<256x128xi32>
    %neg3A_1330 = arith.constant 0 : i32
    %neg3A_1331 = vector.broadcast %neg3A_1330 : i32 to vector<256x128xi32>
    %neg3A_1332 = arith.subi %neg3A_1331, %select_n3A_1329 : vector<256x128xi32>
    %and3A_1333 = arith.andi %select_n3A_1329, %neg3A_1332 : vector<256x128xi32>
    %sub3A_1334 = arith.constant 1 : i32
    %sub3A_1335 = vector.broadcast %sub3A_1334 : i32 to vector<256x128xi32>
    %sub3A_1336 = arith.subi %and3A_1333, %sub3A_1335 : vector<256x128xi32>
    %population_count3A_1337 = math.ctpop %sub3A_1336 : vector<256x128xi32>
    %ne3A_1338 = arith.constant 0 : i32
    %ne3A_1339 = vector.broadcast %ne3A_1338 : i32 to vector<256x128xi32>
    %ne3A_1340 = arith.cmpi ne, %select_n3A_1329, %ne3A_1339 : vector<256x128xi32>
    %mul3A_1341 = arith.constant 128 : i32
    %mul3A_1342 = vector.broadcast %mul3A_1341 : i32 to vector<256x128xi32>
    %mul3A_1343 = arith.muli %population_count3A_1337, %mul3A_1342 : vector<256x128xi32>
    %add3A_1344 = arith.addi %mul3A_1343, %iota3A : vector<256x128xi32>
    %jit3A_1345 = arith.constant 4096 : i32
    %broadcast_in_dim3A_1346 = vector.broadcast %jit3A_1345 : i32 to vector<256x128xi32>
    %select_n3A_1347 = arith.select %ne3A_1340, %add3A_1344, %broadcast_in_dim3A_1346 : vector<256x128xi1>, vector<256x128xi32>
    %reduce_min3A_1348 = arith.constant dense<2147483647> : vector<256xi32>
    %reduce_min3A_1349 = vector.multi_reduction <minsi>, %select_n3A_1347, %reduce_min3A_1348 [1] : vector<256x128xi32> to vector<256xi32>
    %broadcast_in_dim3A_1350 = vector.shape_cast %reduce_min3A_1349 : vector<256xi32> to vector<256x1xi32>
    %shift_right_arithmetic3A_1351 = arith.constant 7 : i32
    %shift_right_arithmetic3A_1352 = vector.broadcast %shift_right_arithmetic3A_1351 : i32 to vector<256x1xi32>
    %shift_right_arithmetic3A_1353 = arith.shrsi %broadcast_in_dim3A_1350, %shift_right_arithmetic3A_1352 : vector<256x1xi32>
    %min3A_1354 = arith.constant 31 : i32
    %min3A_1355 = vector.broadcast %min3A_1354 : i32 to vector<256x1xi32>
    %min3A_1356 = arith.minsi %shift_right_arithmetic3A_1353, %min3A_1355 : vector<256x1xi32>
    %lt3A_1357 = arith.constant 4096 : i32
    %lt3A_1358 = vector.broadcast %lt3A_1357 : i32 to vector<256x1xi32>
    %lt3A_1359 = arith.cmpi slt, %broadcast_in_dim3A_1350, %lt3A_1358 : vector<256x1xi32>
    %shift_left3A_1360 = arith.constant 1 : i32
    %shift_left3A_1361 = vector.broadcast %shift_left3A_1360 : i32 to vector<256x1xi32>
    %shift_left3A_1362 = arith.shli %shift_left3A_1361, %min3A_1356 : vector<256x1xi32>
    %jit3A_1363 = arith.constant 0 : i32
    %broadcast_in_dim3A_1364 = vector.broadcast %jit3A_1363 : i32 to vector<256x1xi32>
    %select_n3A_1365 = arith.select %lt3A_1359, %shift_left3A_1362, %broadcast_in_dim3A_1364 : vector<256x1xi1>, vector<256x1xi32>
    %and3A_1366 = arith.constant 127 : i32
    %and3A_1367 = vector.broadcast %and3A_1366 : i32 to vector<256x1xi32>
    %and3A_1368 = arith.andi %broadcast_in_dim3A_1350, %and3A_1367 : vector<256x1xi32>
    %eq3A_1369 = vector.broadcast %and3A_1368 : vector<256x1xi32> to vector<256x128xi32>
    %eq3A_1370 = arith.cmpi eq, %iota3A, %eq3A_1369 : vector<256x128xi32>
    %not3A_1371 = arith.constant dense<-1> : vector<256x1xi32>
    %not3A_1372 = arith.xori %select_n3A_1365, %not3A_1371 : vector<256x1xi32>
    %and3A_1373 = vector.broadcast %not3A_1372 : vector<256x1xi32> to vector<256x128xi32>
    %and3A_1374 = arith.andi %select_n3A_1329, %and3A_1373 : vector<256x128xi32>
    %select_n3A_1375 = arith.select %eq3A_1370, %and3A_1374, %select_n3A_1329 : vector<256x128xi1>, vector<256x128xi32>
    %neg3A_1376 = arith.constant 0 : i32
    %neg3A_1377 = vector.broadcast %neg3A_1376 : i32 to vector<256x128xi32>
    %neg3A_1378 = arith.subi %neg3A_1377, %select_n3A_1375 : vector<256x128xi32>
    %and3A_1379 = arith.andi %select_n3A_1375, %neg3A_1378 : vector<256x128xi32>
    %sub3A_1380 = arith.constant 1 : i32
    %sub3A_1381 = vector.broadcast %sub3A_1380 : i32 to vector<256x128xi32>
    %sub3A_1382 = arith.subi %and3A_1379, %sub3A_1381 : vector<256x128xi32>
    %population_count3A_1383 = math.ctpop %sub3A_1382 : vector<256x128xi32>
    %ne3A_1384 = arith.constant 0 : i32
    %ne3A_1385 = vector.broadcast %ne3A_1384 : i32 to vector<256x128xi32>
    %ne3A_1386 = arith.cmpi ne, %select_n3A_1375, %ne3A_1385 : vector<256x128xi32>
    %mul3A_1387 = arith.constant 128 : i32
    %mul3A_1388 = vector.broadcast %mul3A_1387 : i32 to vector<256x128xi32>
    %mul3A_1389 = arith.muli %population_count3A_1383, %mul3A_1388 : vector<256x128xi32>
    %add3A_1390 = arith.addi %mul3A_1389, %iota3A : vector<256x128xi32>
    %jit3A_1391 = arith.constant 4096 : i32
    %broadcast_in_dim3A_1392 = vector.broadcast %jit3A_1391 : i32 to vector<256x128xi32>
    %select_n3A_1393 = arith.select %ne3A_1386, %add3A_1390, %broadcast_in_dim3A_1392 : vector<256x128xi1>, vector<256x128xi32>
    %reduce_min3A_1394 = arith.constant dense<2147483647> : vector<256xi32>
    %reduce_min3A_1395 = vector.multi_reduction <minsi>, %select_n3A_1393, %reduce_min3A_1394 [1] : vector<256x128xi32> to vector<256xi32>
    %broadcast_in_dim3A_1396 = vector.shape_cast %reduce_min3A_1395 : vector<256xi32> to vector<256x1xi32>
    %shift_right_arithmetic3A_1397 = arith.constant 7 : i32
    %shift_right_arithmetic3A_1398 = vector.broadcast %shift_right_arithmetic3A_1397 : i32 to vector<256x1xi32>
    %shift_right_arithmetic3A_1399 = arith.shrsi %broadcast_in_dim3A_1396, %shift_right_arithmetic3A_1398 : vector<256x1xi32>
    %min3A_1400 = arith.constant 31 : i32
    %min3A_1401 = vector.broadcast %min3A_1400 : i32 to vector<256x1xi32>
    %min3A_1402 = arith.minsi %shift_right_arithmetic3A_1399, %min3A_1401 : vector<256x1xi32>
    %lt3A_1403 = arith.constant 4096 : i32
    %lt3A_1404 = vector.broadcast %lt3A_1403 : i32 to vector<256x1xi32>
    %lt3A_1405 = arith.cmpi slt, %broadcast_in_dim3A_1396, %lt3A_1404 : vector<256x1xi32>
    %shift_left3A_1406 = arith.constant 1 : i32
    %shift_left3A_1407 = vector.broadcast %shift_left3A_1406 : i32 to vector<256x1xi32>
    %shift_left3A_1408 = arith.shli %shift_left3A_1407, %min3A_1402 : vector<256x1xi32>
    %jit3A_1409 = arith.constant 0 : i32
    %broadcast_in_dim3A_1410 = vector.broadcast %jit3A_1409 : i32 to vector<256x1xi32>
    %select_n3A_1411 = arith.select %lt3A_1405, %shift_left3A_1408, %broadcast_in_dim3A_1410 : vector<256x1xi1>, vector<256x1xi32>
    %and3A_1412 = arith.constant 127 : i32
    %and3A_1413 = vector.broadcast %and3A_1412 : i32 to vector<256x1xi32>
    %and3A_1414 = arith.andi %broadcast_in_dim3A_1396, %and3A_1413 : vector<256x1xi32>
    %eq3A_1415 = vector.broadcast %and3A_1414 : vector<256x1xi32> to vector<256x128xi32>
    %eq3A_1416 = arith.cmpi eq, %iota3A, %eq3A_1415 : vector<256x128xi32>
    %not3A_1417 = arith.constant dense<-1> : vector<256x1xi32>
    %not3A_1418 = arith.xori %select_n3A_1411, %not3A_1417 : vector<256x1xi32>
    %and3A_1419 = vector.broadcast %not3A_1418 : vector<256x1xi32> to vector<256x128xi32>
    %and3A_1420 = arith.andi %select_n3A_1375, %and3A_1419 : vector<256x128xi32>
    %select_n3A_1421 = arith.select %eq3A_1416, %and3A_1420, %select_n3A_1375 : vector<256x128xi1>, vector<256x128xi32>
    %neg3A_1422 = arith.constant 0 : i32
    %neg3A_1423 = vector.broadcast %neg3A_1422 : i32 to vector<256x128xi32>
    %neg3A_1424 = arith.subi %neg3A_1423, %select_n3A_1421 : vector<256x128xi32>
    %and3A_1425 = arith.andi %select_n3A_1421, %neg3A_1424 : vector<256x128xi32>
    %sub3A_1426 = arith.constant 1 : i32
    %sub3A_1427 = vector.broadcast %sub3A_1426 : i32 to vector<256x128xi32>
    %sub3A_1428 = arith.subi %and3A_1425, %sub3A_1427 : vector<256x128xi32>
    %population_count3A_1429 = math.ctpop %sub3A_1428 : vector<256x128xi32>
    %ne3A_1430 = arith.constant 0 : i32
    %ne3A_1431 = vector.broadcast %ne3A_1430 : i32 to vector<256x128xi32>
    %ne3A_1432 = arith.cmpi ne, %select_n3A_1421, %ne3A_1431 : vector<256x128xi32>
    %mul3A_1433 = arith.constant 128 : i32
    %mul3A_1434 = vector.broadcast %mul3A_1433 : i32 to vector<256x128xi32>
    %mul3A_1435 = arith.muli %population_count3A_1429, %mul3A_1434 : vector<256x128xi32>
    %add3A_1436 = arith.addi %mul3A_1435, %iota3A : vector<256x128xi32>
    %jit3A_1437 = arith.constant 4096 : i32
    %broadcast_in_dim3A_1438 = vector.broadcast %jit3A_1437 : i32 to vector<256x128xi32>
    %select_n3A_1439 = arith.select %ne3A_1432, %add3A_1436, %broadcast_in_dim3A_1438 : vector<256x128xi1>, vector<256x128xi32>
    %reduce_min3A_1440 = arith.constant dense<2147483647> : vector<256xi32>
    %reduce_min3A_1441 = vector.multi_reduction <minsi>, %select_n3A_1439, %reduce_min3A_1440 [1] : vector<256x128xi32> to vector<256xi32>
    %broadcast_in_dim3A_1442 = vector.shape_cast %reduce_min3A_1441 : vector<256xi32> to vector<256x1xi32>
    %shift_right_arithmetic3A_1443 = arith.constant 7 : i32
    %shift_right_arithmetic3A_1444 = vector.broadcast %shift_right_arithmetic3A_1443 : i32 to vector<256x1xi32>
    %shift_right_arithmetic3A_1445 = arith.shrsi %broadcast_in_dim3A_1442, %shift_right_arithmetic3A_1444 : vector<256x1xi32>
    %min3A_1446 = arith.constant 31 : i32
    %min3A_1447 = vector.broadcast %min3A_1446 : i32 to vector<256x1xi32>
    %min3A_1448 = arith.minsi %shift_right_arithmetic3A_1445, %min3A_1447 : vector<256x1xi32>
    %lt3A_1449 = arith.constant 4096 : i32
    %lt3A_1450 = vector.broadcast %lt3A_1449 : i32 to vector<256x1xi32>
    %lt3A_1451 = arith.cmpi slt, %broadcast_in_dim3A_1442, %lt3A_1450 : vector<256x1xi32>
    %shift_left3A_1452 = arith.constant 1 : i32
    %shift_left3A_1453 = vector.broadcast %shift_left3A_1452 : i32 to vector<256x1xi32>
    %shift_left3A_1454 = arith.shli %shift_left3A_1453, %min3A_1448 : vector<256x1xi32>
    %jit3A_1455 = arith.constant 0 : i32
    %broadcast_in_dim3A_1456 = vector.broadcast %jit3A_1455 : i32 to vector<256x1xi32>
    %select_n3A_1457 = arith.select %lt3A_1451, %shift_left3A_1454, %broadcast_in_dim3A_1456 : vector<256x1xi1>, vector<256x1xi32>
    %and3A_1458 = arith.constant 127 : i32
    %and3A_1459 = vector.broadcast %and3A_1458 : i32 to vector<256x1xi32>
    %and3A_1460 = arith.andi %broadcast_in_dim3A_1442, %and3A_1459 : vector<256x1xi32>
    %eq3A_1461 = vector.broadcast %and3A_1460 : vector<256x1xi32> to vector<256x128xi32>
    %eq3A_1462 = arith.cmpi eq, %iota3A, %eq3A_1461 : vector<256x128xi32>
    %not3A_1463 = arith.constant dense<-1> : vector<256x1xi32>
    %not3A_1464 = arith.xori %select_n3A_1457, %not3A_1463 : vector<256x1xi32>
    %and3A_1465 = vector.broadcast %not3A_1464 : vector<256x1xi32> to vector<256x128xi32>
    %and3A_1466 = arith.andi %select_n3A_1421, %and3A_1465 : vector<256x128xi32>
    %select_n3A_1467 = arith.select %eq3A_1462, %and3A_1466, %select_n3A_1421 : vector<256x128xi1>, vector<256x128xi32>
    %neg3A_1468 = arith.constant 0 : i32
    %neg3A_1469 = vector.broadcast %neg3A_1468 : i32 to vector<256x128xi32>
    %neg3A_1470 = arith.subi %neg3A_1469, %select_n3A_1467 : vector<256x128xi32>
    %and3A_1471 = arith.andi %select_n3A_1467, %neg3A_1470 : vector<256x128xi32>
    %sub3A_1472 = arith.constant 1 : i32
    %sub3A_1473 = vector.broadcast %sub3A_1472 : i32 to vector<256x128xi32>
    %sub3A_1474 = arith.subi %and3A_1471, %sub3A_1473 : vector<256x128xi32>
    %population_count3A_1475 = math.ctpop %sub3A_1474 : vector<256x128xi32>
    %ne3A_1476 = arith.constant 0 : i32
    %ne3A_1477 = vector.broadcast %ne3A_1476 : i32 to vector<256x128xi32>
    %ne3A_1478 = arith.cmpi ne, %select_n3A_1467, %ne3A_1477 : vector<256x128xi32>
    %mul3A_1479 = arith.constant 128 : i32
    %mul3A_1480 = vector.broadcast %mul3A_1479 : i32 to vector<256x128xi32>
    %mul3A_1481 = arith.muli %population_count3A_1475, %mul3A_1480 : vector<256x128xi32>
    %add3A_1482 = arith.addi %mul3A_1481, %iota3A : vector<256x128xi32>
    %jit3A_1483 = arith.constant 4096 : i32
    %broadcast_in_dim3A_1484 = vector.broadcast %jit3A_1483 : i32 to vector<256x128xi32>
    %select_n3A_1485 = arith.select %ne3A_1478, %add3A_1482, %broadcast_in_dim3A_1484 : vector<256x128xi1>, vector<256x128xi32>
    %reduce_min3A_1486 = arith.constant dense<2147483647> : vector<256xi32>
    %reduce_min3A_1487 = vector.multi_reduction <minsi>, %select_n3A_1485, %reduce_min3A_1486 [1] : vector<256x128xi32> to vector<256xi32>
    %broadcast_in_dim3A_1488 = vector.shape_cast %reduce_min3A_1487 : vector<256xi32> to vector<256x1xi32>
    %shift_right_arithmetic3A_1489 = arith.constant 7 : i32
    %shift_right_arithmetic3A_1490 = vector.broadcast %shift_right_arithmetic3A_1489 : i32 to vector<256x1xi32>
    %shift_right_arithmetic3A_1491 = arith.shrsi %broadcast_in_dim3A_1488, %shift_right_arithmetic3A_1490 : vector<256x1xi32>
    %min3A_1492 = arith.constant 31 : i32
    %min3A_1493 = vector.broadcast %min3A_1492 : i32 to vector<256x1xi32>
    %min3A_1494 = arith.minsi %shift_right_arithmetic3A_1491, %min3A_1493 : vector<256x1xi32>
    %lt3A_1495 = arith.constant 4096 : i32
    %lt3A_1496 = vector.broadcast %lt3A_1495 : i32 to vector<256x1xi32>
    %lt3A_1497 = arith.cmpi slt, %broadcast_in_dim3A_1488, %lt3A_1496 : vector<256x1xi32>
    %shift_left3A_1498 = arith.constant 1 : i32
    %shift_left3A_1499 = vector.broadcast %shift_left3A_1498 : i32 to vector<256x1xi32>
    %shift_left3A_1500 = arith.shli %shift_left3A_1499, %min3A_1494 : vector<256x1xi32>
    %jit3A_1501 = arith.constant 0 : i32
    %broadcast_in_dim3A_1502 = vector.broadcast %jit3A_1501 : i32 to vector<256x1xi32>
    %select_n3A_1503 = arith.select %lt3A_1497, %shift_left3A_1500, %broadcast_in_dim3A_1502 : vector<256x1xi1>, vector<256x1xi32>
    %and3A_1504 = arith.constant 127 : i32
    %and3A_1505 = vector.broadcast %and3A_1504 : i32 to vector<256x1xi32>
    %and3A_1506 = arith.andi %broadcast_in_dim3A_1488, %and3A_1505 : vector<256x1xi32>
    %eq3A_1507 = vector.broadcast %and3A_1506 : vector<256x1xi32> to vector<256x128xi32>
    %eq3A_1508 = arith.cmpi eq, %iota3A, %eq3A_1507 : vector<256x128xi32>
    %not3A_1509 = arith.constant dense<-1> : vector<256x1xi32>
    %not3A_1510 = arith.xori %select_n3A_1503, %not3A_1509 : vector<256x1xi32>
    %and3A_1511 = vector.broadcast %not3A_1510 : vector<256x1xi32> to vector<256x128xi32>
    %and3A_1512 = arith.andi %select_n3A_1467, %and3A_1511 : vector<256x128xi32>
    %select_n3A_1513 = arith.select %eq3A_1508, %and3A_1512, %select_n3A_1467 : vector<256x128xi1>, vector<256x128xi32>
    %neg3A_1514 = arith.constant 0 : i32
    %neg3A_1515 = vector.broadcast %neg3A_1514 : i32 to vector<256x128xi32>
    %neg3A_1516 = arith.subi %neg3A_1515, %select_n3A_1513 : vector<256x128xi32>
    %and3A_1517 = arith.andi %select_n3A_1513, %neg3A_1516 : vector<256x128xi32>
    %sub3A_1518 = arith.constant 1 : i32
    %sub3A_1519 = vector.broadcast %sub3A_1518 : i32 to vector<256x128xi32>
    %sub3A_1520 = arith.subi %and3A_1517, %sub3A_1519 : vector<256x128xi32>
    %population_count3A_1521 = math.ctpop %sub3A_1520 : vector<256x128xi32>
    %ne3A_1522 = arith.constant 0 : i32
    %ne3A_1523 = vector.broadcast %ne3A_1522 : i32 to vector<256x128xi32>
    %ne3A_1524 = arith.cmpi ne, %select_n3A_1513, %ne3A_1523 : vector<256x128xi32>
    %mul3A_1525 = arith.constant 128 : i32
    %mul3A_1526 = vector.broadcast %mul3A_1525 : i32 to vector<256x128xi32>
    %mul3A_1527 = arith.muli %population_count3A_1521, %mul3A_1526 : vector<256x128xi32>
    %add3A_1528 = arith.addi %mul3A_1527, %iota3A : vector<256x128xi32>
    %jit3A_1529 = arith.constant 4096 : i32
    %broadcast_in_dim3A_1530 = vector.broadcast %jit3A_1529 : i32 to vector<256x128xi32>
    %select_n3A_1531 = arith.select %ne3A_1524, %add3A_1528, %broadcast_in_dim3A_1530 : vector<256x128xi1>, vector<256x128xi32>
    %reduce_min3A_1532 = arith.constant dense<2147483647> : vector<256xi32>
    %reduce_min3A_1533 = vector.multi_reduction <minsi>, %select_n3A_1531, %reduce_min3A_1532 [1] : vector<256x128xi32> to vector<256xi32>
    %broadcast_in_dim3A_1534 = vector.shape_cast %reduce_min3A_1533 : vector<256xi32> to vector<256x1xi32>
    %shift_right_arithmetic3A_1535 = arith.constant 7 : i32
    %shift_right_arithmetic3A_1536 = vector.broadcast %shift_right_arithmetic3A_1535 : i32 to vector<256x1xi32>
    %shift_right_arithmetic3A_1537 = arith.shrsi %broadcast_in_dim3A_1534, %shift_right_arithmetic3A_1536 : vector<256x1xi32>
    %min3A_1538 = arith.constant 31 : i32
    %min3A_1539 = vector.broadcast %min3A_1538 : i32 to vector<256x1xi32>
    %min3A_1540 = arith.minsi %shift_right_arithmetic3A_1537, %min3A_1539 : vector<256x1xi32>
    %lt3A_1541 = arith.constant 4096 : i32
    %lt3A_1542 = vector.broadcast %lt3A_1541 : i32 to vector<256x1xi32>
    %lt3A_1543 = arith.cmpi slt, %broadcast_in_dim3A_1534, %lt3A_1542 : vector<256x1xi32>
    %shift_left3A_1544 = arith.constant 1 : i32
    %shift_left3A_1545 = vector.broadcast %shift_left3A_1544 : i32 to vector<256x1xi32>
    %shift_left3A_1546 = arith.shli %shift_left3A_1545, %min3A_1540 : vector<256x1xi32>
    %jit3A_1547 = arith.constant 0 : i32
    %broadcast_in_dim3A_1548 = vector.broadcast %jit3A_1547 : i32 to vector<256x1xi32>
    %select_n3A_1549 = arith.select %lt3A_1543, %shift_left3A_1546, %broadcast_in_dim3A_1548 : vector<256x1xi1>, vector<256x1xi32>
    %and3A_1550 = arith.constant 127 : i32
    %and3A_1551 = vector.broadcast %and3A_1550 : i32 to vector<256x1xi32>
    %and3A_1552 = arith.andi %broadcast_in_dim3A_1534, %and3A_1551 : vector<256x1xi32>
    %eq3A_1553 = vector.broadcast %and3A_1552 : vector<256x1xi32> to vector<256x128xi32>
    %eq3A_1554 = arith.cmpi eq, %iota3A, %eq3A_1553 : vector<256x128xi32>
    %not3A_1555 = arith.constant dense<-1> : vector<256x1xi32>
    %not3A_1556 = arith.xori %select_n3A_1549, %not3A_1555 : vector<256x1xi32>
    %and3A_1557 = vector.broadcast %not3A_1556 : vector<256x1xi32> to vector<256x128xi32>
    %and3A_1558 = arith.andi %select_n3A_1513, %and3A_1557 : vector<256x128xi32>
    %select_n3A_1559 = arith.select %eq3A_1554, %and3A_1558, %select_n3A_1513 : vector<256x128xi1>, vector<256x128xi32>
    %neg3A_1560 = arith.constant 0 : i32
    %neg3A_1561 = vector.broadcast %neg3A_1560 : i32 to vector<256x128xi32>
    %neg3A_1562 = arith.subi %neg3A_1561, %select_n3A_1559 : vector<256x128xi32>
    %and3A_1563 = arith.andi %select_n3A_1559, %neg3A_1562 : vector<256x128xi32>
    %sub3A_1564 = arith.constant 1 : i32
    %sub3A_1565 = vector.broadcast %sub3A_1564 : i32 to vector<256x128xi32>
    %sub3A_1566 = arith.subi %and3A_1563, %sub3A_1565 : vector<256x128xi32>
    %population_count3A_1567 = math.ctpop %sub3A_1566 : vector<256x128xi32>
    %ne3A_1568 = arith.constant 0 : i32
    %ne3A_1569 = vector.broadcast %ne3A_1568 : i32 to vector<256x128xi32>
    %ne3A_1570 = arith.cmpi ne, %select_n3A_1559, %ne3A_1569 : vector<256x128xi32>
    %mul3A_1571 = arith.constant 128 : i32
    %mul3A_1572 = vector.broadcast %mul3A_1571 : i32 to vector<256x128xi32>
    %mul3A_1573 = arith.muli %population_count3A_1567, %mul3A_1572 : vector<256x128xi32>
    %add3A_1574 = arith.addi %mul3A_1573, %iota3A : vector<256x128xi32>
    %jit3A_1575 = arith.constant 4096 : i32
    %broadcast_in_dim3A_1576 = vector.broadcast %jit3A_1575 : i32 to vector<256x128xi32>
    %select_n3A_1577 = arith.select %ne3A_1570, %add3A_1574, %broadcast_in_dim3A_1576 : vector<256x128xi1>, vector<256x128xi32>
    %reduce_min3A_1578 = arith.constant dense<2147483647> : vector<256xi32>
    %reduce_min3A_1579 = vector.multi_reduction <minsi>, %select_n3A_1577, %reduce_min3A_1578 [1] : vector<256x128xi32> to vector<256xi32>
    %broadcast_in_dim3A_1580 = vector.shape_cast %reduce_min3A_1579 : vector<256xi32> to vector<256x1xi32>
    %shift_right_arithmetic3A_1581 = arith.constant 7 : i32
    %shift_right_arithmetic3A_1582 = vector.broadcast %shift_right_arithmetic3A_1581 : i32 to vector<256x1xi32>
    %shift_right_arithmetic3A_1583 = arith.shrsi %broadcast_in_dim3A_1580, %shift_right_arithmetic3A_1582 : vector<256x1xi32>
    %min3A_1584 = arith.constant 31 : i32
    %min3A_1585 = vector.broadcast %min3A_1584 : i32 to vector<256x1xi32>
    %min3A_1586 = arith.minsi %shift_right_arithmetic3A_1583, %min3A_1585 : vector<256x1xi32>
    %lt3A_1587 = arith.constant 4096 : i32
    %lt3A_1588 = vector.broadcast %lt3A_1587 : i32 to vector<256x1xi32>
    %lt3A_1589 = arith.cmpi slt, %broadcast_in_dim3A_1580, %lt3A_1588 : vector<256x1xi32>
    %shift_left3A_1590 = arith.constant 1 : i32
    %shift_left3A_1591 = vector.broadcast %shift_left3A_1590 : i32 to vector<256x1xi32>
    %shift_left3A_1592 = arith.shli %shift_left3A_1591, %min3A_1586 : vector<256x1xi32>
    %jit3A_1593 = arith.constant 0 : i32
    %broadcast_in_dim3A_1594 = vector.broadcast %jit3A_1593 : i32 to vector<256x1xi32>
    %select_n3A_1595 = arith.select %lt3A_1589, %shift_left3A_1592, %broadcast_in_dim3A_1594 : vector<256x1xi1>, vector<256x1xi32>
    %and3A_1596 = arith.constant 127 : i32
    %and3A_1597 = vector.broadcast %and3A_1596 : i32 to vector<256x1xi32>
    %and3A_1598 = arith.andi %broadcast_in_dim3A_1580, %and3A_1597 : vector<256x1xi32>
    %eq3A_1599 = vector.broadcast %and3A_1598 : vector<256x1xi32> to vector<256x128xi32>
    %eq3A_1600 = arith.cmpi eq, %iota3A, %eq3A_1599 : vector<256x128xi32>
    %not3A_1601 = arith.constant dense<-1> : vector<256x1xi32>
    %not3A_1602 = arith.xori %select_n3A_1595, %not3A_1601 : vector<256x1xi32>
    %and3A_1603 = vector.broadcast %not3A_1602 : vector<256x1xi32> to vector<256x128xi32>
    %and3A_1604 = arith.andi %select_n3A_1559, %and3A_1603 : vector<256x128xi32>
    %select_n3A_1605 = arith.select %eq3A_1600, %and3A_1604, %select_n3A_1559 : vector<256x128xi1>, vector<256x128xi32>
    %neg3A_1606 = arith.constant 0 : i32
    %neg3A_1607 = vector.broadcast %neg3A_1606 : i32 to vector<256x128xi32>
    %neg3A_1608 = arith.subi %neg3A_1607, %select_n3A_1605 : vector<256x128xi32>
    %and3A_1609 = arith.andi %select_n3A_1605, %neg3A_1608 : vector<256x128xi32>
    %sub3A_1610 = arith.constant 1 : i32
    %sub3A_1611 = vector.broadcast %sub3A_1610 : i32 to vector<256x128xi32>
    %sub3A_1612 = arith.subi %and3A_1609, %sub3A_1611 : vector<256x128xi32>
    %population_count3A_1613 = math.ctpop %sub3A_1612 : vector<256x128xi32>
    %ne3A_1614 = arith.constant 0 : i32
    %ne3A_1615 = vector.broadcast %ne3A_1614 : i32 to vector<256x128xi32>
    %ne3A_1616 = arith.cmpi ne, %select_n3A_1605, %ne3A_1615 : vector<256x128xi32>
    %mul3A_1617 = arith.constant 128 : i32
    %mul3A_1618 = vector.broadcast %mul3A_1617 : i32 to vector<256x128xi32>
    %mul3A_1619 = arith.muli %population_count3A_1613, %mul3A_1618 : vector<256x128xi32>
    %add3A_1620 = arith.addi %mul3A_1619, %iota3A : vector<256x128xi32>
    %jit3A_1621 = arith.constant 4096 : i32
    %broadcast_in_dim3A_1622 = vector.broadcast %jit3A_1621 : i32 to vector<256x128xi32>
    %select_n3A_1623 = arith.select %ne3A_1616, %add3A_1620, %broadcast_in_dim3A_1622 : vector<256x128xi1>, vector<256x128xi32>
    %reduce_min3A_1624 = arith.constant dense<2147483647> : vector<256xi32>
    %reduce_min3A_1625 = vector.multi_reduction <minsi>, %select_n3A_1623, %reduce_min3A_1624 [1] : vector<256x128xi32> to vector<256xi32>
    %broadcast_in_dim3A_1626 = vector.shape_cast %reduce_min3A_1625 : vector<256xi32> to vector<256x1xi32>
    %concatenate3A = tpu.concatenate %broadcast_in_dim3A_205, %broadcast_in_dim3A_246, %broadcast_in_dim3A_292, %broadcast_in_dim3A_338, %broadcast_in_dim3A_384, %broadcast_in_dim3A_430, %broadcast_in_dim3A_476, %broadcast_in_dim3A_522, %broadcast_in_dim3A_568, %broadcast_in_dim3A_614, %broadcast_in_dim3A_660, %broadcast_in_dim3A_706, %broadcast_in_dim3A_752, %broadcast_in_dim3A_798, %broadcast_in_dim3A_844, %broadcast_in_dim3A_890, %broadcast_in_dim3A_936, %broadcast_in_dim3A_982, %broadcast_in_dim3A_1028, %broadcast_in_dim3A_1074, %broadcast_in_dim3A_1120, %broadcast_in_dim3A_1166, %broadcast_in_dim3A_1212, %broadcast_in_dim3A_1258, %broadcast_in_dim3A_1304, %broadcast_in_dim3A_1350, %broadcast_in_dim3A_1396, %broadcast_in_dim3A_1442, %broadcast_in_dim3A_1488, %broadcast_in_dim3A_1534, %broadcast_in_dim3A_1580, %broadcast_in_dim3A_1626 in 1 : vector<256x1xi32>, vector<256x1xi32>, vector<256x1xi32>, vector<256x1xi32>, vector<256x1xi32>, vector<256x1xi32>, vector<256x1xi32>, vector<256x1xi32>, vector<256x1xi32>, vector<256x1xi32>, vector<256x1xi32>, vector<256x1xi32>, vector<256x1xi32>, vector<256x1xi32>, vector<256x1xi32>, vector<256x1xi32>, vector<256x1xi32>, vector<256x1xi32>, vector<256x1xi32>, vector<256x1xi32>, vector<256x1xi32>, vector<256x1xi32>, vector<256x1xi32>, vector<256x1xi32>, vector<256x1xi32>, vector<256x1xi32>, vector<256x1xi32>, vector<256x1xi32>, vector<256x1xi32>, vector<256x1xi32>, vector<256x1xi32>, vector<256x1xi32> -> vector<256x32xi32>
    %slice3A_1627 = vector.extract_strided_slice %concatenate3A {offsets = [0, 0], sizes = [256, 1], strides = [1, 1]} : vector<256x32xi32> to vector<256x1xi32>
    %eq3A_1628 = arith.constant 4096 : i32
    %eq3A_1629 = vector.broadcast %eq3A_1628 : i32 to vector<256x32xi32>
    %eq3A_1630 = arith.cmpi eq, %concatenate3A, %eq3A_1629 : vector<256x32xi32>
    %broadcast_in_dim3A_1631 = vector.shape_cast %slice3A_1627 : vector<256x1xi32> to vector<256x1xi32>
    %broadcast_in_dim3A_1632 = vector.broadcast %broadcast_in_dim3A_1631 : vector<256x1xi32> to vector<256x32xi32>
    %select_n3A_1633 = arith.select %eq3A_1630, %broadcast_in_dim3A_1632, %concatenate3A : vector<256x32xi1>, vector<256x32xi32>
    %swap3A = arith.constant 0 : index
    %swap3A_1634 = arith.constant 0 : index
    %swap3A_1635 = arith.constant 0 : index
    %swap3A_1636 = vector.load %arg4[%swap3A, %swap3A_1634, %swap3A_1635] : memref<1x256x32xi32, #tpu.memory_space<vmem>>, vector<1x256x32xi32>
    %swap3A_1637 = vector.shape_cast %swap3A_1636 : vector<1x256x32xi32> to vector<256x32xi32>
    %swap3A_1638 = vector.shape_cast %select_n3A_1633 : vector<256x32xi32> to vector<1x256x32xi32>
    tpu.vector_store %arg4[%swap3A, %swap3A_1634, %swap3A_1635], %swap3A_1638 {strides = array<i32>} : memref<1x256x32xi32, #tpu.memory_space<vmem>>, vector<1x256x32xi32>,
    return
  }
  func.func @transform_0(%arg0: i32, %arg1: i32) -> (i32, i32, i32) {
    %c0_i32 = arith.constant 0 : i32
    %c0_i32_0 = arith.constant 0 : i32
    return %arg0, %arg1, %c0_i32 : i32, i32, i32
  }
  func.func @transform_1(%arg0: i32, %arg1: i32) -> (i32, i32, i32) {
    %c0_i32 = arith.constant 0 : i32
    %c0_i32_0 = arith.constant 0 : i32
    %c0_i32_1 = arith.constant 0 : i32
    return %arg0, %c0_i32, %c0_i32_0 : i32, i32, i32
  }
  func.func @transform_2(%arg0: i32, %arg1: i32) -> (i32, i32, i32) {
    %c0_i32 = arith.constant 0 : i32
    %c0_i32_0 = arith.constant 0 : i32
    return %arg0, %arg1, %c0_i32 : i32, i32, i32
  }
}

module attributes {stable_mosaic.version = 14 : i64} {
  func.func @_prep_body(%arg0: i32, %arg1: memref<1x4096x64xf32, #tpu.memory_space<vmem>>, %arg2: memref<1x4096x3xf32, #tpu.memory_space<vmem>>, %arg3: memref<1x512x3xf32, #tpu.memory_space<vmem>>, %arg4: memref<64x128xf32, #tpu.memory_space<vmem>>, %arg5: memref<3x128xf32, #tpu.memory_space<vmem>>, %arg6: memref<1x128xf32, #tpu.memory_space<vmem>>, %arg7: memref<1x4096x128xf32, #tpu.memory_space<vmem>>, %arg8: memref<1x512x64xf32, #tpu.memory_space<vmem>>) attributes {dimension_semantics = [#tpu.dimension_semantics<arbitrary>], iteration_bounds = array<i64: 8>, scalar_prefetch = 0 : i64, scratch_operands = 0 : i64, tpu.core_type = #tpu.core_type<tc>, window_params = [{transform_indices = @transform_0, window_bounds = array<i64: 1, 4096, 64>}, {transform_indices = @transform_1, window_bounds = array<i64: 1, 4096, 3>}, {transform_indices = @transform_2, window_bounds = array<i64: 1, 512, 3>}, {pipeline_mode = #tpu.pipeline_mode<synchronous>, transform_indices = @transform_3, window_bounds = array<i64: 64, 128>}, {pipeline_mode = #tpu.pipeline_mode<synchronous>, transform_indices = @transform_4, window_bounds = array<i64: 3, 128>}, {pipeline_mode = #tpu.pipeline_mode<synchronous>, transform_indices = @transform_5, window_bounds = array<i64: 1, 128>}, {transform_indices = @transform_6, window_bounds = array<i64: 1, 4096, 128>}, {transform_indices = @transform_7, window_bounds = array<i64: 1, 512, 64>}]} {
    %get3A = arith.constant 0 : index
    %get3A_0 = arith.constant 0 : index
    %get3A_1 = arith.constant 0 : index
    %get3A_2 = vector.load %arg1[%get3A, %get3A_0, %get3A_1] : memref<1x4096x64xf32, #tpu.memory_space<vmem>>, vector<1x4096x64xf32>
    %get3A_3 = vector.shape_cast %get3A_2 : vector<1x4096x64xf32> to vector<4096x64xf32>
    %get3A_4 = arith.constant 0 : index
    %get3A_5 = arith.constant 0 : index
    %get3A_6 = arith.constant 0 : index
    %get3A_7 = vector.load %arg2[%get3A_4, %get3A_5, %get3A_6] : memref<1x4096x3xf32, #tpu.memory_space<vmem>>, vector<1x4096x3xf32>
    %get3A_8 = vector.shape_cast %get3A_7 : vector<1x4096x3xf32> to vector<4096x3xf32>
    %get3A_9 = arith.constant 0 : index
    %get3A_10 = arith.constant 0 : index
    %get3A_11 = arith.constant 0 : index
    %get3A_12 = vector.load %arg3[%get3A_9, %get3A_10, %get3A_11] : memref<1x512x3xf32, #tpu.memory_space<vmem>>, vector<1x512x3xf32>
    %get3A_13 = vector.shape_cast %get3A_12 : vector<1x512x3xf32> to vector<512x3xf32>
    %get3A_14 = arith.constant 0 : index
    %get3A_15 = arith.constant 0 : index
    %get3A_16 = vector.load %arg4[%get3A_14, %get3A_15] : memref<64x128xf32, #tpu.memory_space<vmem>>, vector<64x128xf32>
    %get3A_17 = arith.constant 0 : index
    %get3A_18 = arith.constant 0 : index
    %get3A_19 = vector.load %arg5[%get3A_17, %get3A_18] : memref<3x128xf32, #tpu.memory_space<vmem>>, vector<3x128xf32>
    %get3A_20 = arith.constant 0 : index
    %get3A_21 = arith.constant 0 : index
    %get3A_22 = vector.load %arg6[%get3A_20, %get3A_21] : memref<1x128xf32, #tpu.memory_space<vmem>>, vector<1x128xf32>
    %dot_general3A = arith.constant dense<0.000000e+00> : vector<4096x128xf32>
    %dot_general3A_23 = tpu.matmul %get3A_3, %get3A_16, %dot_general3A {dimension_numbers = #tpu.dot_dimension_numbers<[1], [0], [0], [1], [0, 0, 1, 1], [], []>, transpose_lhs_hint = false} : vector<4096x64xf32>, vector<64x128xf32>, vector<4096x128xf32> -> vector<4096x128xf32>
    %dot_general3A_24 = arith.constant dense<0.000000e+00> : vector<4096x128xf32>
    %dot_general3A_25 = tpu.matmul %get3A_8, %get3A_19, %dot_general3A_24 {dimension_numbers = #tpu.dot_dimension_numbers<[1], [0], [0], [1], [0, 0, 1, 1], [], []>, transpose_lhs_hint = false} : vector<4096x3xf32>, vector<3x128xf32>, vector<4096x128xf32> -> vector<4096x128xf32>
    %add3A = arith.addf %dot_general3A_23, %dot_general3A_25 : vector<4096x128xf32>
    %add3A_26 = vector.broadcast %get3A_22 : vector<1x128xf32> to vector<4096x128xf32>
    %add3A_27 = arith.addf %add3A, %add3A_26 : vector<4096x128xf32>
    %swap3A = arith.constant 0 : index
    %swap3A_28 = arith.constant 0 : index
    %swap3A_29 = arith.constant 0 : index
    %swap3A_30 = vector.load %arg7[%swap3A, %swap3A_28, %swap3A_29] : memref<1x4096x128xf32, #tpu.memory_space<vmem>>, vector<1x4096x128xf32>
    %swap3A_31 = vector.shape_cast %swap3A_30 : vector<1x4096x128xf32> to vector<4096x128xf32>
    %swap3A_32 = vector.shape_cast %add3A_27 : vector<4096x128xf32> to vector<1x4096x128xf32>
    tpu.vector_store %arg7[%swap3A, %swap3A_28, %swap3A_29], %swap3A_32 {strides = array<i32>} : memref<1x4096x128xf32, #tpu.memory_space<vmem>>, vector<1x4096x128xf32>,
    %dot_general3A_33 = arith.constant dense<0.000000e+00> : vector<512x128xf32>
    %dot_general3A_34 = tpu.matmul %get3A_13, %get3A_19, %dot_general3A_33 {dimension_numbers = #tpu.dot_dimension_numbers<[1], [0], [0], [1], [0, 0, 1, 1], [], []>, transpose_lhs_hint = false} : vector<512x3xf32>, vector<3x128xf32>, vector<512x128xf32> -> vector<512x128xf32>
    %slice3A = vector.extract_strided_slice %dot_general3A_34 {offsets = [0, 0], sizes = [512, 64], strides = [1, 1]} : vector<512x128xf32> to vector<512x64xf32>
    %swap3A_35 = arith.constant 0 : index
    %swap3A_36 = arith.constant 0 : index
    %swap3A_37 = arith.constant 0 : index
    %swap3A_38 = vector.load %arg8[%swap3A_35, %swap3A_36, %swap3A_37] : memref<1x512x64xf32, #tpu.memory_space<vmem>>, vector<1x512x64xf32>
    %swap3A_39 = vector.shape_cast %swap3A_38 : vector<1x512x64xf32> to vector<512x64xf32>
    %swap3A_40 = vector.shape_cast %slice3A : vector<512x64xf32> to vector<1x512x64xf32>
    tpu.vector_store %arg8[%swap3A_35, %swap3A_36, %swap3A_37], %swap3A_40 {strides = array<i32>} : memref<1x512x64xf32, #tpu.memory_space<vmem>>, vector<1x512x64xf32>,
    return
  }
  func.func @transform_0(%arg0: i32) -> (i32, i32, i32) {
    %c0_i32 = arith.constant 0 : i32
    %c0_i32_0 = arith.constant 0 : i32
    %c0_i32_1 = arith.constant 0 : i32
    return %arg0, %c0_i32, %c0_i32_0 : i32, i32, i32
  }
  func.func @transform_1(%arg0: i32) -> (i32, i32, i32) {
    %c0_i32 = arith.constant 0 : i32
    %c0_i32_0 = arith.constant 0 : i32
    %c0_i32_1 = arith.constant 0 : i32
    return %arg0, %c0_i32, %c0_i32_0 : i32, i32, i32
  }
  func.func @transform_2(%arg0: i32) -> (i32, i32, i32) {
    %c0_i32 = arith.constant 0 : i32
    %c0_i32_0 = arith.constant 0 : i32
    %c0_i32_1 = arith.constant 0 : i32
    return %arg0, %c0_i32, %c0_i32_0 : i32, i32, i32
  }
  func.func @transform_3(%arg0: i32) -> (i32, i32) {
    %c0_i32 = arith.constant 0 : i32
    %c0_i32_0 = arith.constant 0 : i32
    %c0_i32_1 = arith.constant 0 : i32
    return %c0_i32, %c0_i32_0 : i32, i32
  }
  func.func @transform_4(%arg0: i32) -> (i32, i32) {
    %c0_i32 = arith.constant 0 : i32
    %c0_i32_0 = arith.constant 0 : i32
    %c0_i32_1 = arith.constant 0 : i32
    return %c0_i32, %c0_i32_0 : i32, i32
  }
  func.func @transform_5(%arg0: i32) -> (i32, i32) {
    %c0_i32 = arith.constant 0 : i32
    %c0_i32_0 = arith.constant 0 : i32
    %c0_i32_1 = arith.constant 0 : i32
    return %c0_i32, %c0_i32_0 : i32, i32
  }
  func.func @transform_6(%arg0: i32) -> (i32, i32, i32) {
    %c0_i32 = arith.constant 0 : i32
    %c0_i32_0 = arith.constant 0 : i32
    %c0_i32_1 = arith.constant 0 : i32
    return %arg0, %c0_i32, %c0_i32_0 : i32, i32, i32
  }
  func.func @transform_7(%arg0: i32) -> (i32, i32, i32) {
    %c0_i32 = arith.constant 0 : i32
    %c0_i32_0 = arith.constant 0 : i32
    %c0_i32_1 = arith.constant 0 : i32
    return %arg0, %c0_i32, %c0_i32_0 : i32, i32, i32
  }
}

module attributes {stable_mosaic.version = 14 : i64} {
  func.func @_stats_body(%arg0: i32, %arg1: memref<4096x128xf32, #tpu.memory_space<vmem>>, %arg2: memref<128x64xf32, #tpu.memory_space<vmem>>, %arg3: memref<1x64xf32, #tpu.memory_space<vmem>>, %arg4: memref<1x64xf32, #tpu.memory_space<vmem>>) attributes {dimension_semantics = [#tpu.dimension_semantics<arbitrary>], iteration_bounds = array<i64: 32>, scalar_prefetch = 0 : i64, scratch_operands = 0 : i64, tpu.core_type = #tpu.core_type<tc>, window_params = [{transform_indices = @transform_0, window_bounds = array<i64: 4096, 128>}, {transform_indices = @transform_1, window_bounds = array<i64: 128, 64>}, {pipeline_mode = #tpu.pipeline_mode<synchronous>, transform_indices = @transform_2, window_bounds = array<i64: 1, 64>}, {pipeline_mode = #tpu.pipeline_mode<synchronous>, transform_indices = @transform_3, window_bounds = array<i64: 1, 64>}]} {
    %get3A = arith.constant 0 : index
    %get3A_0 = arith.constant 0 : index
    %get3A_1 = vector.load %arg1[%get3A, %get3A_0] : memref<4096x128xf32, #tpu.memory_space<vmem>>, vector<4096x128xf32>
    %slice3A = vector.extract_strided_slice %get3A_1 {offsets = [0, 0], sizes = [4096, 64], strides = [1, 1]} : vector<4096x128xf32> to vector<4096x64xf32>
    %reshape3A = vector.shape_cast %slice3A : vector<4096x64xf32> to vector<128x32x64xf32>
    %get3A_2 = arith.constant 0 : index
    %get3A_3 = arith.constant 0 : index
    %get3A_4 = vector.load %arg2[%get3A_2, %get3A_3] : memref<128x64xf32, #tpu.memory_space<vmem>>, vector<128x64xf32>
    %broadcast_in_dim3A = vector.shape_cast %get3A_4 : vector<128x64xf32> to vector<128x1x64xf32>
    %sub3A = vector.broadcast %broadcast_in_dim3A : vector<128x1x64xf32> to vector<128x32x64xf32>
    %sub3A_5 = arith.subf %reshape3A, %sub3A : vector<128x32x64xf32>
    %reshape3A_6 = vector.shape_cast %sub3A_5 : vector<128x32x64xf32> to vector<4096x64xf32>
    %eq3A = arith.constant 0 : i32
    %eq3A_7 = arith.cmpi eq, %arg0, %eq3A : i32
    %convert_element_type3A = arith.extui %eq3A_7 : i1 to i32
    %cond3A = arith.constant 0 : i32
    %cond3A_8 = arith.cmpi ne, %convert_element_type3A, %cond3A : i32
    scf.if %cond3A_8 {
      %broadcast_in_dim3A_26 = arith.constant 0.000000e+00 : f32
      %broadcast_in_dim3A_27 = vector.broadcast %broadcast_in_dim3A_26 : f32 to vector<1x64xf32>
      %swap3A_28 = arith.constant 0 : index
      %swap3A_29 = arith.constant 0 : index
      %swap3A_30 = vector.load %arg3[%swap3A_28, %swap3A_29] : memref<1x64xf32, #tpu.memory_space<vmem>>, vector<1x64xf32>
      tpu.vector_store %arg3[%swap3A_28, %swap3A_29], %broadcast_in_dim3A_27 {strides = array<i32>} : memref<1x64xf32, #tpu.memory_space<vmem>>, vector<1x64xf32>,
      %broadcast_in_dim3A_31 = arith.constant 0.000000e+00 : f32
      %broadcast_in_dim3A_32 = vector.broadcast %broadcast_in_dim3A_31 : f32 to vector<1x64xf32>
      %swap3A_33 = arith.constant 0 : index
      %swap3A_34 = arith.constant 0 : index
      %swap3A_35 = vector.load %arg4[%swap3A_33, %swap3A_34] : memref<1x64xf32, #tpu.memory_space<vmem>>, vector<1x64xf32>
      tpu.vector_store %arg4[%swap3A_33, %swap3A_34], %broadcast_in_dim3A_32 {strides = array<i32>} : memref<1x64xf32, #tpu.memory_space<vmem>>, vector<1x64xf32>,
    } else {
    }
    %get3A_9 = arith.constant 0 : index
    %get3A_10 = arith.constant 0 : index
    %get3A_11 = vector.load %arg3[%get3A_9, %get3A_10] : memref<1x64xf32, #tpu.memory_space<vmem>>, vector<1x64xf32>
    %reduce_sum3A = arith.constant dense<0.000000e+00> : vector<64xf32>
    %reduce_sum3A_12 = vector.multi_reduction <add>, %reshape3A_6, %reduce_sum3A [0] : vector<4096x64xf32> to vector<64xf32>
    %broadcast_in_dim3A_13 = vector.shape_cast %reduce_sum3A_12 : vector<64xf32> to vector<1x64xf32>
    %add3A = arith.addf %get3A_11, %broadcast_in_dim3A_13 : vector<1x64xf32>
    %swap3A = arith.constant 0 : index
    %swap3A_14 = arith.constant 0 : index
    %swap3A_15 = vector.load %arg3[%swap3A, %swap3A_14] : memref<1x64xf32, #tpu.memory_space<vmem>>, vector<1x64xf32>
    tpu.vector_store %arg3[%swap3A, %swap3A_14], %add3A {strides = array<i32>} : memref<1x64xf32, #tpu.memory_space<vmem>>, vector<1x64xf32>,
    %get3A_16 = arith.constant 0 : index
    %get3A_17 = arith.constant 0 : index
    %get3A_18 = vector.load %arg4[%get3A_16, %get3A_17] : memref<1x64xf32, #tpu.memory_space<vmem>>, vector<1x64xf32>
    %mul3A = arith.mulf %reshape3A_6, %reshape3A_6 : vector<4096x64xf32>
    %reduce_sum3A_19 = arith.constant dense<0.000000e+00> : vector<64xf32>
    %reduce_sum3A_20 = vector.multi_reduction <add>, %mul3A, %reduce_sum3A_19 [0] : vector<4096x64xf32> to vector<64xf32>
    %broadcast_in_dim3A_21 = vector.shape_cast %reduce_sum3A_20 : vector<64xf32> to vector<1x64xf32>
    %add3A_22 = arith.addf %get3A_18, %broadcast_in_dim3A_21 : vector<1x64xf32>
    %swap3A_23 = arith.constant 0 : index
    %swap3A_24 = arith.constant 0 : index
    %swap3A_25 = vector.load %arg4[%swap3A_23, %swap3A_24] : memref<1x64xf32, #tpu.memory_space<vmem>>, vector<1x64xf32>
    tpu.vector_store %arg4[%swap3A_23, %swap3A_24], %add3A_22 {strides = array<i32>} : memref<1x64xf32, #tpu.memory_space<vmem>>, vector<1x64xf32>,
    return
  }
  func.func @transform_0(%arg0: i32) -> (i32, i32) {
    %c0_i32 = arith.constant 0 : i32
    %c0_i32_0 = arith.constant 0 : i32
    return %arg0, %c0_i32 : i32, i32
  }
  func.func @transform_1(%arg0: i32) -> (i32, i32) {
    %c0_i32 = arith.constant 0 : i32
    %c0_i32_0 = arith.constant 0 : i32
    return %arg0, %c0_i32 : i32, i32
  }
  func.func @transform_2(%arg0: i32) -> (i32, i32) {
    %c0_i32 = arith.constant 0 : i32
    %c0_i32_0 = arith.constant 0 : i32
    %c0_i32_1 = arith.constant 0 : i32
    return %c0_i32, %c0_i32_0 : i32, i32
  }
  func.func @transform_3(%arg0: i32) -> (i32, i32) {
    %c0_i32 = arith.constant 0 : i32
    %c0_i32_0 = arith.constant 0 : i32
    %c0_i32_1 = arith.constant 0 : i32
    return %c0_i32, %c0_i32_0 : i32, i32
  }
}

module attributes {stable_mosaic.version = 14 : i64} {
  func.func @_main_body(%arg0: i32, %arg1: memref<4096x128xf32, #tpu.memory_space<vmem>>, %arg2: memref<128x64xf32, #tpu.memory_space<vmem>>, %arg3: memref<1x64xf32, #tpu.memory_space<vmem>>, %arg4: memref<1x64xf32, #tpu.memory_space<vmem>>, %arg5: memref<64x128xf32, #tpu.memory_space<vmem>>, %arg6: memref<1x128xf32, #tpu.memory_space<vmem>>, %arg7: memref<128x128xf32, #tpu.memory_space<vmem>>, %arg8: memref<1x64xf32, #tpu.memory_space<vmem>>, %arg9: memref<64x64xf32, #tpu.memory_space<vmem>>) attributes {dimension_semantics = [#tpu.dimension_semantics<arbitrary>], iteration_bounds = array<i64: 32>, scalar_prefetch = 0 : i64, scratch_operands = 0 : i64, tpu.core_type = #tpu.core_type<tc>, window_params = [{transform_indices = @transform_0, window_bounds = array<i64: 4096, 128>}, {transform_indices = @transform_1, window_bounds = array<i64: 128, 64>}, {pipeline_mode = #tpu.pipeline_mode<synchronous>, transform_indices = @transform_2, window_bounds = array<i64: 1, 64>}, {pipeline_mode = #tpu.pipeline_mode<synchronous>, transform_indices = @transform_3, window_bounds = array<i64: 1, 64>}, {pipeline_mode = #tpu.pipeline_mode<synchronous>, transform_indices = @transform_4, window_bounds = array<i64: 64, 128>}, {pipeline_mode = #tpu.pipeline_mode<synchronous>, transform_indices = @transform_5, window_bounds = array<i64: 1, 128>}, {transform_indices = @transform_6, window_bounds = array<i64: 128, 128>}, {pipeline_mode = #tpu.pipeline_mode<synchronous>, transform_indices = @transform_7, window_bounds = array<i64: 1, 64>}, {pipeline_mode = #tpu.pipeline_mode<synchronous>, transform_indices = @transform_8, window_bounds = array<i64: 64, 64>}]} {
    %get3A = arith.constant 0 : index
    %get3A_0 = arith.constant 0 : index
    %get3A_1 = vector.load %arg1[%get3A, %get3A_0] : memref<4096x128xf32, #tpu.memory_space<vmem>>, vector<4096x128xf32>
    %slice3A = vector.extract_strided_slice %get3A_1 {offsets = [0, 0], sizes = [4096, 64], strides = [1, 1]} : vector<4096x128xf32> to vector<4096x64xf32>
    %reshape3A = vector.shape_cast %slice3A : vector<4096x64xf32> to vector<128x32x64xf32>
    %get3A_2 = arith.constant 0 : index
    %get3A_3 = arith.constant 0 : index
    %get3A_4 = vector.load %arg2[%get3A_2, %get3A_3] : memref<128x64xf32, #tpu.memory_space<vmem>>, vector<128x64xf32>
    %broadcast_in_dim3A = vector.shape_cast %get3A_4 : vector<128x64xf32> to vector<128x1x64xf32>
    %sub3A = vector.broadcast %broadcast_in_dim3A : vector<128x1x64xf32> to vector<128x32x64xf32>
    %sub3A_5 = arith.subf %reshape3A, %sub3A : vector<128x32x64xf32>
    %reshape3A_6 = vector.shape_cast %sub3A_5 : vector<128x32x64xf32> to vector<4096x64xf32>
    %get3A_7 = arith.constant 0 : index
    %get3A_8 = arith.constant 0 : index
    %get3A_9 = vector.load %arg3[%get3A_7, %get3A_8] : memref<1x64xf32, #tpu.memory_space<vmem>>, vector<1x64xf32>
    %mul3A = vector.broadcast %get3A_9 : vector<1x64xf32> to vector<4096x64xf32>
    %mul3A_10 = arith.mulf %reshape3A_6, %mul3A : vector<4096x64xf32>
    %get3A_11 = arith.constant 0 : index
    %get3A_12 = arith.constant 0 : index
    %get3A_13 = vector.load %arg4[%get3A_11, %get3A_12] : memref<1x64xf32, #tpu.memory_space<vmem>>, vector<1x64xf32>
    %add3A = vector.broadcast %get3A_13 : vector<1x64xf32> to vector<4096x64xf32>
    %add3A_14 = arith.addf %mul3A_10, %add3A : vector<4096x64xf32>
    %max3A = arith.constant 0.000000e+00 : f32
    %max3A_15 = vector.broadcast %max3A : f32 to vector<4096x64xf32>
    %max3A_16 = arith.maximumf %add3A_14, %max3A_15 : vector<4096x64xf32>
    %get3A_17 = arith.constant 0 : index
    %get3A_18 = arith.constant 0 : index
    %get3A_19 = vector.load %arg5[%get3A_17, %get3A_18] : memref<64x128xf32, #tpu.memory_space<vmem>>, vector<64x128xf32>
    %dot_general3A = arith.constant dense<0.000000e+00> : vector<4096x128xf32>
    %dot_general3A_20 = tpu.matmul %max3A_16, %get3A_19, %dot_general3A {dimension_numbers = #tpu.dot_dimension_numbers<[1], [0], [0], [1], [0, 0, 1, 1], [], []>, transpose_lhs_hint = false} : vector<4096x64xf32>, vector<64x128xf32>, vector<4096x128xf32> -> vector<4096x128xf32>
    %get3A_21 = arith.constant 0 : index
    %get3A_22 = arith.constant 0 : index
    %get3A_23 = vector.load %arg6[%get3A_21, %get3A_22] : memref<1x128xf32, #tpu.memory_space<vmem>>, vector<1x128xf32>
    %add3A_24 = vector.broadcast %get3A_23 : vector<1x128xf32> to vector<4096x128xf32>
    %add3A_25 = arith.addf %dot_general3A_20, %add3A_24 : vector<4096x128xf32>
    %reshape3A_26 = vector.shape_cast %add3A_25 : vector<4096x128xf32> to vector<128x32x128xf32>
    %reduce_max3A = arith.constant dense<0xFF800000> : vector<128x128xf32>
    %reduce_max3A_27 = vector.multi_reduction <maximumf>, %reshape3A_26, %reduce_max3A [1] : vector<128x32x128xf32> to vector<128x128xf32>
    %swap3A = arith.constant 0 : index
    %swap3A_28 = arith.constant 0 : index
    %swap3A_29 = vector.load %arg7[%swap3A, %swap3A_28] : memref<128x128xf32, #tpu.memory_space<vmem>>, vector<128x128xf32>
    tpu.vector_store %arg7[%swap3A, %swap3A_28], %reduce_max3A_27 {strides = array<i32>} : memref<128x128xf32, #tpu.memory_space<vmem>>, vector<128x128xf32>,
    %eq3A = arith.constant 0 : i32
    %eq3A_30 = arith.cmpi eq, %arg0, %eq3A : i32
    %convert_element_type3A = arith.extui %eq3A_30 : i1 to i32
    %cond3A = arith.constant 0 : i32
    %cond3A_31 = arith.cmpi ne, %convert_element_type3A, %cond3A : i32
    scf.if %cond3A_31 {
      %broadcast_in_dim3A_50 = arith.constant 0.000000e+00 : f32
      %broadcast_in_dim3A_51 = vector.broadcast %broadcast_in_dim3A_50 : f32 to vector<1x64xf32>
      %swap3A_52 = arith.constant 0 : index
      %swap3A_53 = arith.constant 0 : index
      %swap3A_54 = vector.load %arg8[%swap3A_52, %swap3A_53] : memref<1x64xf32, #tpu.memory_space<vmem>>, vector<1x64xf32>
      tpu.vector_store %arg8[%swap3A_52, %swap3A_53], %broadcast_in_dim3A_51 {strides = array<i32>} : memref<1x64xf32, #tpu.memory_space<vmem>>, vector<1x64xf32>,
      %broadcast_in_dim3A_55 = arith.constant 0.000000e+00 : f32
      %broadcast_in_dim3A_56 = vector.broadcast %broadcast_in_dim3A_55 : f32 to vector<64x64xf32>
      %swap3A_57 = arith.constant 0 : index
      %swap3A_58 = arith.constant 0 : index
      %swap3A_59 = vector.load %arg9[%swap3A_57, %swap3A_58] : memref<64x64xf32, #tpu.memory_space<vmem>>, vector<64x64xf32>
      tpu.vector_store %arg9[%swap3A_57, %swap3A_58], %broadcast_in_dim3A_56 {strides = array<i32>} : memref<64x64xf32, #tpu.memory_space<vmem>>, vector<64x64xf32>,
    } else {
    }
    %get3A_32 = arith.constant 0 : index
    %get3A_33 = arith.constant 0 : index
    %get3A_34 = vector.load %arg8[%get3A_32, %get3A_33] : memref<1x64xf32, #tpu.memory_space<vmem>>, vector<1x64xf32>
    %reduce_sum3A = arith.constant dense<0.000000e+00> : vector<64xf32>
    %reduce_sum3A_35 = vector.multi_reduction <add>, %max3A_16, %reduce_sum3A [0] : vector<4096x64xf32> to vector<64xf32>
    %broadcast_in_dim3A_36 = vector.shape_cast %reduce_sum3A_35 : vector<64xf32> to vector<1x64xf32>
    %add3A_37 = arith.addf %get3A_34, %broadcast_in_dim3A_36 : vector<1x64xf32>
    %swap3A_38 = arith.constant 0 : index
    %swap3A_39 = arith.constant 0 : index
    %swap3A_40 = vector.load %arg8[%swap3A_38, %swap3A_39] : memref<1x64xf32, #tpu.memory_space<vmem>>, vector<1x64xf32>
    tpu.vector_store %arg8[%swap3A_38, %swap3A_39], %add3A_37 {strides = array<i32>} : memref<1x64xf32, #tpu.memory_space<vmem>>, vector<1x64xf32>,
    %get3A_41 = arith.constant 0 : index
    %get3A_42 = arith.constant 0 : index
    %get3A_43 = vector.load %arg9[%get3A_41, %get3A_42] : memref<64x64xf32, #tpu.memory_space<vmem>>, vector<64x64xf32>
    %dot_general3A_44 = arith.constant dense<0.000000e+00> : vector<64x64xf32>
    %dot_general3A_45 = tpu.matmul %max3A_16, %max3A_16, %dot_general3A_44 {dimension_numbers = #tpu.dot_dimension_numbers<[0], [0], [1], [1], [0, 1, 1, 1], [], []>, transpose_lhs_hint = false} : vector<4096x64xf32>, vector<4096x64xf32>, vector<64x64xf32> -> vector<64x64xf32>
    %add3A_46 = arith.addf %get3A_43, %dot_general3A_45 : vector<64x64xf32>
    %swap3A_47 = arith.constant 0 : index
    %swap3A_48 = arith.constant 0 : index
    %swap3A_49 = vector.load %arg9[%swap3A_47, %swap3A_48] : memref<64x64xf32, #tpu.memory_space<vmem>>, vector<64x64xf32>
    tpu.vector_store %arg9[%swap3A_47, %swap3A_48], %add3A_46 {strides = array<i32>} : memref<64x64xf32, #tpu.memory_space<vmem>>, vector<64x64xf32>,
    return
  }
  func.func @transform_0(%arg0: i32) -> (i32, i32) {
    %c0_i32 = arith.constant 0 : i32
    %c0_i32_0 = arith.constant 0 : i32
    return %arg0, %c0_i32 : i32, i32
  }
  func.func @transform_1(%arg0: i32) -> (i32, i32) {
    %c0_i32 = arith.constant 0 : i32
    %c0_i32_0 = arith.constant 0 : i32
    return %arg0, %c0_i32 : i32, i32
  }
  func.func @transform_2(%arg0: i32) -> (i32, i32) {
    %c0_i32 = arith.constant 0 : i32
    %c0_i32_0 = arith.constant 0 : i32
    %c0_i32_1 = arith.constant 0 : i32
    return %c0_i32, %c0_i32_0 : i32, i32
  }
  func.func @transform_3(%arg0: i32) -> (i32, i32) {
    %c0_i32 = arith.constant 0 : i32
    %c0_i32_0 = arith.constant 0 : i32
    %c0_i32_1 = arith.constant 0 : i32
    return %c0_i32, %c0_i32_0 : i32, i32
  }
  func.func @transform_4(%arg0: i32) -> (i32, i32) {
    %c0_i32 = arith.constant 0 : i32
    %c0_i32_0 = arith.constant 0 : i32
    %c0_i32_1 = arith.constant 0 : i32
    return %c0_i32, %c0_i32_0 : i32, i32
  }
  func.func @transform_5(%arg0: i32) -> (i32, i32) {
    %c0_i32 = arith.constant 0 : i32
    %c0_i32_0 = arith.constant 0 : i32
    %c0_i32_1 = arith.constant 0 : i32
    return %c0_i32, %c0_i32_0 : i32, i32
  }
  func.func @transform_6(%arg0: i32) -> (i32, i32) {
    %c0_i32 = arith.constant 0 : i32
    %c0_i32_0 = arith.constant 0 : i32
    return %arg0, %c0_i32 : i32, i32
  }
  func.func @transform_7(%arg0: i32) -> (i32, i32) {
    %c0_i32 = arith.constant 0 : i32
    %c0_i32_0 = arith.constant 0 : i32
    %c0_i32_1 = arith.constant 0 : i32
    return %c0_i32, %c0_i32_0 : i32, i32
  }
  func.func @transform_8(%arg0: i32) -> (i32, i32) {
    %c0_i32 = arith.constant 0 : i32
    %c0_i32_0 = arith.constant 0 : i32
    %c0_i32_1 = arith.constant 0 : i32
    return %c0_i32, %c0_i32_0 : i32, i32
  }
}

module attributes {stable_mosaic.version = 14 : i64} {
  func.func @_final_body(%arg0: i32, %arg1: memref<128x128xf32, #tpu.memory_space<vmem>>, %arg2: memref<1x128xf32, #tpu.memory_space<vmem>>, %arg3: memref<1x128xf32, #tpu.memory_space<vmem>>, %arg4: memref<128x128xf32, #tpu.memory_space<vmem>>) attributes {dimension_semantics = [#tpu.dimension_semantics<arbitrary>], iteration_bounds = array<i64: 32>, scalar_prefetch = 0 : i64, scratch_operands = 0 : i64, tpu.core_type = #tpu.core_type<tc>, window_params = [{transform_indices = @transform_0, window_bounds = array<i64: 128, 128>}, {pipeline_mode = #tpu.pipeline_mode<synchronous>, transform_indices = @transform_1, window_bounds = array<i64: 1, 128>}, {pipeline_mode = #tpu.pipeline_mode<synchronous>, transform_indices = @transform_2, window_bounds = array<i64: 1, 128>}, {transform_indices = @transform_3, window_bounds = array<i64: 128, 128>}]} {
    %get3A = arith.constant 0 : index
    %get3A_0 = arith.constant 0 : index
    %get3A_1 = vector.load %arg1[%get3A, %get3A_0] : memref<128x128xf32, #tpu.memory_space<vmem>>, vector<128x128xf32>
    %get3A_2 = arith.constant 0 : index
    %get3A_3 = arith.constant 0 : index
    %get3A_4 = vector.load %arg2[%get3A_2, %get3A_3] : memref<1x128xf32, #tpu.memory_space<vmem>>, vector<1x128xf32>
    %mul3A = vector.broadcast %get3A_4 : vector<1x128xf32> to vector<128x128xf32>
    %mul3A_5 = arith.mulf %get3A_1, %mul3A : vector<128x128xf32>
    %get3A_6 = arith.constant 0 : index
    %get3A_7 = arith.constant 0 : index
    %get3A_8 = vector.load %arg3[%get3A_6, %get3A_7] : memref<1x128xf32, #tpu.memory_space<vmem>>, vector<1x128xf32>
    %add3A = vector.broadcast %get3A_8 : vector<1x128xf32> to vector<128x128xf32>
    %add3A_9 = arith.addf %mul3A_5, %add3A : vector<128x128xf32>
    %max3A = arith.constant 0.000000e+00 : f32
    %max3A_10 = vector.broadcast %max3A : f32 to vector<128x128xf32>
    %max3A_11 = arith.maximumf %add3A_9, %max3A_10 : vector<128x128xf32>
    %swap3A = arith.constant 0 : index
    %swap3A_12 = arith.constant 0 : index
    %swap3A_13 = vector.load %arg4[%swap3A, %swap3A_12] : memref<128x128xf32, #tpu.memory_space<vmem>>, vector<128x128xf32>
    tpu.vector_store %arg4[%swap3A, %swap3A_12], %max3A_11 {strides = array<i32>} : memref<128x128xf32, #tpu.memory_space<vmem>>, vector<128x128xf32>,
    return
  }
  func.func @transform_0(%arg0: i32) -> (i32, i32) {
    %c0_i32 = arith.constant 0 : i32
    %c0_i32_0 = arith.constant 0 : i32
    return %arg0, %c0_i32 : i32, i32
  }
  func.func @transform_1(%arg0: i32) -> (i32, i32) {
    %c0_i32 = arith.constant 0 : i32
    %c0_i32_0 = arith.constant 0 : i32
    %c0_i32_1 = arith.constant 0 : i32
    return %c0_i32, %c0_i32_0 : i32, i32
  }
  func.func @transform_2(%arg0: i32) -> (i32, i32) {
    %c0_i32 = arith.constant 0 : i32
    %c0_i32_0 = arith.constant 0 : i32
    %c0_i32_1 = arith.constant 0 : i32
    return %c0_i32, %c0_i32_0 : i32, i32
  }
  func.func @transform_3(%arg0: i32) -> (i32, i32) {
    %c0_i32 = arith.constant 0 : i32
    %c0_i32_0 = arith.constant 0 : i32
    return %arg0, %c0_i32 : i32, i32
  }
}

</mosaic_0001>

<sc_bundles>
// kernel: kernel.9.cloned.1.call-start
scs
__scs_entry_jumppad:
0x0: {  	(pc) =	sbr.rel $0x88, $3  }
0x1: {  	(tag) =	ssettag $0x0;
	lr =	simm.s32 $0x1  }
0x2: {  	[smem:$0x3F97] =	sst lr;
	_ =	strace $0xD0000000  }
0x3: {  	_ = 	snop  }
0x4: {  	_ = 	snop  }
0x5: {  	_ = 	snop  }
0x6: {  	_ = 	snop  }
0x7: {  	_ = 	snop  }
__scs_overlays_trampoline_lowered:
0x8: {  	[smem:$0x3FA6] =	sst s0  }
0x9: {  	[smem:$0x3FA7] =	sst s1  }
0xa: {  	[smem:$0x3FA8] =	sst s2  }
0xb: {  	[smem:$0x3FA9] =	sst s3  }
0xc: {  	[smem:$0x3FAA] =	sst s4  }
0xd: {  	[smem:$0x3FAB] =	sst s5  }
0xe: {  	[smem:$0x3FAC] =	sst s6  }
0xf: {  	[smem:$0x3FAD] =	sst s7  }
0x10: {  	[smem:$0x3FAE] =	sst s8  }
0x11: {  	[smem:$0x3FAF] =	sst s9;
	s0 =	simm.s32 @!p0 $0x0  }
0x12: {  	s1 =	sld [smem:$0x3F95];
	s0 =	simm.s32 @p0 $0x1  }
0x13: {  	[smem:$0x3FB0] =	sst s0;
	s0 =	simm.s32 @!p1 $0x0  }
0x14: {  	s2 =	sld [smem:$0x3F94];
	s0 =	simm.s32 @p1 $0x1  }
0x15: {  	[smem:$0x3FB1] =	sst s0;
	s0 =	simm.s32 @!p2 $0x0  }
0x16: {  	s3 =	sld [smem:$0x3FDB];
	s0 =	simm.s32 @p2 $0x1  }
0x17: {  	s4 =	simm.s32 $0x1BF5;
	[smem:$0x3FB3] =	sst s0  }
0x18: {  	s0 =	sld [smem:$0x3F96];
	_ =	swait.ge [sflag:s4], $0x0  }
0x19: {  	s7 =	sld [smem:$0x3F97]  }
0x1a: {  	s8 =	sadd.s32 $0xFFFFE003, lr  }
0x1b: {  	s9 =	sadd.s32 $0xFFFFFEF7, lr;
	s5 =	simm.s32 $0xFFFFFFFF;
	p2 =	slt.u32 s8, $0xFFFFF086  }
0x1c: {  	p1 =	slt.u32 s9, $0xF7A;
	s5 =	simm.s32 @!p2 $0x0  }
0x1d: {  	s5 =	simm.s32 @p1 $0x1;
	p0 =	seq.s32 s7, s2  }
0x1e: {  	s7 =	smul.u32 @!p0 $0xF7A, s2;
	p2 =	seq.s32 @!p0 s5, $0x0  }
0x1f: {  	s9 =	smul.u32 $0xF7A, s1;
	s8 =	simm.s32 @!p0 $0x1BF5;
	p2 =	por !p2, p0  }
0x20: {  	[sflag:s8] =	ssyncset.s32 @!p0 $0xFFFFF086;
	s6 =	sadd.s32 @!p0 s3, s7;
	s7 =	simm.s32 @!p0 $0x108  }
0x21: {  	s3 =	sadd.s32 s3, s9;
	s6 =	sadd.s32 @!p0 $0x88, s6;
	s7 =	simm.s32 @p2 $0x1082  }
0x22: {  	[simem:s7], [sflag:s8] =	dma.local @!p0 [hbm:s6], $0xF7A  }
0x23: {  	s9 =	sor.u32 $0xD0000000, s2;
	s6 =	simm.s32 $0x108;
	_ =	swait.ge @!p0 [sflag:s8], $0x0  }
0x24: {  	s3 =	sadd.s32 $0x88, s3;
	s6 =	simm.s32 @!p1 $0x1082;
	[sflag:s4] =	ssyncset.s32 $0xFFFFF086  }
0x25: {  	[simem:s6], [sflag:s4] =	dma.local [hbm:s3], $0xF7A  }
0x26: {  	[smem:$0x3F97] =	sst s1;
	(tag) =	ssettag s2;
	_ =	strace s9  }
0x27: {  	s1 =	sld [smem:$0x3FA7]  }
0x28: {  	s2 =	sld [smem:$0x3FA8]  }
0x29: {  	s4 =	sld [smem:$0x3FAA]  }
0x2a: {  	p0 =	seq.s32 s5, $0x0;
	s5 =	sld [smem:$0x3FAB]  }
0x2b: {  	s6 =	sld [smem:$0x3FAC]  }
0x2c: {  	s7 =	sld [smem:$0x3FAD]  }
0x2d: {  	s3 =	simm.s32 $0x108;
	s8 =	sld [smem:$0x3FAE]  }
0x2e: {  	s3 =	simm.s32 @!p0 $0x1082;
	s9 =	sld [smem:$0x3FAF]  }
0x2f: {  	lr =	sadd.s32 s0, s3;
	s0 =	sld [smem:$0x3FA6]  }
0x30: {  	s3 =	sld [smem:$0x3FA9]  }
0x31: {  	[smem:$0x3FB2] =	sst s10  }
0x32: {  	s10 =	sld [smem:$0x3FB0];
	_ =	sdelay $0x3  }
0x33: {  	p0 =	seq.s32 s10, $0x1;
	s10 =	sld [smem:$0x3FB2];
	_ =	sdelay $0x3  }
0x34: {  	[smem:$0x3FB2] =	sst s10  }
0x35: {  	s10 =	sld [smem:$0x3FB1];
	_ =	sdelay $0x3  }
0x36: {  	p1 =	seq.s32 s10, $0x1;
	s10 =	sld [smem:$0x3FB2];
	_ =	sdelay $0x3  }
0x37: {  	[smem:$0x3FB2] =	sst s10  }
0x38: {  	s10 =	sld [smem:$0x3FB3]  }
0x39: {  	_ = 	snop;
	(pc) =	sbr.ind lr, $3  }
0x3a: {  	_ = 	snop  }
0x3b: {  	_ = 	snop  }
0x3c: {  	p2 =	seq.s32 s10, $0x1;
	s10 =	sld [smem:$0x3FB2]  }
0x3d: {  	_ =	shalt  }
0x3e: {  	_ =	shalt  }
0x3f: {  	_ =	shalt  }
0x40: {  	_ =	shalt  }
0x41: {  	_ =	shalt  }
0x42: {  	_ =	shalt  }
0x43: {  	_ =	shalt  }
0x44: {  	_ =	shalt  }
0x45: {  	_ =	shalt  }
0x46: {  	_ =	shalt  }
0x47: {  	_ =	shalt  }
0x48: {  	_ =	shalt  }
0x49: {  	_ =	shalt  }
0x4a: {  	_ =	shalt  }
0x4b: {  	_ =	shalt  }
0x4c: {  	_ =	shalt  }
0x4d: {  	_ =	shalt  }
0x4e: {  	_ =	shalt  }
0x4f: {  	_ =	shalt  }
0x50: {  	_ =	shalt  }
0x51: {  	_ =	shalt  }
0x52: {  	_ =	shalt  }
0x53: {  	_ =	shalt  }
0x54: {  	_ =	shalt  }
0x55: {  	_ =	shalt  }
0x56: {  	_ =	shalt  }
0x57: {  	_ =	shalt  }
0x58: {  	_ =	shalt  }
0x59: {  	_ =	shalt  }
0x5a: {  	_ =	shalt  }
0x5b: {  	_ =	shalt  }
0x5c: {  	_ =	shalt  }
0x5d: {  	_ =	shalt  }
0x5e: {  	_ =	shalt  }
0x5f: {  	_ =	shalt  }
0x60: {  	_ =	shalt  }
0x61: {  	_ =	shalt  }
0x62: {  	_ =	shalt  }
0x63: {  	_ =	shalt  }
0x64: {  	_ =	shalt  }
0x65: {  	_ =	shalt  }
0x66: {  	_ =	shalt  }
0x67: {  	_ =	shalt  }
0x68: {  	_ =	shalt  }
0x69: {  	_ =	shalt  }
0x6a: {  	_ =	shalt  }
0x6b: {  	_ =	shalt  }
0x6c: {  	_ =	shalt  }
0x6d: {  	_ =	shalt  }
0x6e: {  	_ =	shalt  }
0x6f: {  	_ =	shalt  }
0x70: {  	_ =	shalt  }
0x71: {  	_ =	shalt  }
0x72: {  	_ =	shalt  }
0x73: {  	_ =	shalt  }
0x74: {  	_ =	shalt  }
0x75: {  	_ =	shalt  }
0x76: {  	_ =	shalt  }
0x77: {  	_ =	shalt  }
0x78: {  	_ =	shalt  }
0x79: {  	_ =	shalt  }
0x7a: {  	_ =	shalt  }
0x7b: {  	_ =	shalt  }
0x7c: {  	_ =	shalt  }
0x7d: {  	_ =	shalt  }
0x7e: {  	_ =	shalt  }
0x7f: {  	_ =	shalt  }
0x80: {  	_ =	shalt  }
0x81: {  	_ =	shalt  }
0x82: {  	_ =	shalt  }
0x83: {  	_ =	shalt  }
0x84: {  	_ =	shalt  }
0x85: {  	_ =	shalt  }
0x86: {  	_ =	shalt  }
0x87: {  	_ =	shalt  }
.Lfunc_end0:
.L_simem_size_0:
called_computation_lowered:
.L_overlay_start_0:
0x88: {  	s2 =	sld [smem:$0x3FD9]  }
0x89: {  	s3 =	sld [smem:$0x3FFE];
	_ =	sdelay $0x1  }
0x8a: {  	s1 =	srdreg.scid  }
0x8b: {  	s0 =	sand.u32 $0x1, s1  }
0x8c: {  	s14 =	sshll.u32 s0, $0xA;
	s2 =	sadd.s32 s3, s2  }
0x8d: {  	s2 =	sadd.s32 s2, s14  }
0x8e: {  	[smem:$0x3FBE] =	sst s2  }
0x8f: {  	_ = 	snop  }
0x90: {  	s2 =	sld [smem:$0x3FD0];
	_ =	sdelay $0x2  }
0x91: {  	s15 =	simm.s32 $0xA;
	s4 =	simm.s32 $0x10  }
0x92: {  	[smem:s4], [sflag:s15] =	dma.local [hbm:s2], $0x1  }
0x93: {  	_ =	swait.eq [sflag:s15], $0x1  }
0x94: {  	[sflag:s15] =	ssyncset.done $0x0  }
0x95: {  	[sflag:s15] =	ssyncadd.s32 $0xFFFFFFFF  }
0x96: {  	s16 =	sld [smem:$0x10];
	(tm) =	ssettm $0x1  }
0x97: {  	s17 =	sld [smem:$0x3FFB];
	_ =	sdelay $0x3  }
0x98: {  	_ =	strace s17  }
0x99: {  	s3 =	sld [smem:$0x3FFC];
	_ =	sdelay $0x3  }
0x9a: {  	_ =	strace s3  }
0x9b: {  	s3 =	sld [smem:$0x3FFD];
	_ =	sdelay $0x3  }
0x9c: {  	_ =	strace s3  }
0x9d: {  	_ =	strace $0x8FFFFFFF  }
0x9e: {  	s18 =	sld [smem:$0x3FDB];
	_ =	sdelay $0x1  }
0x9f: {  	s19 =	simm.s32 $_scs_section_size  }
0xa0: {  	s5 =	simm.s32 $_size__tile_overlayer_lowered;
	s6 =	simm.s32 $_tile_overlayer_lowered  }
0xa1: {  	s22 =	simm.s32 $0x1BFF;
	s21 =	sshll.u32 s6, $0x1;
	s3 =	sadd.s32 s19, s18  }
0xa2: {  	s7 =	simm.s32 $0x0;
	s20 =	sshll.u32 s5, $0x1;
	s5 =	sadd.s32 s21, s3  }
0xa3: {  	[timem:s7], [sflag:s22] =	dma.local [hbm:s5], s20  }
0xa4: {  	_ =	swait.ge [sflag:s22], s20  }
0xa5: {  	s4 =	ssub.s32 $0x0, s20;
	[sflag:s22] =	ssyncset.done $0x0  }
0xa6: {  	[sflag:s22] =	ssyncadd.s32 s4;
	_ =	sdelay $0x1  }
0xa7: {  	s23 =	simm.s32 $0x1B8B  }
0xa8: {  	_ =	swait.ge [sflag:s23], $0x1  }
0xa9: {  	[sflag:s23] =	ssyncset.done $0x0  }
0xaa: {  	s25 =	simm.s32 $0x1B8E;
	s24 =	sld [smem:$0x3FFE];
	[sflag:s23] =	ssyncadd.s32 $0xFFFFFFFF  }
0xab: {  	s26 =	simm.s32 $execute0_lowered;
	[smem:$0x3FD2] =	sst s25  }
0xac: {  	s5 =	sshll.u32 s26, $0x1;
	_ =	strace $0x80000046;
	[dreg:$0x1] =	wrdreg $0xFFFFFFFF  }
0xad: {  	s28 =	simm.s32 $_size_execute0_lowered;
	s3 =	sadd.s32 s3, s5;
	[dreg:$0x0] =	wrdreg $0x0  }
0xae: {  	s5 =	sshll.u32 s28, $0x1;
	[dreg:$0x2] =	wrdreg s3  }
0xaf: {  	[dreg:$0x3] =	wrdreg s5  }
0xb0: {  	[dreg:$0x4] =	wrdreg $0xC0  }
0xb1: {  	_ =	task [dreg:s7], $0x5FFFF  }
0xb2: {  	[dreg:$0x1] =	wrdreg $0xFFFFFFFF  }
0xb3: {  	[dreg:$0x0] =	wrdreg $0x60  }
0xb4: {  	[dreg:$0x2] =	wrdreg s24  }
0xb5: {  	[dreg:$0x3] =	wrdreg s16  }
0xb6: {  	[dreg:$0x4] =	wrdreg $0x9  }
0xb7: {  	_ =	task.clear_ibuf [dreg:s7], $0x5FFFF;
	_ =	strace $0x90000046  }
0xb8: {  	s29 =	simm.s32 $0x9;
	_ =	strace $0x80000048  }
0xb9: {  	_ =	swait.ge [sflag:s29], $0x1  }
0xba: {  	[sflag:s29] =	ssyncadd.s32 $0xFFFFFFFF  }
0xbb: {  	_ =	strace $0x90000048  }
0xbc: {  	_ =	sfence  }
0xbd: {  	s30 =	sld [smem:$0x0];
	_ =	sdelay $0x2  }
0xbe: {  	s31 =	sshll.u32 s1, $0xD;
	s1 =	sshrl.u32 s1, $0x2  }
0xbf: {  	s3 =	sand.u32 $0x4000, s31;
	s1 =	sadd.s32 s1, s30  }
0xc0: {  	s0 =	sor.u32 s3, s0;
	s1 =	sshll.u32 s1, $0x11  }
0xc1: {  	s0 =	sor.u32 s1, s0  }
0xc2: {  	s0 =	sadd.s32 $0x8F2B, s0  }
0xc3: {  	[sflag:s0] =	ssyncadd.remote.s32 $0x1  }
0xc4: {  	_ =	sfence.sel $0xFFFF  }
0xc5: {  	[dreg:$0x0] =	wrdreg $0xFFFFFFFF;
	(pc) =	sbr.abs _section_cstart, $3  }
0xc6: {  	[dreg:$0x1] =	wrdreg $0xFFFFFFFF  }
0xc7: {  	_ =	task.clear_ibuf [dreg:s7], $0x2FFFF;
	_ =	strace $0x9FFFFFFF  }
0xc8: {  	(tm) =	ssettm $0x7FFFFFFF  }
0xc9: {  	_ =	shalt  }
tec
execute0_lowered:
.L_overlay_start_1:
0x0: {  	(tag) =	ssettag $0x1  }
0x1: {  	s4 =	rddreg [dreg:$0x0]  }
0x2: {  	s6 =	rddreg [dreg:$0x1]  }
0x3: {  	s0 =	rddreg [dreg:$0x2];
	s2 =	simm.s32 $0x0;
	s1 =	stileid.u32  }
0x4: {  	s3 =	srdreg.scid;
	[smem:$0x7FF] =	sst s2  }
0x5: {  	s5 =	sshll.u32 s1, $0x11;
	s7 =	sand.u32 $0x1, s3;
	s3 =	sadd.s32 $0x2200, s4  }
0x6: {  	s9 =	sshll.u32 s1, $0xD;
	_ =	strace $0x80000047;
	s5 =	sadd.s32 s5, s4  }
0x7: {  	s29 =	ssub.s32 $0x2, s7;
	s10 =	sshll.u32 s7, $0xC;
	s7 =	sshll.u32 s7, $0x10  }
0x8: {  	s8 =	sshrl.u32 s29, $0x1;
	s30 =	sor.u32 s10, s9;
	s5 =	sadd.s32 s7, s5  }
0x9: {  	s7 =	simm.s32 $0x2;
	s9 =	simm.s32 $0x1;
	s10 =	simm.s32 $0x0  }
0xa: {  	s4 =	ssub.s32 s29, s8;
	s31 =	sshrl.u32 s30, $0x3;
	s5 =	sadd.s32 $0x82200, s5  }
0xb: {  	s8 =	simm.s32 $0x200;
	s4 =	smax.u32 s4, $0x1;
	s6 =	sadd.s32 s31, s6  }
.LBB2_1:
0xc: {  	s11 =	sadd.s32 $0x0, s6  }
0xd: {  	[tilespmem:s2], [sflag:$0x2] =	stream.linear.gather [hbm4b:s11+s2], $0x200, $0x38;
	[tilespmem:$0x10200] =	vst v63  }
0xe: {  	_ =	swait.ge [sflag:s7], $0x200  }
0xf: {  	[sflag:s7] =	ssyncset.done $0x0  }
0x10: {  	[sflag:s7] =	ssyncadd.s32 $0xFFFFFE00  }
0x11: {  	[tilespmem:s8], [sflag:$0x1] =	stream.indirect.gather [hbm4b:s3+s8], $0x80, s2, s8, $0xb8;
	[tilespmem:$0x10200] =	vst v63  }
0x12: {  	_ =	swait.ge [sflag:s9], $0x10000  }
0x13: {  	[sflag:s9] =	ssyncset.done $0x0  }
0x14: {  	[sflag:s9] =	ssyncadd.s32 $0xFFFF0000  }
0x15: {  	[hbm4b:s5+s2] =	stream.linear.scatter [tilespmem:s8], [sflag:$0x2], $0x10000, $0x38;
	[tilespmem:$0x10200] =	vst v63  }
0x16: {  	s12 =	simm.s32 $0x40;
	_ =	swait.ge [sflag:s7], $0x10000  }
0x17: {  	s13 =	simm.s32 $0x80;
	s11 =	sadd.s32 $0x2000, s5;
	[sflag:s7] =	ssyncset.done $0x0  }
.LBB2_2:
0x18: {  	s14 =	sadd.s32 s12, s6  }
0x19: {  	[sflag:s7] =	ssyncadd.s32 $0xFFFF0000;
	s12 =	smov.u32 s13;
	s15 =	sadd.s32 $0x40, s13  }
0x1a: {  	[tilespmem:s2], [sflag:$0x2] =	stream.linear.gather [hbm4b:s14+s2], $0x200, $0x38;
	[tilespmem:$0x10200] =	vst v63  }
0x1b: {  	p0 =	sne.s32 s13, $0x1C0;
	_ =	swait.ge [sflag:s7], $0x200  }
0x1c: {  	[sflag:s7] =	ssyncset.done $0x0  }
0x1d: {  	[sflag:s7] =	ssyncadd.s32 $0xFFFFFE00  }
0x1e: {  	[tilespmem:s8], [sflag:$0x1] =	stream.indirect.gather [hbm4b:s3+s8], $0x80, s2, s8, $0xb8;
	[tilespmem:$0x10200] =	vst v63  }
0x1f: {  	_ =	swait.ge [sflag:s9], $0x10000  }
.Ltmp0:
0x20: {  	[sflag:s9] =	ssyncset.done $0x0;
	(pc) =	sbr.rel @p0 .LBB2_2-.Ltmp0, $4  }
0x21: {  	[sflag:s9] =	ssyncadd.s32 $0xFFFF0000  }
0x22: {  	[hbm4b:s11+s2] =	stream.linear.scatter [tilespmem:s8], [sflag:$0x2], $0x10000, $0x38;
	[tilespmem:$0x10200] =	vst v63  }
0x23: {  	_ =	swait.ge [sflag:s7], $0x10000  }
0x24: {  	s13 =	smov.u32 s15;
	s11 =	sadd.s32 $0x2000, s11;
	[sflag:s7] =	ssyncset.done $0x0  }
0x25: {  	s12 =	sadd.s32 s12, s6;
	[sflag:s7] =	ssyncadd.s32 $0xFFFF0000  }
0x26: {  	[tilespmem:s2], [sflag:$0x2] =	stream.linear.gather [hbm4b:s12+s2], $0x200, $0x38;
	[tilespmem:$0x10200] =	vst v63  }
0x27: {  	_ =	swait.ge [sflag:s7], $0x200  }
0x28: {  	[sflag:s7] =	ssyncset.done $0x0  }
0x29: {  	[sflag:s7] =	ssyncadd.s32 $0xFFFFFE00  }
0x2a: {  	[tilespmem:s8], [sflag:$0x1] =	stream.indirect.gather [hbm4b:s3+s8], $0x80, s2, s8, $0xb8;
	[tilespmem:$0x10200] =	vst v63  }
0x2b: {  	s10 =	sadd.s32 $0x1, s10;
	_ =	swait.ge [sflag:s9], $0x10000  }
0x2c: {  	p0 =	sne.s32 s10, s4;
	[sflag:s9] =	ssyncset.done $0x0  }
.Ltmp1:
0x2d: {  	[sflag:s9] =	ssyncadd.s32 $0xFFFF0000;
	(pc) =	sbr.rel @p0 .LBB2_1-.Ltmp1, $4  }
0x2e: {  	[hbm4b:s11+s2] =	stream.linear.scatter [tilespmem:s8], [sflag:$0x2], $0x10000, $0x38;
	[tilespmem:$0x10200] =	vst v63  }
0x2f: {  	_ =	swait.ge [sflag:s7], $0x10000  }
0x30: {  	[sflag:s7] =	ssyncset.done $0x0  }
0x31: {  	[sflag:s7] =	ssyncadd.s32 $0xFFFF0000  }
0x32: {  	_ =	sfence.sel $0x180000  }
0x33: {  	[bflag:$0x0] =	sbarrier.arrive $0xFFFF  }
0x34: {  	p0 =	sne.s32 s1, $0x0;
	_ =	strace $0x90000047  }
0x35: {  	s0 =	sadd.s32 @!p0 $0x100000, s0;
	[bflag:$0x2] =	sbarrier.arrive $0xFFFF  }
0x36: {  	[sflag:s0] =	ssyncadd.tile.s32 @!p0 $0x1;
	_ =	shalt  }
.Lfunc_end2:
_tile_overlayer_lowered:
.L_overlay_start_2:
0x37: {  	(tag) =	ssettag $0x2  }
0x38: {  	s0 =	rddreg [dreg:$0x0];
	s2 =	stileid.u32  }
0x39: {  	s1 =	rddreg [dreg:$0x1];
	p0 =	sne.s32 s2, $0x0  }
0x3a: {  	s3 =	rddreg [dreg:$0x2];
	[bflag:$0x3] =	sbarrier.arrive $0xFFFF;
	s2 =	simm.s32 @!p0 $0x1C02  }
0x3b: {  	[timem:s3], [sflag:s2] =	dma.local @!p0 [hbm:s0], s1  }
0x3c: {  	s0 =	simm.s32 @!p0 $0x2  }
0x3d: {  	_ =	swait.ge @!p0 [sflag:s0], s1  }
0x3e: {  	s1 =	ssub.s32 @!p0 $0x0, s1;
	[sflag:s0] =	ssyncset.done @!p0 $0x0  }
0x3f: {  	[sflag:s0] =	ssyncadd.s32 @!p0 s1  }
0x40: {  	[bflag:$0x3] =	sbarrier.arrive $0xFFFF  }
0x41: {  	_ =	shalt  }

</sc_bundles>
